<compile_context>
chip_gen: v7x
topology: tpu7x:2x2x1
jax: 0.10.2.dev20260603
libtpu: 0.0.44.dev20260713+nightly
codegen_flags: <defaults>
</compile_context>

<pallas_src>
import functools

import jax
import jax.numpy as jnp
import numpy as np
from jax import lax
from jax.experimental import pallas as pl
from jax.experimental.pallas import tpu as pltpu
from jax.experimental.pallas import tpu_sc as plsc

NC = 2
NS = 16
NW = NC * NS
LANES = 128
NBUF = 8


def _sc_mesh():
    return plsc.VectorSubcoreMesh(core_axis_name="c", subcore_axis_name="s")


_SC_PARAMS = pltpu.CompilerParams(use_tc_tiling_on_sc=False)


def _deg_sc(main_r, app_r, ones_hbm, zeros_hbm, n_pad, main_pw, app_pw):
    blk = n_pad // NS
    chunks_w = main_pw + app_pw

    @functools.partial(
        pl.kernel,
        out_type=jax.ShapeDtypeStruct((NC, n_pad), jnp.float32),
        mesh=_sc_mesh(),
        compiler_params=_SC_PARAMS,
        scratch_types=[
            pltpu.VMEM((chunks_w, LANES), jnp.int32),
            pltpu.VMEM((LANES,), jnp.float32),
            pltpu.VMEM((blk,), jnp.float32),
            pltpu.VMEM_SHARED((n_pad,), jnp.float32),
        ],
    )
    def deg_kernel(rm_hbm, ra_hbm, one_hbm, z_hbm, out_hbm, ridx, ones_v, tmp, acc):
        c = lax.axis_index("c")
        s = lax.axis_index("s")
        w = s * NC + c
        pltpu.sync_copy(z_hbm.at[pl.ds(s * blk, blk)], tmp)
        pltpu.sync_copy(tmp, acc.at[pl.ds(s * blk, blk)])
        pltpu.sync_copy(one_hbm, ones_v)
        pltpu.sync_copy(rm_hbm.at[pl.ds(w * main_pw, main_pw)],
                        ridx.at[pl.ds(0, main_pw)])
        pltpu.sync_copy(ra_hbm.at[pl.ds(w * app_pw, app_pw)],
                        ridx.at[pl.ds(main_pw, app_pw)])
        plsc.subcore_barrier()

        def body(j, carry):
            pltpu.sync_copy(ones_v, acc.at[ridx.at[j]], add=True)
            return carry

        lax.fori_loop(0, chunks_w, body, 0)
        plsc.subcore_barrier()
        pltpu.sync_copy(acc.at[pl.ds(s * blk, blk)], tmp)
        pltpu.sync_copy(tmp, out_hbm.at[c, pl.ds(s * blk, blk)])

    return deg_kernel(main_r, app_r, ones_hbm, zeros_hbm)


def _spmm_sc(h, main_r, app_r, main_c, app_c, zeros_hbm, n_pad, feat,
             main_pw, app_pw):
    blk = n_pad // NS
    chunks_w = main_pw + app_pw
    nbuf = NBUF
    assert chunks_w % nbuf == 0

    @functools.partial(
        pl.kernel,
        out_type=jax.ShapeDtypeStruct((NC, n_pad, feat), jnp.float32),
        mesh=_sc_mesh(),
        compiler_params=_SC_PARAMS,
        scratch_types=[
            pltpu.VMEM((chunks_w + nbuf, LANES), jnp.int32),
            pltpu.VMEM((chunks_w, LANES), jnp.int32),
            [pltpu.VMEM((LANES, feat), jnp.float32) for _ in range(nbuf)],
            pltpu.VMEM((blk, feat), jnp.float32),
            pltpu.VMEM_SHARED((n_pad, feat), jnp.float32),
            [pltpu.SemaphoreType.DMA for _ in range(nbuf)],
        ],
    )
    def spmm_kernel(h_hbm, rm_hbm, ra_hbm, cm_hbm, ca_hbm, z_hbm, out_hbm,
                    ridx, cidx, msgs, tmp, acc, gsems):
        c = lax.axis_index("c")
        s = lax.axis_index("s")
        w = s * NC + c
        pltpu.sync_copy(z_hbm.at[pl.ds(s * blk, blk)], tmp)
        pltpu.sync_copy(tmp, acc.at[pl.ds(s * blk, blk)])
        pltpu.sync_copy(rm_hbm.at[pl.ds(w * main_pw, main_pw)],
                        ridx.at[pl.ds(0, main_pw)])
        pltpu.sync_copy(ra_hbm.at[pl.ds(w * app_pw, app_pw)],
                        ridx.at[pl.ds(main_pw, app_pw)])
        pltpu.sync_copy(ra_hbm.at[pl.ds(0, nbuf)],
                        ridx.at[pl.ds(chunks_w, nbuf)])
        pltpu.sync_copy(cm_hbm.at[pl.ds(w * main_pw, main_pw)],
                        cidx.at[pl.ds(0, main_pw)])
        pltpu.sync_copy(ca_hbm.at[pl.ds(w * app_pw, app_pw)],
                        cidx.at[pl.ds(main_pw, app_pw)])
        plsc.subcore_barrier()

        for b in range(nbuf):
            pltpu.async_copy(h_hbm.at[ridx.at[b]], msgs[b], gsems[b])

        def body(t, carry):
            for b in range(nbuf):
                j = t * nbuf + b
                pltpu.make_async_copy(h_hbm.at[ridx.at[j]], msgs[b], gsems[b]).wait()
                pltpu.sync_copy(msgs[b], acc.at[cidx.at[j]], add=True)
                pltpu.async_copy(h_hbm.at[ridx.at[j + nbuf]], msgs[b], gsems[b])
            return carry

        lax.fori_loop(0, chunks_w // nbuf, body, 0)
        for b in range(nbuf):
            pltpu.make_async_copy(h_hbm.at[ridx.at[b]], msgs[b], gsems[b]).wait()
        plsc.subcore_barrier()
        pltpu.sync_copy(acc.at[pl.ds(s * blk, blk)], tmp)
        pltpu.sync_copy(tmp, out_hbm.at[c, pl.ds(s * blk, blk)])

    return spmm_kernel(h, main_r, app_r, main_c, app_c, zeros_hbm)


def _tc_layer1(deg0, deg1, xp, w1t, b1p, n_pad, f1):
    blkn = n_pad // 2
    d = xp.shape[1]

    def body(d0_ref, d1_ref, x_ref, w_ref, b_ref, h_ref, di_ref):
        di = lax.rsqrt(d0_ref[...] + d1_ref[...])
        h = jnp.dot(x_ref[...], w_ref[...], preferred_element_type=jnp.float32)
        h_ref[...] = (h + b_ref[...]) * di
        di_ref[...] = di

    return pl.pallas_call(
        body,
        grid=(pl.cdiv(n_pad, blkn),),
        in_specs=[
            pl.BlockSpec((blkn, 1), lambda i: (i, 0)),
            pl.BlockSpec((blkn, 1), lambda i: (i, 0)),
            pl.BlockSpec((blkn, d), lambda i: (i, 0)),
            pl.BlockSpec((d, f1), lambda i: (0, 0)),
            pl.BlockSpec((1, f1), lambda i: (0, 0)),
        ],
        out_specs=[
            pl.BlockSpec((blkn, f1), lambda i: (i, 0)),
            pl.BlockSpec((blkn, 1), lambda i: (i, 0)),
        ],
        out_shape=[
            jax.ShapeDtypeStruct((n_pad, f1), jnp.float32),
            jax.ShapeDtypeStruct((n_pad, 1), jnp.float32),
        ],
    )(deg0, deg1, xp, w1t, b1p)


def _tc_layer2(s1a, s1b, dinv, w2t, b2p, n_pad, f1, f2):
    blkn = n_pad // 2

    def body(a_ref, b_ref, di_ref, w_ref, bias_ref, out_ref):
        di = di_ref[...]
        h = jnp.maximum((a_ref[...] + b_ref[...]) * di, 0.0)
        out = jnp.dot(h, w_ref[...], preferred_element_type=jnp.float32)
        out_ref[...] = (out + bias_ref[...]) * di

    return pl.pallas_call(
        body,
        grid=(pl.cdiv(n_pad, blkn),),
        in_specs=[
            pl.BlockSpec((blkn, f1), lambda i: (i, 0)),
            pl.BlockSpec((blkn, f1), lambda i: (i, 0)),
            pl.BlockSpec((blkn, 1), lambda i: (i, 0)),
            pl.BlockSpec((f1, f2), lambda i: (0, 0)),
            pl.BlockSpec((1, f2), lambda i: (0, 0)),
        ],
        out_specs=pl.BlockSpec((blkn, f2), lambda i: (i, 0)),
        out_shape=jax.ShapeDtypeStruct((n_pad, f2), jnp.float32),
    )(s1a, s1b, dinv, w2t, b2p)


def _tc_logsoftmax(s2a, s2b, dinv, n, f2, ncls):
    blkn = 5056

    def body(a_ref, b_ref, di_ref, out_ref):
        z = ((a_ref[...] + b_ref[...]) * di_ref[...])[:, :ncls]
        m = jnp.max(z, axis=1, keepdims=True)
        e = jnp.exp(z - m)
        lse = jnp.log(jnp.sum(e, axis=1, keepdims=True)) + m
        out_ref[...] = z - lse

    return pl.pallas_call(
        body,
        grid=(pl.cdiv(n, blkn),),
        in_specs=[
            pl.BlockSpec((blkn, f2), lambda i: (i, 0)),
            pl.BlockSpec((blkn, f2), lambda i: (i, 0)),
            pl.BlockSpec((blkn, 1), lambda i: (i, 0)),
        ],
        out_specs=pl.BlockSpec((blkn, ncls), lambda i: (i, 0)),
        out_shape=jax.ShapeDtypeStruct((n, ncls), jnp.float32),
    )(s2a, s2b, dinv)


def kernel(x, edge_index, W1, b1, W2, b2):
    n, d = x.shape
    hid = W1.shape[0]
    ncls = W2.shape[0]
    e_tot = edge_index.shape[1] + n
    f1 = 16

    n_pad = -(-(n + 1) // LANES) * LANES
    e_main = edge_index.shape[1]

    main_pw = e_main // (LANES * NW)
    main_len = main_pw * LANES * NW
    leftover = e_main - main_len
    app_pw = -(-(leftover + n) // (LANES * NW))
    app_pw += (-(main_pw + app_pw)) % NBUF
    app_real = leftover + n
    app_len = app_pw * LANES * NW
    appendix_lit = jnp.asarray(
        np.concatenate([
            np.arange(n, dtype=np.int32),
            n + (np.arange(app_len - app_real, dtype=np.int32) % (n_pad - n)),
        ])
    )

    ei = edge_index.astype(jnp.int32)
    main_r = ei[0, :main_len].reshape(-1, LANES)
    main_c = ei[1, :main_len].reshape(-1, LANES)
    app_r = jnp.concatenate([ei[0, main_len:], appendix_lit]).reshape(-1, LANES)
    app_c = jnp.concatenate([ei[1, main_len:], appendix_lit]).reshape(-1, LANES)

    f2 = -(-ncls // 8) * 8
    ones_l = jnp.asarray(np.ones((LANES,), np.float32))
    z1 = jnp.asarray(np.zeros((n_pad,), np.float32))
    zf1 = jnp.asarray(np.zeros((n_pad, f1), np.float32))
    zf2 = jnp.asarray(np.zeros((n_pad, f2), np.float32))
    w1t = jnp.pad(W1.T, ((0, 0), (0, f1 - hid)))
    b1p = jnp.pad(b1, (0, f1 - hid)).reshape(1, f1)
    w2t = jnp.pad(W2.T, ((0, f1 - hid), (0, f2 - ncls)))
    b2p = jnp.pad(b2, (0, f2 - ncls)).reshape(1, f2)

    dega, degb = _deg_sc(main_r, app_r, ones_l, z1, n_pad, main_pw, app_pw)
    deg0 = dega.reshape(n_pad, 1)
    deg1 = degb.reshape(n_pad, 1)

    h1p, dinv = _tc_layer1(deg0, deg1, x, w1t, b1p, n_pad, f1)
    s1 = _spmm_sc(h1p, main_r, app_r, main_c, app_c, zf1, n_pad, f1,
                  main_pw, app_pw)
    h2p = _tc_layer2(s1[0], s1[1], dinv, w2t, b2p, n_pad, f1, f2)
    s2 = _spmm_sc(h2p, main_r, app_r, main_c, app_c, zf2, n_pad, f2,
                  main_pw, app_pw)
    return _tc_logsoftmax(s2[0], s2[1], dinv, n, f2, ncls)

# --- scband reference (transcript-rebuilt; emitter-appended) ---
"""Pipeline reference for scband-net-64433099375363 (READ-ONLY COPY).

The authoritative reference and input builder live on the scoring server;
editing this copy changes nothing except your own understanding.
"""

import jax, jax.numpy as jnp
import numpy as np

N_NODES = 10000
N_EDGES = 320000
D_FEAT = 128
HIDDEN = 8
N_CLASSES = 40


def setup_inputs(seed: int = 0) -> dict:
    key = jax.random.key(seed)
    k1, k2, k3, k4, k5, k6 = jax.random.split(key, 6)
    x = jax.random.normal(k1, (N_NODES, D_FEAT), dtype=jnp.float32)
    edge_index = jax.random.randint(k2, (2, N_EDGES), 0, N_NODES, dtype=jnp.int64)
    # Linear layers (PyTorch convention: W [out, in], y = x @ W.T + b)
    W1 = jax.random.normal(k3, (HIDDEN, D_FEAT), dtype=jnp.float32) * (1.0 / np.sqrt(D_FEAT))
    b1 = jax.random.normal(k4, (HIDDEN,), dtype=jnp.float32) * 0.01
    W2 = jax.random.normal(k5, (N_CLASSES, HIDDEN), dtype=jnp.float32) * (1.0 / np.sqrt(HIDDEN))
    b2 = jax.random.normal(k6, (N_CLASSES,), dtype=jnp.float32) * 0.01
    return {"x": x, "edge_index": edge_index, "W1": W1, "b1": b1, "W2": W2, "b2": b2}


def _gcn_conv(x, edge_index_sl, W, b):
    # edge_index_sl already has self-loops appended
    N = x.shape[0]
    h = x @ W.T + b
    row = edge_index_sl[0]
    col = edge_index_sl[1]
    deg = jnp.zeros((N,), dtype=h.dtype).at[row].add(1.0)
    deg_inv_sqrt = deg ** (-0.5)
    deg_inv_sqrt = jnp.where(jnp.isinf(deg_inv_sqrt), 0.0, deg_inv_sqrt)
    norm = deg_inv_sqrt[row] * deg_inv_sqrt[col]
    msg = norm[:, None] * h[row]  # x_j gather (source nodes)
    out = jnp.zeros((N, h.shape[1]), dtype=h.dtype).at[col].add(msg)  # aggr='add' at target
    return out


def reference(x, edge_index, W1, b1, W2, b2):
    N = x.shape[0]
    loops = jnp.arange(N, dtype=edge_index.dtype)
    ei = jnp.concatenate([edge_index, jnp.stack([loops, loops], axis=0)], axis=1)
    h = _gcn_conv(x, ei, W1, b1)
    h = jax.nn.relu(h)
    # dropout is identity in eval mode / deterministic reference
    out = _gcn_conv(h, ei, W2, b2)
    return jax.nn.log_softmax(out, axis=1)

if __name__ == "__main__":
    import jax
    _d = setup_inputs()
    print(jax.jit(kernel)(*tuple(_d.values())))

</pallas_src>

<mosaic_0001>
#map = affine_map<(d0, d1) -> (0, 0)>
#map1 = affine_map<(d0, d1) -> (0, 0, 0)>
module attributes {stable_mosaic.version = 14 : i64} {
  func.func @spmm_kernel(%arg0: i32, %arg1: i32, %arg2: memref<10112x40xf32, #tpu.memory_space<hbm>>, %arg3: memref<2496x128xi32, #tpu.memory_space<hbm>>, %arg4: memref<320x128xi32, #tpu.memory_space<hbm>>, %arg5: memref<2496x128xi32, #tpu.memory_space<hbm>>, %arg6: memref<320x128xi32, #tpu.memory_space<hbm>>, %arg7: memref<10112x40xf32, #tpu.memory_space<hbm>>, %arg8: memref<2x10112x40xf32, #tpu.memory_space<hbm>>, %arg9: memref<96x128xi32, #tpu.memory_space<vmem>>, %arg10: memref<88x128xi32, #tpu.memory_space<vmem>>, %arg11: memref<128x40xf32, #tpu.memory_space<vmem>>, %arg12: memref<128x40xf32, #tpu.memory_space<vmem>>, %arg13: memref<128x40xf32, #tpu.memory_space<vmem>>, %arg14: memref<128x40xf32, #tpu.memory_space<vmem>>, %arg15: memref<128x40xf32, #tpu.memory_space<vmem>>, %arg16: memref<128x40xf32, #tpu.memory_space<vmem>>, %arg17: memref<128x40xf32, #tpu.memory_space<vmem>>, %arg18: memref<128x40xf32, #tpu.memory_space<vmem>>, %arg19: memref<632x40xf32, #tpu.memory_space<vmem>>, %arg20: memref<10112x40xf32, #tpu.memory_space<vmem_shared>>, %arg21: memref<!tpu.dma_semaphore, #tpu.memory_space<semaphore_mem>>, %arg22: memref<!tpu.dma_semaphore, #tpu.memory_space<semaphore_mem>>, %arg23: memref<!tpu.dma_semaphore, #tpu.memory_space<semaphore_mem>>, %arg24: memref<!tpu.dma_semaphore, #tpu.memory_space<semaphore_mem>>, %arg25: memref<!tpu.dma_semaphore, #tpu.memory_space<semaphore_mem>>, %arg26: memref<!tpu.dma_semaphore, #tpu.memory_space<semaphore_mem>>, %arg27: memref<!tpu.dma_semaphore, #tpu.memory_space<semaphore_mem>>, %arg28: memref<!tpu.dma_semaphore, #tpu.memory_space<semaphore_mem>>) attributes {dimension_semantics = [#tpu.dimension_semantics<core_parallel>, #tpu.dimension_semantics<subcore_parallel>], iteration_bounds = array<i64: 2, 16>, scalar_prefetch = 0 : i64, scratch_operands = 20 : i64, tpu.core_type = #tpu.core_type<sc_vector_subcore>, window_params = [{transform_indices = #map}, {transform_indices = #map}, {transform_indices = #map}, {transform_indices = #map}, {transform_indices = #map}, {transform_indices = #map}, {transform_indices = #map1}]} {
    %mul3A = arith.constant 2 : i32
    %mul3A_0 = arith.muli %arg1, %mul3A : i32
    %add3A = arith.addi %mul3A_0, %arg0 : i32
    %mul3A_1 = arith.constant 632 : i32
    %mul3A_2 = arith.muli %arg1, %mul3A_1 : i32
    "tpu.region"() ({
      %run_scoped3A = tpu.sem_alloc : memref<!tpu.dma_semaphore, #tpu.memory_space<semaphore_mem>>
      %dma_start3A_133 = arith.constant 0 : i32
      %dma_start3A_134 = tpu.memref_slice %arg7[%mul3A_2, %dma_start3A_133] : memref<10112x40xf32, #tpu.memory_space<hbm>> -> memref<632x40xf32, #tpu.memory_space<hbm>>
      %dma_start3A_135 = arith.constant 0 : i32
      %dma_start3A_136 = tpu.memref_slice %arg7[%mul3A_2, %dma_start3A_135] : memref<10112x40xf32, #tpu.memory_space<hbm>> -> memref<632x40xf32, #tpu.memory_space<hbm>>
      tpu.enqueue_dma source(%dma_start3A_136 : memref<632x40xf32, #tpu.memory_space<hbm>>) target(%arg19 : memref<632x40xf32, #tpu.memory_space<vmem>>) target_semaphore(%run_scoped3A : memref<!tpu.dma_semaphore, #tpu.memory_space<semaphore_mem>>)
      %dma_wait3A_137 = arith.constant 0 : i32
      %dma_wait3A_138 = tpu.memref_slice %arg7[%mul3A_2, %dma_wait3A_137] : memref<10112x40xf32, #tpu.memory_space<hbm>> -> memref<632x40xf32, #tpu.memory_space<hbm>>
      %dma_wait3A_139 = arith.constant 0 : i32
      %dma_wait3A_140 = tpu.memref_slice %arg7[%mul3A_2, %dma_wait3A_139] : memref<10112x40xf32, #tpu.memory_space<hbm>> -> memref<632x40xf32, #tpu.memory_space<hbm>>
      tpu.wait_dma2 semaphore(%run_scoped3A : memref<!tpu.dma_semaphore, #tpu.memory_space<semaphore_mem>>) src(%dma_wait3A_140 : memref<632x40xf32, #tpu.memory_space<hbm>>) dst(%arg19 : memref<632x40xf32, #tpu.memory_space<vmem>>)
      tpu.yield
    }) : () -> ()
    %mul3A_3 = arith.constant 632 : i32
    %mul3A_4 = arith.muli %arg1, %mul3A_3 : i32
    "tpu.region"() ({
      %run_scoped3A = tpu.sem_alloc : memref<!tpu.dma_semaphore, #tpu.memory_space<semaphore_mem>>
      %dma_start3A_133 = arith.constant 0 : i32
      %dma_start3A_134 = tpu.memref_slice %arg20[%mul3A_4, %dma_start3A_133] : memref<10112x40xf32, #tpu.memory_space<vmem_shared>> -> memref<632x40xf32, #tpu.memory_space<vmem_shared>>
      %dma_start3A_135 = arith.constant 0 : i32
      %dma_start3A_136 = tpu.memref_slice %arg20[%mul3A_4, %dma_start3A_135] : memref<10112x40xf32, #tpu.memory_space<vmem_shared>> -> memref<632x40xf32, #tpu.memory_space<vmem_shared>>
      tpu.enqueue_dma source(%arg19 : memref<632x40xf32, #tpu.memory_space<vmem>>) target(%dma_start3A_136 : memref<632x40xf32, #tpu.memory_space<vmem_shared>>) target_semaphore(%run_scoped3A : memref<!tpu.dma_semaphore, #tpu.memory_space<semaphore_mem>>)
      %dma_wait3A_137 = arith.constant 0 : i32
      %dma_wait3A_138 = tpu.memref_slice %arg20[%mul3A_4, %dma_wait3A_137] : memref<10112x40xf32, #tpu.memory_space<vmem_shared>> -> memref<632x40xf32, #tpu.memory_space<vmem_shared>>
      %dma_wait3A_139 = arith.constant 0 : i32
      %dma_wait3A_140 = tpu.memref_slice %arg20[%mul3A_4, %dma_wait3A_139] : memref<10112x40xf32, #tpu.memory_space<vmem_shared>> -> memref<632x40xf32, #tpu.memory_space<vmem_shared>>
      tpu.wait_dma2 semaphore(%run_scoped3A : memref<!tpu.dma_semaphore, #tpu.memory_space<semaphore_mem>>) src(%arg19 : memref<632x40xf32, #tpu.memory_space<vmem>>) dst(%dma_wait3A_140 : memref<632x40xf32, #tpu.memory_space<vmem_shared>>)
      tpu.yield
    }) : () -> ()
    %mul3A_5 = arith.constant 78 : i32
    %mul3A_6 = arith.muli %add3A, %mul3A_5 : i32
    "tpu.region"() ({
      %run_scoped3A = tpu.sem_alloc : memref<!tpu.dma_semaphore, #tpu.memory_space<semaphore_mem>>
      %dma_start3A_133 = arith.constant 0 : i32
      %dma_start3A_134 = arith.constant 0 : i32
      %dma_start3A_135 = tpu.memref_slice %arg9[%dma_start3A_133, %dma_start3A_134] : memref<96x128xi32, #tpu.memory_space<vmem>> -> memref<78x128xi32, #tpu.memory_space<vmem>>
      %dma_start3A_136 = arith.constant 0 : i32
      %dma_start3A_137 = tpu.memref_slice %arg3[%mul3A_6, %dma_start3A_136] : memref<2496x128xi32, #tpu.memory_space<hbm>> -> memref<78x128xi32, #tpu.memory_space<hbm>>
      %dma_start3A_138 = arith.constant 0 : i32
      %dma_start3A_139 = arith.constant 0 : i32
      %dma_start3A_140 = tpu.memref_slice %arg9[%dma_start3A_138, %dma_start3A_139] : memref<96x128xi32, #tpu.memory_space<vmem>> -> memref<78x128xi32, #tpu.memory_space<vmem>>
      %dma_start3A_141 = arith.constant 0 : i32
      %dma_start3A_142 = tpu.memref_slice %arg3[%mul3A_6, %dma_start3A_141] : memref<2496x128xi32, #tpu.memory_space<hbm>> -> memref<78x128xi32, #tpu.memory_space<hbm>>
      tpu.enqueue_dma source(%dma_start3A_142 : memref<78x128xi32, #tpu.memory_space<hbm>>) target(%dma_start3A_140 : memref<78x128xi32, #tpu.memory_space<vmem>>) target_semaphore(%run_scoped3A : memref<!tpu.dma_semaphore, #tpu.memory_space<semaphore_mem>>)
      %dma_wait3A_143 = arith.constant 0 : i32
      %dma_wait3A_144 = arith.constant 0 : i32
      %dma_wait3A_145 = tpu.memref_slice %arg9[%dma_wait3A_143, %dma_wait3A_144] : memref<96x128xi32, #tpu.memory_space<vmem>> -> memref<78x128xi32, #tpu.memory_space<vmem>>
      %dma_wait3A_146 = arith.constant 0 : i32
      %dma_wait3A_147 = tpu.memref_slice %arg3[%mul3A_6, %dma_wait3A_146] : memref<2496x128xi32, #tpu.memory_space<hbm>> -> memref<78x128xi32, #tpu.memory_space<hbm>>
      %dma_wait3A_148 = arith.constant 0 : i32
      %dma_wait3A_149 = arith.constant 0 : i32
      %dma_wait3A_150 = tpu.memref_slice %arg9[%dma_wait3A_148, %dma_wait3A_149] : memref<96x128xi32, #tpu.memory_space<vmem>> -> memref<78x128xi32, #tpu.memory_space<vmem>>
      %dma_wait3A_151 = arith.constant 0 : i32
      %dma_wait3A_152 = tpu.memref_slice %arg3[%mul3A_6, %dma_wait3A_151] : memref<2496x128xi32, #tpu.memory_space<hbm>> -> memref<78x128xi32, #tpu.memory_space<hbm>>
      tpu.wait_dma2 semaphore(%run_scoped3A : memref<!tpu.dma_semaphore, #tpu.memory_space<semaphore_mem>>) src(%dma_wait3A_152 : memref<78x128xi32, #tpu.memory_space<hbm>>) dst(%dma_wait3A_150 : memref<78x128xi32, #tpu.memory_space<vmem>>)
      tpu.yield
    }) : () -> ()
    %mul3A_7 = arith.constant 10 : i32
    %mul3A_8 = arith.muli %add3A, %mul3A_7 : i32
    "tpu.region"() ({
      %run_scoped3A = tpu.sem_alloc : memref<!tpu.dma_semaphore, #tpu.memory_space<semaphore_mem>>
      %dma_start3A_133 = arith.constant 78 : i32
      %dma_start3A_134 = arith.constant 0 : i32
      %dma_start3A_135 = tpu.memref_slice %arg9[%dma_start3A_133, %dma_start3A_134] : memref<96x128xi32, #tpu.memory_space<vmem>> -> memref<10x128xi32, #tpu.memory_space<vmem>>
      %dma_start3A_136 = arith.constant 0 : i32
      %dma_start3A_137 = tpu.memref_slice %arg4[%mul3A_8, %dma_start3A_136] : memref<320x128xi32, #tpu.memory_space<hbm>> -> memref<10x128xi32, #tpu.memory_space<hbm>>
      %dma_start3A_138 = arith.constant 78 : i32
      %dma_start3A_139 = arith.constant 0 : i32
      %dma_start3A_140 = tpu.memref_slice %arg9[%dma_start3A_138, %dma_start3A_139] : memref<96x128xi32, #tpu.memory_space<vmem>> -> memref<10x128xi32, #tpu.memory_space<vmem>>
      %dma_start3A_141 = arith.constant 0 : i32
      %dma_start3A_142 = tpu.memref_slice %arg4[%mul3A_8, %dma_start3A_141] : memref<320x128xi32, #tpu.memory_space<hbm>> -> memref<10x128xi32, #tpu.memory_space<hbm>>
      tpu.enqueue_dma source(%dma_start3A_142 : memref<10x128xi32, #tpu.memory_space<hbm>>) target(%dma_start3A_140 : memref<10x128xi32, #tpu.memory_space<vmem>>) target_semaphore(%run_scoped3A : memref<!tpu.dma_semaphore, #tpu.memory_space<semaphore_mem>>)
      %dma_wait3A_143 = arith.constant 78 : i32
      %dma_wait3A_144 = arith.constant 0 : i32
      %dma_wait3A_145 = tpu.memref_slice %arg9[%dma_wait3A_143, %dma_wait3A_144] : memref<96x128xi32, #tpu.memory_space<vmem>> -> memref<10x128xi32, #tpu.memory_space<vmem>>
      %dma_wait3A_146 = arith.constant 0 : i32
      %dma_wait3A_147 = tpu.memref_slice %arg4[%mul3A_8, %dma_wait3A_146] : memref<320x128xi32, #tpu.memory_space<hbm>> -> memref<10x128xi32, #tpu.memory_space<hbm>>
      %dma_wait3A_148 = arith.constant 78 : i32
      %dma_wait3A_149 = arith.constant 0 : i32
      %dma_wait3A_150 = tpu.memref_slice %arg9[%dma_wait3A_148, %dma_wait3A_149] : memref<96x128xi32, #tpu.memory_space<vmem>> -> memref<10x128xi32, #tpu.memory_space<vmem>>
      %dma_wait3A_151 = arith.constant 0 : i32
      %dma_wait3A_152 = tpu.memref_slice %arg4[%mul3A_8, %dma_wait3A_151] : memref<320x128xi32, #tpu.memory_space<hbm>> -> memref<10x128xi32, #tpu.memory_space<hbm>>
      tpu.wait_dma2 semaphore(%run_scoped3A : memref<!tpu.dma_semaphore, #tpu.memory_space<semaphore_mem>>) src(%dma_wait3A_152 : memref<10x128xi32, #tpu.memory_space<hbm>>) dst(%dma_wait3A_150 : memref<10x128xi32, #tpu.memory_space<vmem>>)
      tpu.yield
    }) : () -> ()
    "tpu.region"() ({
      %run_scoped3A = tpu.sem_alloc : memref<!tpu.dma_semaphore, #tpu.memory_space<semaphore_mem>>
      %dma_start3A_133 = arith.constant 88 : i32
      %dma_start3A_134 = arith.constant 0 : i32
      %dma_start3A_135 = tpu.memref_slice %arg9[%dma_start3A_133, %dma_start3A_134] : memref<96x128xi32, #tpu.memory_space<vmem>> -> memref<8x128xi32, #tpu.memory_space<vmem>>
      %dma_start3A_136 = arith.constant 0 : i32
      %dma_start3A_137 = arith.constant 0 : i32
      %dma_start3A_138 = tpu.memref_slice %arg4[%dma_start3A_136, %dma_start3A_137] : memref<320x128xi32, #tpu.memory_space<hbm>> -> memref<8x128xi32, #tpu.memory_space<hbm>>
      %dma_start3A_139 = arith.constant 88 : i32
      %dma_start3A_140 = arith.constant 0 : i32
      %dma_start3A_141 = tpu.memref_slice %arg9[%dma_start3A_139, %dma_start3A_140] : memref<96x128xi32, #tpu.memory_space<vmem>> -> memref<8x128xi32, #tpu.memory_space<vmem>>
      %dma_start3A_142 = arith.constant 0 : i32
      %dma_start3A_143 = arith.constant 0 : i32
      %dma_start3A_144 = tpu.memref_slice %arg4[%dma_start3A_142, %dma_start3A_143] : memref<320x128xi32, #tpu.memory_space<hbm>> -> memref<8x128xi32, #tpu.memory_space<hbm>>
      tpu.enqueue_dma source(%dma_start3A_144 : memref<8x128xi32, #tpu.memory_space<hbm>>) target(%dma_start3A_141 : memref<8x128xi32, #tpu.memory_space<vmem>>) target_semaphore(%run_scoped3A : memref<!tpu.dma_semaphore, #tpu.memory_space<semaphore_mem>>)
      %dma_wait3A_145 = arith.constant 88 : i32
      %dma_wait3A_146 = arith.constant 0 : i32
      %dma_wait3A_147 = tpu.memref_slice %arg9[%dma_wait3A_145, %dma_wait3A_146] : memref<96x128xi32, #tpu.memory_space<vmem>> -> memref<8x128xi32, #tpu.memory_space<vmem>>
      %dma_wait3A_148 = arith.constant 0 : i32
      %dma_wait3A_149 = arith.constant 0 : i32
      %dma_wait3A_150 = tpu.memref_slice %arg4[%dma_wait3A_148, %dma_wait3A_149] : memref<320x128xi32, #tpu.memory_space<hbm>> -> memref<8x128xi32, #tpu.memory_space<hbm>>
      %dma_wait3A_151 = arith.constant 88 : i32
      %dma_wait3A_152 = arith.constant 0 : i32
      %dma_wait3A_153 = tpu.memref_slice %arg9[%dma_wait3A_151, %dma_wait3A_152] : memref<96x128xi32, #tpu.memory_space<vmem>> -> memref<8x128xi32, #tpu.memory_space<vmem>>
      %dma_wait3A_154 = arith.constant 0 : i32
      %dma_wait3A_155 = arith.constant 0 : i32
      %dma_wait3A_156 = tpu.memref_slice %arg4[%dma_wait3A_154, %dma_wait3A_155] : memref<320x128xi32, #tpu.memory_space<hbm>> -> memref<8x128xi32, #tpu.memory_space<hbm>>
      tpu.wait_dma2 semaphore(%run_scoped3A : memref<!tpu.dma_semaphore, #tpu.memory_space<semaphore_mem>>) src(%dma_wait3A_156 : memref<8x128xi32, #tpu.memory_space<hbm>>) dst(%dma_wait3A_153 : memref<8x128xi32, #tpu.memory_space<vmem>>)
      tpu.yield
    }) : () -> ()
    %mul3A_9 = arith.constant 78 : i32
    %mul3A_10 = arith.muli %add3A, %mul3A_9 : i32
    "tpu.region"() ({
      %run_scoped3A = tpu.sem_alloc : memref<!tpu.dma_semaphore, #tpu.memory_space<semaphore_mem>>
      %dma_start3A_133 = arith.constant 0 : i32
      %dma_start3A_134 = arith.constant 0 : i32
      %dma_start3A_135 = tpu.memref_slice %arg10[%dma_start3A_133, %dma_start3A_134] : memref<88x128xi32, #tpu.memory_space<vmem>> -> memref<78x128xi32, #tpu.memory_space<vmem>>
      %dma_start3A_136 = arith.constant 0 : i32
      %dma_start3A_137 = tpu.memref_slice %arg5[%mul3A_10, %dma_start3A_136] : memref<2496x128xi32, #tpu.memory_space<hbm>> -> memref<78x128xi32, #tpu.memory_space<hbm>>
      %dma_start3A_138 = arith.constant 0 : i32
      %dma_start3A_139 = arith.constant 0 : i32
      %dma_start3A_140 = tpu.memref_slice %arg10[%dma_start3A_138, %dma_start3A_139] : memref<88x128xi32, #tpu.memory_space<vmem>> -> memref<78x128xi32, #tpu.memory_space<vmem>>
      %dma_start3A_141 = arith.constant 0 : i32
      %dma_start3A_142 = tpu.memref_slice %arg5[%mul3A_10, %dma_start3A_141] : memref<2496x128xi32, #tpu.memory_space<hbm>> -> memref<78x128xi32, #tpu.memory_space<hbm>>
      tpu.enqueue_dma source(%dma_start3A_142 : memref<78x128xi32, #tpu.memory_space<hbm>>) target(%dma_start3A_140 : memref<78x128xi32, #tpu.memory_space<vmem>>) target_semaphore(%run_scoped3A : memref<!tpu.dma_semaphore, #tpu.memory_space<semaphore_mem>>)
      %dma_wait3A_143 = arith.constant 0 : i32
      %dma_wait3A_144 = arith.constant 0 : i32
      %dma_wait3A_145 = tpu.memref_slice %arg10[%dma_wait3A_143, %dma_wait3A_144] : memref<88x128xi32, #tpu.memory_space<vmem>> -> memref<78x128xi32, #tpu.memory_space<vmem>>
      %dma_wait3A_146 = arith.constant 0 : i32
      %dma_wait3A_147 = tpu.memref_slice %arg5[%mul3A_10, %dma_wait3A_146] : memref<2496x128xi32, #tpu.memory_space<hbm>> -> memref<78x128xi32, #tpu.memory_space<hbm>>
      %dma_wait3A_148 = arith.constant 0 : i32
      %dma_wait3A_149 = arith.constant 0 : i32
      %dma_wait3A_150 = tpu.memref_slice %arg10[%dma_wait3A_148, %dma_wait3A_149] : memref<88x128xi32, #tpu.memory_space<vmem>> -> memref<78x128xi32, #tpu.memory_space<vmem>>
      %dma_wait3A_151 = arith.constant 0 : i32
      %dma_wait3A_152 = tpu.memref_slice %arg5[%mul3A_10, %dma_wait3A_151] : memref<2496x128xi32, #tpu.memory_space<hbm>> -> memref<78x128xi32, #tpu.memory_space<hbm>>
      tpu.wait_dma2 semaphore(%run_scoped3A : memref<!tpu.dma_semaphore, #tpu.memory_space<semaphore_mem>>) src(%dma_wait3A_152 : memref<78x128xi32, #tpu.memory_space<hbm>>) dst(%dma_wait3A_150 : memref<78x128xi32, #tpu.memory_space<vmem>>)
      tpu.yield
    }) : () -> ()
    %mul3A_11 = arith.constant 10 : i32
    %mul3A_12 = arith.muli %add3A, %mul3A_11 : i32
    "tpu.region"() ({
      %run_scoped3A = tpu.sem_alloc : memref<!tpu.dma_semaphore, #tpu.memory_space<semaphore_mem>>
      %dma_start3A_133 = arith.constant 78 : i32
      %dma_start3A_134 = arith.constant 0 : i32
      %dma_start3A_135 = tpu.memref_slice %arg10[%dma_start3A_133, %dma_start3A_134] : memref<88x128xi32, #tpu.memory_space<vmem>> -> memref<10x128xi32, #tpu.memory_space<vmem>>
      %dma_start3A_136 = arith.constant 0 : i32
      %dma_start3A_137 = tpu.memref_slice %arg6[%mul3A_12, %dma_start3A_136] : memref<320x128xi32, #tpu.memory_space<hbm>> -> memref<10x128xi32, #tpu.memory_space<hbm>>
      %dma_start3A_138 = arith.constant 78 : i32
      %dma_start3A_139 = arith.constant 0 : i32
      %dma_start3A_140 = tpu.memref_slice %arg10[%dma_start3A_138, %dma_start3A_139] : memref<88x128xi32, #tpu.memory_space<vmem>> -> memref<10x128xi32, #tpu.memory_space<vmem>>
      %dma_start3A_141 = arith.constant 0 : i32
      %dma_start3A_142 = tpu.memref_slice %arg6[%mul3A_12, %dma_start3A_141] : memref<320x128xi32, #tpu.memory_space<hbm>> -> memref<10x128xi32, #tpu.memory_space<hbm>>
      tpu.enqueue_dma source(%dma_start3A_142 : memref<10x128xi32, #tpu.memory_space<hbm>>) target(%dma_start3A_140 : memref<10x128xi32, #tpu.memory_space<vmem>>) target_semaphore(%run_scoped3A : memref<!tpu.dma_semaphore, #tpu.memory_space<semaphore_mem>>)
      %dma_wait3A_143 = arith.constant 78 : i32
      %dma_wait3A_144 = arith.constant 0 : i32
      %dma_wait3A_145 = tpu.memref_slice %arg10[%dma_wait3A_143, %dma_wait3A_144] : memref<88x128xi32, #tpu.memory_space<vmem>> -> memref<10x128xi32, #tpu.memory_space<vmem>>
      %dma_wait3A_146 = arith.constant 0 : i32
      %dma_wait3A_147 = tpu.memref_slice %arg6[%mul3A_12, %dma_wait3A_146] : memref<320x128xi32, #tpu.memory_space<hbm>> -> memref<10x128xi32, #tpu.memory_space<hbm>>
      %dma_wait3A_148 = arith.constant 78 : i32
      %dma_wait3A_149 = arith.constant 0 : i32
      %dma_wait3A_150 = tpu.memref_slice %arg10[%dma_wait3A_148, %dma_wait3A_149] : memref<88x128xi32, #tpu.memory_space<vmem>> -> memref<10x128xi32, #tpu.memory_space<vmem>>
      %dma_wait3A_151 = arith.constant 0 : i32
      %dma_wait3A_152 = tpu.memref_slice %arg6[%mul3A_12, %dma_wait3A_151] : memref<320x128xi32, #tpu.memory_space<hbm>> -> memref<10x128xi32, #tpu.memory_space<hbm>>
      tpu.wait_dma2 semaphore(%run_scoped3A : memref<!tpu.dma_semaphore, #tpu.memory_space<semaphore_mem>>) src(%dma_wait3A_152 : memref<10x128xi32, #tpu.memory_space<hbm>>) dst(%dma_wait3A_150 : memref<10x128xi32, #tpu.memory_space<vmem>>)
      tpu.yield
    }) : () -> ()
    %barrier3A = arith.constant 0 : index
    tpu.barrier barrier_id(%barrier3A)
    %dma_start3A = arith.constant 0 : i32
    %dma_start3A_13 = arith.constant 0 : i32
    %dma_start3A_14 = tpu.memref_slice %arg9[%dma_start3A, %dma_start3A_13] : memref<96x128xi32, #tpu.memory_space<vmem>> -> memref<1x128xi32, #tpu.memory_space<vmem>>
    %dma_start3A_15 = tpu.memref_squeeze %dma_start3A_14 : memref<1x128xi32, #tpu.memory_space<vmem>> -> memref<128xi32, #tpu.memory_space<vmem>>
    %dma_start3A_16 = arith.constant 0 : i32
    %dma_start3A_17 = arith.constant 0 : i32
    %dma_start3A_18 = tpu.memref_slice %arg2[%dma_start3A_16, %dma_start3A_17] : memref<10112x40xf32, #tpu.memory_space<hbm>> -> memref<10112x40xf32, #tpu.memory_space<hbm>>
    tpu.enqueue_indirect_dma source(%dma_start3A_18 : memref<10112x40xf32, #tpu.memory_space<hbm>>) target(%arg11 : memref<128x40xf32, #tpu.memory_space<vmem>>) offsets(%dma_start3A_15 : memref<128xi32, #tpu.memory_space<vmem>>) semaphore(%arg21 : memref<!tpu.dma_semaphore, #tpu.memory_space<semaphore_mem>>)
    %dma_start3A_19 = arith.constant 1 : i32
    %dma_start3A_20 = arith.constant 0 : i32
    %dma_start3A_21 = tpu.memref_slice %arg9[%dma_start3A_19, %dma_start3A_20] : memref<96x128xi32, #tpu.memory_space<vmem>> -> memref<1x128xi32, #tpu.memory_space<vmem>>
    %dma_start3A_22 = tpu.memref_squeeze %dma_start3A_21 : memref<1x128xi32, #tpu.memory_space<vmem>> -> memref<128xi32, #tpu.memory_space<vmem>>
    %dma_start3A_23 = arith.constant 0 : i32
    %dma_start3A_24 = arith.constant 0 : i32
    %dma_start3A_25 = tpu.memref_slice %arg2[%dma_start3A_23, %dma_start3A_24] : memref<10112x40xf32, #tpu.memory_space<hbm>> -> memref<10112x40xf32, #tpu.memory_space<hbm>>
    tpu.enqueue_indirect_dma source(%dma_start3A_25 : memref<10112x40xf32, #tpu.memory_space<hbm>>) target(%arg12 : memref<128x40xf32, #tpu.memory_space<vmem>>) offsets(%dma_start3A_22 : memref<128xi32, #tpu.memory_space<vmem>>) semaphore(%arg22 : memref<!tpu.dma_semaphore, #tpu.memory_space<semaphore_mem>>)
    %dma_start3A_26 = arith.constant 2 : i32
    %dma_start3A_27 = arith.constant 0 : i32
    %dma_start3A_28 = tpu.memref_slice %arg9[%dma_start3A_26, %dma_start3A_27] : memref<96x128xi32, #tpu.memory_space<vmem>> -> memref<1x128xi32, #tpu.memory_space<vmem>>
    %dma_start3A_29 = tpu.memref_squeeze %dma_start3A_28 : memref<1x128xi32, #tpu.memory_space<vmem>> -> memref<128xi32, #tpu.memory_space<vmem>>
    %dma_start3A_30 = arith.constant 0 : i32
    %dma_start3A_31 = arith.constant 0 : i32
    %dma_start3A_32 = tpu.memref_slice %arg2[%dma_start3A_30, %dma_start3A_31] : memref<10112x40xf32, #tpu.memory_space<hbm>> -> memref<10112x40xf32, #tpu.memory_space<hbm>>
    tpu.enqueue_indirect_dma source(%dma_start3A_32 : memref<10112x40xf32, #tpu.memory_space<hbm>>) target(%arg13 : memref<128x40xf32, #tpu.memory_space<vmem>>) offsets(%dma_start3A_29 : memref<128xi32, #tpu.memory_space<vmem>>) semaphore(%arg23 : memref<!tpu.dma_semaphore, #tpu.memory_space<semaphore_mem>>)
    %dma_start3A_33 = arith.constant 3 : i32
    %dma_start3A_34 = arith.constant 0 : i32
    %dma_start3A_35 = tpu.memref_slice %arg9[%dma_start3A_33, %dma_start3A_34] : memref<96x128xi32, #tpu.memory_space<vmem>> -> memref<1x128xi32, #tpu.memory_space<vmem>>
    %dma_start3A_36 = tpu.memref_squeeze %dma_start3A_35 : memref<1x128xi32, #tpu.memory_space<vmem>> -> memref<128xi32, #tpu.memory_space<vmem>>
    %dma_start3A_37 = arith.constant 0 : i32
    %dma_start3A_38 = arith.constant 0 : i32
    %dma_start3A_39 = tpu.memref_slice %arg2[%dma_start3A_37, %dma_start3A_38] : memref<10112x40xf32, #tpu.memory_space<hbm>> -> memref<10112x40xf32, #tpu.memory_space<hbm>>
    tpu.enqueue_indirect_dma source(%dma_start3A_39 : memref<10112x40xf32, #tpu.memory_space<hbm>>) target(%arg14 : memref<128x40xf32, #tpu.memory_space<vmem>>) offsets(%dma_start3A_36 : memref<128xi32, #tpu.memory_space<vmem>>) semaphore(%arg24 : memref<!tpu.dma_semaphore, #tpu.memory_space<semaphore_mem>>)
    %dma_start3A_40 = arith.constant 4 : i32
    %dma_start3A_41 = arith.constant 0 : i32
    %dma_start3A_42 = tpu.memref_slice %arg9[%dma_start3A_40, %dma_start3A_41] : memref<96x128xi32, #tpu.memory_space<vmem>> -> memref<1x128xi32, #tpu.memory_space<vmem>>
    %dma_start3A_43 = tpu.memref_squeeze %dma_start3A_42 : memref<1x128xi32, #tpu.memory_space<vmem>> -> memref<128xi32, #tpu.memory_space<vmem>>
    %dma_start3A_44 = arith.constant 0 : i32
    %dma_start3A_45 = arith.constant 0 : i32
    %dma_start3A_46 = tpu.memref_slice %arg2[%dma_start3A_44, %dma_start3A_45] : memref<10112x40xf32, #tpu.memory_space<hbm>> -> memref<10112x40xf32, #tpu.memory_space<hbm>>
    tpu.enqueue_indirect_dma source(%dma_start3A_46 : memref<10112x40xf32, #tpu.memory_space<hbm>>) target(%arg15 : memref<128x40xf32, #tpu.memory_space<vmem>>) offsets(%dma_start3A_43 : memref<128xi32, #tpu.memory_space<vmem>>) semaphore(%arg25 : memref<!tpu.dma_semaphore, #tpu.memory_space<semaphore_mem>>)
    %dma_start3A_47 = arith.constant 5 : i32
    %dma_start3A_48 = arith.constant 0 : i32
    %dma_start3A_49 = tpu.memref_slice %arg9[%dma_start3A_47, %dma_start3A_48] : memref<96x128xi32, #tpu.memory_space<vmem>> -> memref<1x128xi32, #tpu.memory_space<vmem>>
    %dma_start3A_50 = tpu.memref_squeeze %dma_start3A_49 : memref<1x128xi32, #tpu.memory_space<vmem>> -> memref<128xi32, #tpu.memory_space<vmem>>
    %dma_start3A_51 = arith.constant 0 : i32
    %dma_start3A_52 = arith.constant 0 : i32
    %dma_start3A_53 = tpu.memref_slice %arg2[%dma_start3A_51, %dma_start3A_52] : memref<10112x40xf32, #tpu.memory_space<hbm>> -> memref<10112x40xf32, #tpu.memory_space<hbm>>
    tpu.enqueue_indirect_dma source(%dma_start3A_53 : memref<10112x40xf32, #tpu.memory_space<hbm>>) target(%arg16 : memref<128x40xf32, #tpu.memory_space<vmem>>) offsets(%dma_start3A_50 : memref<128xi32, #tpu.memory_space<vmem>>) semaphore(%arg26 : memref<!tpu.dma_semaphore, #tpu.memory_space<semaphore_mem>>)
    %dma_start3A_54 = arith.constant 6 : i32
    %dma_start3A_55 = arith.constant 0 : i32
    %dma_start3A_56 = tpu.memref_slice %arg9[%dma_start3A_54, %dma_start3A_55] : memref<96x128xi32, #tpu.memory_space<vmem>> -> memref<1x128xi32, #tpu.memory_space<vmem>>
    %dma_start3A_57 = tpu.memref_squeeze %dma_start3A_56 : memref<1x128xi32, #tpu.memory_space<vmem>> -> memref<128xi32, #tpu.memory_space<vmem>>
    %dma_start3A_58 = arith.constant 0 : i32
    %dma_start3A_59 = arith.constant 0 : i32
    %dma_start3A_60 = tpu.memref_slice %arg2[%dma_start3A_58, %dma_start3A_59] : memref<10112x40xf32, #tpu.memory_space<hbm>> -> memref<10112x40xf32, #tpu.memory_space<hbm>>
    tpu.enqueue_indirect_dma source(%dma_start3A_60 : memref<10112x40xf32, #tpu.memory_space<hbm>>) target(%arg17 : memref<128x40xf32, #tpu.memory_space<vmem>>) offsets(%dma_start3A_57 : memref<128xi32, #tpu.memory_space<vmem>>) semaphore(%arg27 : memref<!tpu.dma_semaphore, #tpu.memory_space<semaphore_mem>>)
    %dma_start3A_61 = arith.constant 7 : i32
    %dma_start3A_62 = arith.constant 0 : i32
    %dma_start3A_63 = tpu.memref_slice %arg9[%dma_start3A_61, %dma_start3A_62] : memref<96x128xi32, #tpu.memory_space<vmem>> -> memref<1x128xi32, #tpu.memory_space<vmem>>
    %dma_start3A_64 = tpu.memref_squeeze %dma_start3A_63 : memref<1x128xi32, #tpu.memory_space<vmem>> -> memref<128xi32, #tpu.memory_space<vmem>>
    %dma_start3A_65 = arith.constant 0 : i32
    %dma_start3A_66 = arith.constant 0 : i32
    %dma_start3A_67 = tpu.memref_slice %arg2[%dma_start3A_65, %dma_start3A_66] : memref<10112x40xf32, #tpu.memory_space<hbm>> -> memref<10112x40xf32, #tpu.memory_space<hbm>>
    tpu.enqueue_indirect_dma source(%dma_start3A_67 : memref<10112x40xf32, #tpu.memory_space<hbm>>) target(%arg18 : memref<128x40xf32, #tpu.memory_space<vmem>>) offsets(%dma_start3A_64 : memref<128xi32, #tpu.memory_space<vmem>>) semaphore(%arg28 : memref<!tpu.dma_semaphore, #tpu.memory_space<semaphore_mem>>)
    %scan3A = arith.constant 0 : i32
    %scan3A_68 = arith.constant 0 : i32
    %scan3A_69 = arith.constant 11 : i32
    %scan3A_70 = arith.addi %scan3A_68, %scan3A_69 : i32
    %scan3A_71 = arith.constant 1 : i32
    scf.for %scan3A_133 = %scan3A_68 to %scan3A_70 step %scan3A_71  : i32 {
      %mul3A_134 = arith.constant 8 : i32
      %mul3A_135 = arith.muli %scan3A_133, %mul3A_134 : i32
      %add3A_136 = arith.constant 0 : i32
      %add3A_137 = arith.addi %mul3A_135, %add3A_136 : i32
      %dma_wait3A_138 = arith.constant 0 : i32
      %dma_wait3A_139 = tpu.memref_slice %arg9[%add3A_137, %dma_wait3A_138] : memref<96x128xi32, #tpu.memory_space<vmem>> -> memref<1x128xi32, #tpu.memory_space<vmem>>
      %dma_wait3A_140 = tpu.memref_squeeze %dma_wait3A_139 : memref<1x128xi32, #tpu.memory_space<vmem>> -> memref<128xi32, #tpu.memory_space<vmem>>
      %dma_wait3A_141 = arith.constant 0 : i32
      %dma_wait3A_142 = arith.constant 0 : i32
      %dma_wait3A_143 = tpu.memref_slice %arg2[%dma_wait3A_141, %dma_wait3A_142] : memref<10112x40xf32, #tpu.memory_space<hbm>> -> memref<10112x40xf32, #tpu.memory_space<hbm>>
      tpu.wait_indirect_dma semaphore(%arg21 : memref<!tpu.dma_semaphore, #tpu.memory_space<semaphore_mem>>) src(%dma_wait3A_143 : memref<10112x40xf32, #tpu.memory_space<hbm>>) dst(%arg11 : memref<128x40xf32, #tpu.memory_space<vmem>>)
      "tpu.region"() ({
        %run_scoped3A = tpu.sem_alloc : memref<!tpu.dma_semaphore, #tpu.memory_space<semaphore_mem>>
        %dma_start3A_278 = arith.constant 0 : i32
        %dma_start3A_279 = tpu.memref_slice %arg10[%add3A_137, %dma_start3A_278] : memref<88x128xi32, #tpu.memory_space<vmem>> -> memref<1x128xi32, #tpu.memory_space<vmem>>
        %dma_start3A_280 = tpu.memref_squeeze %dma_start3A_279 : memref<1x128xi32, #tpu.memory_space<vmem>> -> memref<128xi32, #tpu.memory_space<vmem>>
        %dma_start3A_281 = arith.constant 0 : i32
        %dma_start3A_282 = arith.constant 0 : i32
        %dma_start3A_283 = tpu.memref_slice %arg20[%dma_start3A_281, %dma_start3A_282] : memref<10112x40xf32, #tpu.memory_space<vmem_shared>> -> memref<10112x40xf32, #tpu.memory_space<vmem_shared>>
        tpu.enqueue_indirect_dma source(%arg11 : memref<128x40xf32, #tpu.memory_space<vmem>>) target(%dma_start3A_283 : memref<10112x40xf32, #tpu.memory_space<vmem_shared>>) offsets(%dma_start3A_280 : memref<128xi32, #tpu.memory_space<vmem>>) semaphore(%run_scoped3A : memref<!tpu.dma_semaphore, #tpu.memory_space<semaphore_mem>>) {add = true}
        %dma_wait3A_284 = arith.constant 0 : i32
        %dma_wait3A_285 = tpu.memref_slice %arg10[%add3A_137, %dma_wait3A_284] : memref<88x128xi32, #tpu.memory_space<vmem>> -> memref<1x128xi32, #tpu.memory_space<vmem>>
        %dma_wait3A_286 = tpu.memref_squeeze %dma_wait3A_285 : memref<1x128xi32, #tpu.memory_space<vmem>> -> memref<128xi32, #tpu.memory_space<vmem>>
        %dma_wait3A_287 = arith.constant 0 : i32
        %dma_wait3A_288 = arith.constant 0 : i32
        %dma_wait3A_289 = tpu.memref_slice %arg20[%dma_wait3A_287, %dma_wait3A_288] : memref<10112x40xf32, #tpu.memory_space<vmem_shared>> -> memref<10112x40xf32, #tpu.memory_space<vmem_shared>>
        tpu.wait_indirect_dma semaphore(%run_scoped3A : memref<!tpu.dma_semaphore, #tpu.memory_space<semaphore_mem>>) src(%arg11 : memref<128x40xf32, #tpu.memory_space<vmem>>) dst(%dma_wait3A_289 : memref<10112x40xf32, #tpu.memory_space<vmem_shared>>)
        tpu.yield
      }) : () -> ()
      %add3A_144 = arith.constant 8 : i32
      %add3A_145 = arith.addi %add3A_137, %add3A_144 : i32
      %dma_start3A_146 = arith.constant 0 : i32
      %dma_start3A_147 = tpu.memref_slice %arg9[%add3A_145, %dma_start3A_146] : memref<96x128xi32, #tpu.memory_space<vmem>> -> memref<1x128xi32, #tpu.memory_space<vmem>>
      %dma_start3A_148 = tpu.memref_squeeze %dma_start3A_147 : memref<1x128xi32, #tpu.memory_space<vmem>> -> memref<128xi32, #tpu.memory_space<vmem>>
      %dma_start3A_149 = arith.constant 0 : i32
      %dma_start3A_150 = arith.constant 0 : i32
      %dma_start3A_151 = tpu.memref_slice %arg2[%dma_start3A_149, %dma_start3A_150] : memref<10112x40xf32, #tpu.memory_space<hbm>> -> memref<10112x40xf32, #tpu.memory_space<hbm>>
      tpu.enqueue_indirect_dma source(%dma_start3A_151 : memref<10112x40xf32, #tpu.memory_space<hbm>>) target(%arg11 : memref<128x40xf32, #tpu.memory_space<vmem>>) offsets(%dma_start3A_148 : memref<128xi32, #tpu.memory_space<vmem>>) semaphore(%arg21 : memref<!tpu.dma_semaphore, #tpu.memory_space<semaphore_mem>>)
      %mul3A_152 = arith.constant 8 : i32
      %mul3A_153 = arith.muli %scan3A_133, %mul3A_152 : i32
      %add3A_154 = arith.constant 1 : i32
      %add3A_155 = arith.addi %mul3A_153, %add3A_154 : i32
      %dma_wait3A_156 = arith.constant 0 : i32
      %dma_wait3A_157 = tpu.memref_slice %arg9[%add3A_155, %dma_wait3A_156] : memref<96x128xi32, #tpu.memory_space<vmem>> -> memref<1x128xi32, #tpu.memory_space<vmem>>
      %dma_wait3A_158 = tpu.memref_squeeze %dma_wait3A_157 : memref<1x128xi32, #tpu.memory_space<vmem>> -> memref<128xi32, #tpu.memory_space<vmem>>
      %dma_wait3A_159 = arith.constant 0 : i32
      %dma_wait3A_160 = arith.constant 0 : i32
      %dma_wait3A_161 = tpu.memref_slice %arg2[%dma_wait3A_159, %dma_wait3A_160] : memref<10112x40xf32, #tpu.memory_space<hbm>> -> memref<10112x40xf32, #tpu.memory_space<hbm>>
      tpu.wait_indirect_dma semaphore(%arg22 : memref<!tpu.dma_semaphore, #tpu.memory_space<semaphore_mem>>) src(%dma_wait3A_161 : memref<10112x40xf32, #tpu.memory_space<hbm>>) dst(%arg12 : memref<128x40xf32, #tpu.memory_space<vmem>>)
      "tpu.region"() ({
        %run_scoped3A = tpu.sem_alloc : memref<!tpu.dma_semaphore, #tpu.memory_space<semaphore_mem>>
        %dma_start3A_278 = arith.constant 0 : i32
        %dma_start3A_279 = tpu.memref_slice %arg10[%add3A_155, %dma_start3A_278] : memref<88x128xi32, #tpu.memory_space<vmem>> -> memref<1x128xi32, #tpu.memory_space<vmem>>
        %dma_start3A_280 = tpu.memref_squeeze %dma_start3A_279 : memref<1x128xi32, #tpu.memory_space<vmem>> -> memref<128xi32, #tpu.memory_space<vmem>>
        %dma_start3A_281 = arith.constant 0 : i32
        %dma_start3A_282 = arith.constant 0 : i32
        %dma_start3A_283 = tpu.memref_slice %arg20[%dma_start3A_281, %dma_start3A_282] : memref<10112x40xf32, #tpu.memory_space<vmem_shared>> -> memref<10112x40xf32, #tpu.memory_space<vmem_shared>>
        tpu.enqueue_indirect_dma source(%arg12 : memref<128x40xf32, #tpu.memory_space<vmem>>) target(%dma_start3A_283 : memref<10112x40xf32, #tpu.memory_space<vmem_shared>>) offsets(%dma_start3A_280 : memref<128xi32, #tpu.memory_space<vmem>>) semaphore(%run_scoped3A : memref<!tpu.dma_semaphore, #tpu.memory_space<semaphore_mem>>) {add = true}
        %dma_wait3A_284 = arith.constant 0 : i32
        %dma_wait3A_285 = tpu.memref_slice %arg10[%add3A_155, %dma_wait3A_284] : memref<88x128xi32, #tpu.memory_space<vmem>> -> memref<1x128xi32, #tpu.memory_space<vmem>>
        %dma_wait3A_286 = tpu.memref_squeeze %dma_wait3A_285 : memref<1x128xi32, #tpu.memory_space<vmem>> -> memref<128xi32, #tpu.memory_space<vmem>>
        %dma_wait3A_287 = arith.constant 0 : i32
        %dma_wait3A_288 = arith.constant 0 : i32
        %dma_wait3A_289 = tpu.memref_slice %arg20[%dma_wait3A_287, %dma_wait3A_288] : memref<10112x40xf32, #tpu.memory_space<vmem_shared>> -> memref<10112x40xf32, #tpu.memory_space<vmem_shared>>
        tpu.wait_indirect_dma semaphore(%run_scoped3A : memref<!tpu.dma_semaphore, #tpu.memory_space<semaphore_mem>>) src(%arg12 : memref<128x40xf32, #tpu.memory_space<vmem>>) dst(%dma_wait3A_289 : memref<10112x40xf32, #tpu.memory_space<vmem_shared>>)
        tpu.yield
      }) : () -> ()
      %add3A_162 = arith.constant 8 : i32
      %add3A_163 = arith.addi %add3A_155, %add3A_162 : i32
      %dma_start3A_164 = arith.constant 0 : i32
      %dma_start3A_165 = tpu.memref_slice %arg9[%add3A_163, %dma_start3A_164] : memref<96x128xi32, #tpu.memory_space<vmem>> -> memref<1x128xi32, #tpu.memory_space<vmem>>
      %dma_start3A_166 = tpu.memref_squeeze %dma_start3A_165 : memref<1x128xi32, #tpu.memory_space<vmem>> -> memref<128xi32, #tpu.memory_space<vmem>>
      %dma_start3A_167 = arith.constant 0 : i32
      %dma_start3A_168 = arith.constant 0 : i32
      %dma_start3A_169 = tpu.memref_slice %arg2[%dma_start3A_167, %dma_start3A_168] : memref<10112x40xf32, #tpu.memory_space<hbm>> -> memref<10112x40xf32, #tpu.memory_space<hbm>>
      tpu.enqueue_indirect_dma source(%dma_start3A_169 : memref<10112x40xf32, #tpu.memory_space<hbm>>) target(%arg12 : memref<128x40xf32, #tpu.memory_space<vmem>>) offsets(%dma_start3A_166 : memref<128xi32, #tpu.memory_space<vmem>>) semaphore(%arg22 : memref<!tpu.dma_semaphore, #tpu.memory_space<semaphore_mem>>)
      %mul3A_170 = arith.constant 8 : i32
      %mul3A_171 = arith.muli %scan3A_133, %mul3A_170 : i32
      %add3A_172 = arith.constant 2 : i32
      %add3A_173 = arith.addi %mul3A_171, %add3A_172 : i32
      %dma_wait3A_174 = arith.constant 0 : i32
      %dma_wait3A_175 = tpu.memref_slice %arg9[%add3A_173, %dma_wait3A_174] : memref<96x128xi32, #tpu.memory_space<vmem>> -> memref<1x128xi32, #tpu.memory_space<vmem>>
      %dma_wait3A_176 = tpu.memref_squeeze %dma_wait3A_175 : memref<1x128xi32, #tpu.memory_space<vmem>> -> memref<128xi32, #tpu.memory_space<vmem>>
      %dma_wait3A_177 = arith.constant 0 : i32
      %dma_wait3A_178 = arith.constant 0 : i32
      %dma_wait3A_179 = tpu.memref_slice %arg2[%dma_wait3A_177, %dma_wait3A_178] : memref<10112x40xf32, #tpu.memory_space<hbm>> -> memref<10112x40xf32, #tpu.memory_space<hbm>>
      tpu.wait_indirect_dma semaphore(%arg23 : memref<!tpu.dma_semaphore, #tpu.memory_space<semaphore_mem>>) src(%dma_wait3A_179 : memref<10112x40xf32, #tpu.memory_space<hbm>>) dst(%arg13 : memref<128x40xf32, #tpu.memory_space<vmem>>)
      "tpu.region"() ({
        %run_scoped3A = tpu.sem_alloc : memref<!tpu.dma_semaphore, #tpu.memory_space<semaphore_mem>>
        %dma_start3A_278 = arith.constant 0 : i32
        %dma_start3A_279 = tpu.memref_slice %arg10[%add3A_173, %dma_start3A_278] : memref<88x128xi32, #tpu.memory_space<vmem>> -> memref<1x128xi32, #tpu.memory_space<vmem>>
        %dma_start3A_280 = tpu.memref_squeeze %dma_start3A_279 : memref<1x128xi32, #tpu.memory_space<vmem>> -> memref<128xi32, #tpu.memory_space<vmem>>
        %dma_start3A_281 = arith.constant 0 : i32
        %dma_start3A_282 = arith.constant 0 : i32
        %dma_start3A_283 = tpu.memref_slice %arg20[%dma_start3A_281, %dma_start3A_282] : memref<10112x40xf32, #tpu.memory_space<vmem_shared>> -> memref<10112x40xf32, #tpu.memory_space<vmem_shared>>
        tpu.enqueue_indirect_dma source(%arg13 : memref<128x40xf32, #tpu.memory_space<vmem>>) target(%dma_start3A_283 : memref<10112x40xf32, #tpu.memory_space<vmem_shared>>) offsets(%dma_start3A_280 : memref<128xi32, #tpu.memory_space<vmem>>) semaphore(%run_scoped3A : memref<!tpu.dma_semaphore, #tpu.memory_space<semaphore_mem>>) {add = true}
        %dma_wait3A_284 = arith.constant 0 : i32
        %dma_wait3A_285 = tpu.memref_slice %arg10[%add3A_173, %dma_wait3A_284] : memref<88x128xi32, #tpu.memory_space<vmem>> -> memref<1x128xi32, #tpu.memory_space<vmem>>
        %dma_wait3A_286 = tpu.memref_squeeze %dma_wait3A_285 : memref<1x128xi32, #tpu.memory_space<vmem>> -> memref<128xi32, #tpu.memory_space<vmem>>
        %dma_wait3A_287 = arith.constant 0 : i32
        %dma_wait3A_288 = arith.constant 0 : i32
        %dma_wait3A_289 = tpu.memref_slice %arg20[%dma_wait3A_287, %dma_wait3A_288] : memref<10112x40xf32, #tpu.memory_space<vmem_shared>> -> memref<10112x40xf32, #tpu.memory_space<vmem_shared>>
        tpu.wait_indirect_dma semaphore(%run_scoped3A : memref<!tpu.dma_semaphore, #tpu.memory_space<semaphore_mem>>) src(%arg13 : memref<128x40xf32, #tpu.memory_space<vmem>>) dst(%dma_wait3A_289 : memref<10112x40xf32, #tpu.memory_space<vmem_shared>>)
        tpu.yield
      }) : () -> ()
      %add3A_180 = arith.constant 8 : i32
      %add3A_181 = arith.addi %add3A_173, %add3A_180 : i32
      %dma_start3A_182 = arith.constant 0 : i32
      %dma_start3A_183 = tpu.memref_slice %arg9[%add3A_181, %dma_start3A_182] : memref<96x128xi32, #tpu.memory_space<vmem>> -> memref<1x128xi32, #tpu.memory_space<vmem>>
      %dma_start3A_184 = tpu.memref_squeeze %dma_start3A_183 : memref<1x128xi32, #tpu.memory_space<vmem>> -> memref<128xi32, #tpu.memory_space<vmem>>
      %dma_start3A_185 = arith.constant 0 : i32
      %dma_start3A_186 = arith.constant 0 : i32
      %dma_start3A_187 = tpu.memref_slice %arg2[%dma_start3A_185, %dma_start3A_186] : memref<10112x40xf32, #tpu.memory_space<hbm>> -> memref<10112x40xf32, #tpu.memory_space<hbm>>
      tpu.enqueue_indirect_dma source(%dma_start3A_187 : memref<10112x40xf32, #tpu.memory_space<hbm>>) target(%arg13 : memref<128x40xf32, #tpu.memory_space<vmem>>) offsets(%dma_start3A_184 : memref<128xi32, #tpu.memory_space<vmem>>) semaphore(%arg23 : memref<!tpu.dma_semaphore, #tpu.memory_space<semaphore_mem>>)
      %mul3A_188 = arith.constant 8 : i32
      %mul3A_189 = arith.muli %scan3A_133, %mul3A_188 : i32
      %add3A_190 = arith.constant 3 : i32
      %add3A_191 = arith.addi %mul3A_189, %add3A_190 : i32
      %dma_wait3A_192 = arith.constant 0 : i32
      %dma_wait3A_193 = tpu.memref_slice %arg9[%add3A_191, %dma_wait3A_192] : memref<96x128xi32, #tpu.memory_space<vmem>> -> memref<1x128xi32, #tpu.memory_space<vmem>>
      %dma_wait3A_194 = tpu.memref_squeeze %dma_wait3A_193 : memref<1x128xi32, #tpu.memory_space<vmem>> -> memref<128xi32, #tpu.memory_space<vmem>>
      %dma_wait3A_195 = arith.constant 0 : i32
      %dma_wait3A_196 = arith.constant 0 : i32
      %dma_wait3A_197 = tpu.memref_slice %arg2[%dma_wait3A_195, %dma_wait3A_196] : memref<10112x40xf32, #tpu.memory_space<hbm>> -> memref<10112x40xf32, #tpu.memory_space<hbm>>
      tpu.wait_indirect_dma semaphore(%arg24 : memref<!tpu.dma_semaphore, #tpu.memory_space<semaphore_mem>>) src(%dma_wait3A_197 : memref<10112x40xf32, #tpu.memory_space<hbm>>) dst(%arg14 : memref<128x40xf32, #tpu.memory_space<vmem>>)
      "tpu.region"() ({
        %run_scoped3A = tpu.sem_alloc : memref<!tpu.dma_semaphore, #tpu.memory_space<semaphore_mem>>
        %dma_start3A_278 = arith.constant 0 : i32
        %dma_start3A_279 = tpu.memref_slice %arg10[%add3A_191, %dma_start3A_278] : memref<88x128xi32, #tpu.memory_space<vmem>> -> memref<1x128xi32, #tpu.memory_space<vmem>>
        %dma_start3A_280 = tpu.memref_squeeze %dma_start3A_279 : memref<1x128xi32, #tpu.memory_space<vmem>> -> memref<128xi32, #tpu.memory_space<vmem>>
        %dma_start3A_281 = arith.constant 0 : i32
        %dma_start3A_282 = arith.constant 0 : i32
        %dma_start3A_283 = tpu.memref_slice %arg20[%dma_start3A_281, %dma_start3A_282] : memref<10112x40xf32, #tpu.memory_space<vmem_shared>> -> memref<10112x40xf32, #tpu.memory_space<vmem_shared>>
        tpu.enqueue_indirect_dma source(%arg14 : memref<128x40xf32, #tpu.memory_space<vmem>>) target(%dma_start3A_283 : memref<10112x40xf32, #tpu.memory_space<vmem_shared>>) offsets(%dma_start3A_280 : memref<128xi32, #tpu.memory_space<vmem>>) semaphore(%run_scoped3A : memref<!tpu.dma_semaphore, #tpu.memory_space<semaphore_mem>>) {add = true}
        %dma_wait3A_284 = arith.constant 0 : i32
        %dma_wait3A_285 = tpu.memref_slice %arg10[%add3A_191, %dma_wait3A_284] : memref<88x128xi32, #tpu.memory_space<vmem>> -> memref<1x128xi32, #tpu.memory_space<vmem>>
        %dma_wait3A_286 = tpu.memref_squeeze %dma_wait3A_285 : memref<1x128xi32, #tpu.memory_space<vmem>> -> memref<128xi32, #tpu.memory_space<vmem>>
        %dma_wait3A_287 = arith.constant 0 : i32
        %dma_wait3A_288 = arith.constant 0 : i32
        %dma_wait3A_289 = tpu.memref_slice %arg20[%dma_wait3A_287, %dma_wait3A_288] : memref<10112x40xf32, #tpu.memory_space<vmem_shared>> -> memref<10112x40xf32, #tpu.memory_space<vmem_shared>>
        tpu.wait_indirect_dma semaphore(%run_scoped3A : memref<!tpu.dma_semaphore, #tpu.memory_space<semaphore_mem>>) src(%arg14 : memref<128x40xf32, #tpu.memory_space<vmem>>) dst(%dma_wait3A_289 : memref<10112x40xf32, #tpu.memory_space<vmem_shared>>)
        tpu.yield
      }) : () -> ()
      %add3A_198 = arith.constant 8 : i32
      %add3A_199 = arith.addi %add3A_191, %add3A_198 : i32
      %dma_start3A_200 = arith.constant 0 : i32
      %dma_start3A_201 = tpu.memref_slice %arg9[%add3A_199, %dma_start3A_200] : memref<96x128xi32, #tpu.memory_space<vmem>> -> memref<1x128xi32, #tpu.memory_space<vmem>>
      %dma_start3A_202 = tpu.memref_squeeze %dma_start3A_201 : memref<1x128xi32, #tpu.memory_space<vmem>> -> memref<128xi32, #tpu.memory_space<vmem>>
      %dma_start3A_203 = arith.constant 0 : i32
      %dma_start3A_204 = arith.constant 0 : i32
      %dma_start3A_205 = tpu.memref_slice %arg2[%dma_start3A_203, %dma_start3A_204] : memref<10112x40xf32, #tpu.memory_space<hbm>> -> memref<10112x40xf32, #tpu.memory_space<hbm>>
      tpu.enqueue_indirect_dma source(%dma_start3A_205 : memref<10112x40xf32, #tpu.memory_space<hbm>>) target(%arg14 : memref<128x40xf32, #tpu.memory_space<vmem>>) offsets(%dma_start3A_202 : memref<128xi32, #tpu.memory_space<vmem>>) semaphore(%arg24 : memref<!tpu.dma_semaphore, #tpu.memory_space<semaphore_mem>>)
      %mul3A_206 = arith.constant 8 : i32
      %mul3A_207 = arith.muli %scan3A_133, %mul3A_206 : i32
      %add3A_208 = arith.constant 4 : i32
      %add3A_209 = arith.addi %mul3A_207, %add3A_208 : i32
      %dma_wait3A_210 = arith.constant 0 : i32
      %dma_wait3A_211 = tpu.memref_slice %arg9[%add3A_209, %dma_wait3A_210] : memref<96x128xi32, #tpu.memory_space<vmem>> -> memref<1x128xi32, #tpu.memory_space<vmem>>
      %dma_wait3A_212 = tpu.memref_squeeze %dma_wait3A_211 : memref<1x128xi32, #tpu.memory_space<vmem>> -> memref<128xi32, #tpu.memory_space<vmem>>
      %dma_wait3A_213 = arith.constant 0 : i32
      %dma_wait3A_214 = arith.constant 0 : i32
      %dma_wait3A_215 = tpu.memref_slice %arg2[%dma_wait3A_213, %dma_wait3A_214] : memref<10112x40xf32, #tpu.memory_space<hbm>> -> memref<10112x40xf32, #tpu.memory_space<hbm>>
      tpu.wait_indirect_dma semaphore(%arg25 : memref<!tpu.dma_semaphore, #tpu.memory_space<semaphore_mem>>) src(%dma_wait3A_215 : memref<10112x40xf32, #tpu.memory_space<hbm>>) dst(%arg15 : memref<128x40xf32, #tpu.memory_space<vmem>>)
      "tpu.region"() ({
        %run_scoped3A = tpu.sem_alloc : memref<!tpu.dma_semaphore, #tpu.memory_space<semaphore_mem>>
        %dma_start3A_278 = arith.constant 0 : i32
        %dma_start3A_279 = tpu.memref_slice %arg10[%add3A_209, %dma_start3A_278] : memref<88x128xi32, #tpu.memory_space<vmem>> -> memref<1x128xi32, #tpu.memory_space<vmem>>
        %dma_start3A_280 = tpu.memref_squeeze %dma_start3A_279 : memref<1x128xi32, #tpu.memory_space<vmem>> -> memref<128xi32, #tpu.memory_space<vmem>>
        %dma_start3A_281 = arith.constant 0 : i32
        %dma_start3A_282 = arith.constant 0 : i32
        %dma_start3A_283 = tpu.memref_slice %arg20[%dma_start3A_281, %dma_start3A_282] : memref<10112x40xf32, #tpu.memory_space<vmem_shared>> -> memref<10112x40xf32, #tpu.memory_space<vmem_shared>>
        tpu.enqueue_indirect_dma source(%arg15 : memref<128x40xf32, #tpu.memory_space<vmem>>) target(%dma_start3A_283 : memref<10112x40xf32, #tpu.memory_space<vmem_shared>>) offsets(%dma_start3A_280 : memref<128xi32, #tpu.memory_space<vmem>>) semaphore(%run_scoped3A : memref<!tpu.dma_semaphore, #tpu.memory_space<semaphore_mem>>) {add = true}
        %dma_wait3A_284 = arith.constant 0 : i32
        %dma_wait3A_285 = tpu.memref_slice %arg10[%add3A_209, %dma_wait3A_284] : memref<88x128xi32, #tpu.memory_space<vmem>> -> memref<1x128xi32, #tpu.memory_space<vmem>>
        %dma_wait3A_286 = tpu.memref_squeeze %dma_wait3A_285 : memref<1x128xi32, #tpu.memory_space<vmem>> -> memref<128xi32, #tpu.memory_space<vmem>>
        %dma_wait3A_287 = arith.constant 0 : i32
        %dma_wait3A_288 = arith.constant 0 : i32
        %dma_wait3A_289 = tpu.memref_slice %arg20[%dma_wait3A_287, %dma_wait3A_288] : memref<10112x40xf32, #tpu.memory_space<vmem_shared>> -> memref<10112x40xf32, #tpu.memory_space<vmem_shared>>
        tpu.wait_indirect_dma semaphore(%run_scoped3A : memref<!tpu.dma_semaphore, #tpu.memory_space<semaphore_mem>>) src(%arg15 : memref<128x40xf32, #tpu.memory_space<vmem>>) dst(%dma_wait3A_289 : memref<10112x40xf32, #tpu.memory_space<vmem_shared>>)
        tpu.yield
      }) : () -> ()
      %add3A_216 = arith.constant 8 : i32
      %add3A_217 = arith.addi %add3A_209, %add3A_216 : i32
      %dma_start3A_218 = arith.constant 0 : i32
      %dma_start3A_219 = tpu.memref_slice %arg9[%add3A_217, %dma_start3A_218] : memref<96x128xi32, #tpu.memory_space<vmem>> -> memref<1x128xi32, #tpu.memory_space<vmem>>
      %dma_start3A_220 = tpu.memref_squeeze %dma_start3A_219 : memref<1x128xi32, #tpu.memory_space<vmem>> -> memref<128xi32, #tpu.memory_space<vmem>>
      %dma_start3A_221 = arith.constant 0 : i32
      %dma_start3A_222 = arith.constant 0 : i32
      %dma_start3A_223 = tpu.memref_slice %arg2[%dma_start3A_221, %dma_start3A_222] : memref<10112x40xf32, #tpu.memory_space<hbm>> -> memref<10112x40xf32, #tpu.memory_space<hbm>>
      tpu.enqueue_indirect_dma source(%dma_start3A_223 : memref<10112x40xf32, #tpu.memory_space<hbm>>) target(%arg15 : memref<128x40xf32, #tpu.memory_space<vmem>>) offsets(%dma_start3A_220 : memref<128xi32, #tpu.memory_space<vmem>>) semaphore(%arg25 : memref<!tpu.dma_semaphore, #tpu.memory_space<semaphore_mem>>)
      %mul3A_224 = arith.constant 8 : i32
      %mul3A_225 = arith.muli %scan3A_133, %mul3A_224 : i32
      %add3A_226 = arith.constant 5 : i32
      %add3A_227 = arith.addi %mul3A_225, %add3A_226 : i32
      %dma_wait3A_228 = arith.constant 0 : i32
      %dma_wait3A_229 = tpu.memref_slice %arg9[%add3A_227, %dma_wait3A_228] : memref<96x128xi32, #tpu.memory_space<vmem>> -> memref<1x128xi32, #tpu.memory_space<vmem>>
      %dma_wait3A_230 = tpu.memref_squeeze %dma_wait3A_229 : memref<1x128xi32, #tpu.memory_space<vmem>> -> memref<128xi32, #tpu.memory_space<vmem>>
      %dma_wait3A_231 = arith.constant 0 : i32
      %dma_wait3A_232 = arith.constant 0 : i32
      %dma_wait3A_233 = tpu.memref_slice %arg2[%dma_wait3A_231, %dma_wait3A_232] : memref<10112x40xf32, #tpu.memory_space<hbm>> -> memref<10112x40xf32, #tpu.memory_space<hbm>>
      tpu.wait_indirect_dma semaphore(%arg26 : memref<!tpu.dma_semaphore, #tpu.memory_space<semaphore_mem>>) src(%dma_wait3A_233 : memref<10112x40xf32, #tpu.memory_space<hbm>>) dst(%arg16 : memref<128x40xf32, #tpu.memory_space<vmem>>)
      "tpu.region"() ({
        %run_scoped3A = tpu.sem_alloc : memref<!tpu.dma_semaphore, #tpu.memory_space<semaphore_mem>>
        %dma_start3A_278 = arith.constant 0 : i32
        %dma_start3A_279 = tpu.memref_slice %arg10[%add3A_227, %dma_start3A_278] : memref<88x128xi32, #tpu.memory_space<vmem>> -> memref<1x128xi32, #tpu.memory_space<vmem>>
        %dma_start3A_280 = tpu.memref_squeeze %dma_start3A_279 : memref<1x128xi32, #tpu.memory_space<vmem>> -> memref<128xi32, #tpu.memory_space<vmem>>
        %dma_start3A_281 = arith.constant 0 : i32
        %dma_start3A_282 = arith.constant 0 : i32
        %dma_start3A_283 = tpu.memref_slice %arg20[%dma_start3A_281, %dma_start3A_282] : memref<10112x40xf32, #tpu.memory_space<vmem_shared>> -> memref<10112x40xf32, #tpu.memory_space<vmem_shared>>
        tpu.enqueue_indirect_dma source(%arg16 : memref<128x40xf32, #tpu.memory_space<vmem>>) target(%dma_start3A_283 : memref<10112x40xf32, #tpu.memory_space<vmem_shared>>) offsets(%dma_start3A_280 : memref<128xi32, #tpu.memory_space<vmem>>) semaphore(%run_scoped3A : memref<!tpu.dma_semaphore, #tpu.memory_space<semaphore_mem>>) {add = true}
        %dma_wait3A_284 = arith.constant 0 : i32
        %dma_wait3A_285 = tpu.memref_slice %arg10[%add3A_227, %dma_wait3A_284] : memref<88x128xi32, #tpu.memory_space<vmem>> -> memref<1x128xi32, #tpu.memory_space<vmem>>
        %dma_wait3A_286 = tpu.memref_squeeze %dma_wait3A_285 : memref<1x128xi32, #tpu.memory_space<vmem>> -> memref<128xi32, #tpu.memory_space<vmem>>
        %dma_wait3A_287 = arith.constant 0 : i32
        %dma_wait3A_288 = arith.constant 0 : i32
        %dma_wait3A_289 = tpu.memref_slice %arg20[%dma_wait3A_287, %dma_wait3A_288] : memref<10112x40xf32, #tpu.memory_space<vmem_shared>> -> memref<10112x40xf32, #tpu.memory_space<vmem_shared>>
        tpu.wait_indirect_dma semaphore(%run_scoped3A : memref<!tpu.dma_semaphore, #tpu.memory_space<semaphore_mem>>) src(%arg16 : memref<128x40xf32, #tpu.memory_space<vmem>>) dst(%dma_wait3A_289 : memref<10112x40xf32, #tpu.memory_space<vmem_shared>>)
        tpu.yield
      }) : () -> ()
      %add3A_234 = arith.constant 8 : i32
      %add3A_235 = arith.addi %add3A_227, %add3A_234 : i32
      %dma_start3A_236 = arith.constant 0 : i32
      %dma_start3A_237 = tpu.memref_slice %arg9[%add3A_235, %dma_start3A_236] : memref<96x128xi32, #tpu.memory_space<vmem>> -> memref<1x128xi32, #tpu.memory_space<vmem>>
      %dma_start3A_238 = tpu.memref_squeeze %dma_start3A_237 : memref<1x128xi32, #tpu.memory_space<vmem>> -> memref<128xi32, #tpu.memory_space<vmem>>
      %dma_start3A_239 = arith.constant 0 : i32
      %dma_start3A_240 = arith.constant 0 : i32
      %dma_start3A_241 = tpu.memref_slice %arg2[%dma_start3A_239, %dma_start3A_240] : memref<10112x40xf32, #tpu.memory_space<hbm>> -> memref<10112x40xf32, #tpu.memory_space<hbm>>
      tpu.enqueue_indirect_dma source(%dma_start3A_241 : memref<10112x40xf32, #tpu.memory_space<hbm>>) target(%arg16 : memref<128x40xf32, #tpu.memory_space<vmem>>) offsets(%dma_start3A_238 : memref<128xi32, #tpu.memory_space<vmem>>) semaphore(%arg26 : memref<!tpu.dma_semaphore, #tpu.memory_space<semaphore_mem>>)
      %mul3A_242 = arith.constant 8 : i32
      %mul3A_243 = arith.muli %scan3A_133, %mul3A_242 : i32
      %add3A_244 = arith.constant 6 : i32
      %add3A_245 = arith.addi %mul3A_243, %add3A_244 : i32
      %dma_wait3A_246 = arith.constant 0 : i32
      %dma_wait3A_247 = tpu.memref_slice %arg9[%add3A_245, %dma_wait3A_246] : memref<96x128xi32, #tpu.memory_space<vmem>> -> memref<1x128xi32, #tpu.memory_space<vmem>>
      %dma_wait3A_248 = tpu.memref_squeeze %dma_wait3A_247 : memref<1x128xi32, #tpu.memory_space<vmem>> -> memref<128xi32, #tpu.memory_space<vmem>>
      %dma_wait3A_249 = arith.constant 0 : i32
      %dma_wait3A_250 = arith.constant 0 : i32
      %dma_wait3A_251 = tpu.memref_slice %arg2[%dma_wait3A_249, %dma_wait3A_250] : memref<10112x40xf32, #tpu.memory_space<hbm>> -> memref<10112x40xf32, #tpu.memory_space<hbm>>
      tpu.wait_indirect_dma semaphore(%arg27 : memref<!tpu.dma_semaphore, #tpu.memory_space<semaphore_mem>>) src(%dma_wait3A_251 : memref<10112x40xf32, #tpu.memory_space<hbm>>) dst(%arg17 : memref<128x40xf32, #tpu.memory_space<vmem>>)
      "tpu.region"() ({
        %run_scoped3A = tpu.sem_alloc : memref<!tpu.dma_semaphore, #tpu.memory_space<semaphore_mem>>
        %dma_start3A_278 = arith.constant 0 : i32
        %dma_start3A_279 = tpu.memref_slice %arg10[%add3A_245, %dma_start3A_278] : memref<88x128xi32, #tpu.memory_space<vmem>> -> memref<1x128xi32, #tpu.memory_space<vmem>>
        %dma_start3A_280 = tpu.memref_squeeze %dma_start3A_279 : memref<1x128xi32, #tpu.memory_space<vmem>> -> memref<128xi32, #tpu.memory_space<vmem>>
        %dma_start3A_281 = arith.constant 0 : i32
        %dma_start3A_282 = arith.constant 0 : i32
        %dma_start3A_283 = tpu.memref_slice %arg20[%dma_start3A_281, %dma_start3A_282] : memref<10112x40xf32, #tpu.memory_space<vmem_shared>> -> memref<10112x40xf32, #tpu.memory_space<vmem_shared>>
        tpu.enqueue_indirect_dma source(%arg17 : memref<128x40xf32, #tpu.memory_space<vmem>>) target(%dma_start3A_283 : memref<10112x40xf32, #tpu.memory_space<vmem_shared>>) offsets(%dma_start3A_280 : memref<128xi32, #tpu.memory_space<vmem>>) semaphore(%run_scoped3A : memref<!tpu.dma_semaphore, #tpu.memory_space<semaphore_mem>>) {add = true}
        %dma_wait3A_284 = arith.constant 0 : i32
        %dma_wait3A_285 = tpu.memref_slice %arg10[%add3A_245, %dma_wait3A_284] : memref<88x128xi32, #tpu.memory_space<vmem>> -> memref<1x128xi32, #tpu.memory_space<vmem>>
        %dma_wait3A_286 = tpu.memref_squeeze %dma_wait3A_285 : memref<1x128xi32, #tpu.memory_space<vmem>> -> memref<128xi32, #tpu.memory_space<vmem>>
        %dma_wait3A_287 = arith.constant 0 : i32
        %dma_wait3A_288 = arith.constant 0 : i32
        %dma_wait3A_289 = tpu.memref_slice %arg20[%dma_wait3A_287, %dma_wait3A_288] : memref<10112x40xf32, #tpu.memory_space<vmem_shared>> -> memref<10112x40xf32, #tpu.memory_space<vmem_shared>>
        tpu.wait_indirect_dma semaphore(%run_scoped3A : memref<!tpu.dma_semaphore, #tpu.memory_space<semaphore_mem>>) src(%arg17 : memref<128x40xf32, #tpu.memory_space<vmem>>) dst(%dma_wait3A_289 : memref<10112x40xf32, #tpu.memory_space<vmem_shared>>)
        tpu.yield
      }) : () -> ()
      %add3A_252 = arith.constant 8 : i32
      %add3A_253 = arith.addi %add3A_245, %add3A_252 : i32
      %dma_start3A_254 = arith.constant 0 : i32
      %dma_start3A_255 = tpu.memref_slice %arg9[%add3A_253, %dma_start3A_254] : memref<96x128xi32, #tpu.memory_space<vmem>> -> memref<1x128xi32, #tpu.memory_space<vmem>>
      %dma_start3A_256 = tpu.memref_squeeze %dma_start3A_255 : memref<1x128xi32, #tpu.memory_space<vmem>> -> memref<128xi32, #tpu.memory_space<vmem>>
      %dma_start3A_257 = arith.constant 0 : i32
      %dma_start3A_258 = arith.constant 0 : i32
      %dma_start3A_259 = tpu.memref_slice %arg2[%dma_start3A_257, %dma_start3A_258] : memref<10112x40xf32, #tpu.memory_space<hbm>> -> memref<10112x40xf32, #tpu.memory_space<hbm>>
      tpu.enqueue_indirect_dma source(%dma_start3A_259 : memref<10112x40xf32, #tpu.memory_space<hbm>>) target(%arg17 : memref<128x40xf32, #tpu.memory_space<vmem>>) offsets(%dma_start3A_256 : memref<128xi32, #tpu.memory_space<vmem>>) semaphore(%arg27 : memref<!tpu.dma_semaphore, #tpu.memory_space<semaphore_mem>>)
      %mul3A_260 = arith.constant 8 : i32
      %mul3A_261 = arith.muli %scan3A_133, %mul3A_260 : i32
      %add3A_262 = arith.constant 7 : i32
      %add3A_263 = arith.addi %mul3A_261, %add3A_262 : i32
      %dma_wait3A_264 = arith.constant 0 : i32
      %dma_wait3A_265 = tpu.memref_slice %arg9[%add3A_263, %dma_wait3A_264] : memref<96x128xi32, #tpu.memory_space<vmem>> -> memref<1x128xi32, #tpu.memory_space<vmem>>
      %dma_wait3A_266 = tpu.memref_squeeze %dma_wait3A_265 : memref<1x128xi32, #tpu.memory_space<vmem>> -> memref<128xi32, #tpu.memory_space<vmem>>
      %dma_wait3A_267 = arith.constant 0 : i32
      %dma_wait3A_268 = arith.constant 0 : i32
      %dma_wait3A_269 = tpu.memref_slice %arg2[%dma_wait3A_267, %dma_wait3A_268] : memref<10112x40xf32, #tpu.memory_space<hbm>> -> memref<10112x40xf32, #tpu.memory_space<hbm>>
      tpu.wait_indirect_dma semaphore(%arg28 : memref<!tpu.dma_semaphore, #tpu.memory_space<semaphore_mem>>) src(%dma_wait3A_269 : memref<10112x40xf32, #tpu.memory_space<hbm>>) dst(%arg18 : memref<128x40xf32, #tpu.memory_space<vmem>>)
      "tpu.region"() ({
        %run_scoped3A = tpu.sem_alloc : memref<!tpu.dma_semaphore, #tpu.memory_space<semaphore_mem>>
        %dma_start3A_278 = arith.constant 0 : i32
        %dma_start3A_279 = tpu.memref_slice %arg10[%add3A_263, %dma_start3A_278] : memref<88x128xi32, #tpu.memory_space<vmem>> -> memref<1x128xi32, #tpu.memory_space<vmem>>
        %dma_start3A_280 = tpu.memref_squeeze %dma_start3A_279 : memref<1x128xi32, #tpu.memory_space<vmem>> -> memref<128xi32, #tpu.memory_space<vmem>>
        %dma_start3A_281 = arith.constant 0 : i32
        %dma_start3A_282 = arith.constant 0 : i32
        %dma_start3A_283 = tpu.memref_slice %arg20[%dma_start3A_281, %dma_start3A_282] : memref<10112x40xf32, #tpu.memory_space<vmem_shared>> -> memref<10112x40xf32, #tpu.memory_space<vmem_shared>>
        tpu.enqueue_indirect_dma source(%arg18 : memref<128x40xf32, #tpu.memory_space<vmem>>) target(%dma_start3A_283 : memref<10112x40xf32, #tpu.memory_space<vmem_shared>>) offsets(%dma_start3A_280 : memref<128xi32, #tpu.memory_space<vmem>>) semaphore(%run_scoped3A : memref<!tpu.dma_semaphore, #tpu.memory_space<semaphore_mem>>) {add = true}
        %dma_wait3A_284 = arith.constant 0 : i32
        %dma_wait3A_285 = tpu.memref_slice %arg10[%add3A_263, %dma_wait3A_284] : memref<88x128xi32, #tpu.memory_space<vmem>> -> memref<1x128xi32, #tpu.memory_space<vmem>>
        %dma_wait3A_286 = tpu.memref_squeeze %dma_wait3A_285 : memref<1x128xi32, #tpu.memory_space<vmem>> -> memref<128xi32, #tpu.memory_space<vmem>>
        %dma_wait3A_287 = arith.constant 0 : i32
        %dma_wait3A_288 = arith.constant 0 : i32
        %dma_wait3A_289 = tpu.memref_slice %arg20[%dma_wait3A_287, %dma_wait3A_288] : memref<10112x40xf32, #tpu.memory_space<vmem_shared>> -> memref<10112x40xf32, #tpu.memory_space<vmem_shared>>
        tpu.wait_indirect_dma semaphore(%run_scoped3A : memref<!tpu.dma_semaphore, #tpu.memory_space<semaphore_mem>>) src(%arg18 : memref<128x40xf32, #tpu.memory_space<vmem>>) dst(%dma_wait3A_289 : memref<10112x40xf32, #tpu.memory_space<vmem_shared>>)
        tpu.yield
      }) : () -> ()
      %add3A_270 = arith.constant 8 : i32
      %add3A_271 = arith.addi %add3A_263, %add3A_270 : i32
      %dma_start3A_272 = arith.constant 0 : i32
      %dma_start3A_273 = tpu.memref_slice %arg9[%add3A_271, %dma_start3A_272] : memref<96x128xi32, #tpu.memory_space<vmem>> -> memref<1x128xi32, #tpu.memory_space<vmem>>
      %dma_start3A_274 = tpu.memref_squeeze %dma_start3A_273 : memref<1x128xi32, #tpu.memory_space<vmem>> -> memref<128xi32, #tpu.memory_space<vmem>>
      %dma_start3A_275 = arith.constant 0 : i32
      %dma_start3A_276 = arith.constant 0 : i32
      %dma_start3A_277 = tpu.memref_slice %arg2[%dma_start3A_275, %dma_start3A_276] : memref<10112x40xf32, #tpu.memory_space<hbm>> -> memref<10112x40xf32, #tpu.memory_space<hbm>>
      tpu.enqueue_indirect_dma source(%dma_start3A_277 : memref<10112x40xf32, #tpu.memory_space<hbm>>) target(%arg18 : memref<128x40xf32, #tpu.memory_space<vmem>>) offsets(%dma_start3A_274 : memref<128xi32, #tpu.memory_space<vmem>>) semaphore(%arg28 : memref<!tpu.dma_semaphore, #tpu.memory_space<semaphore_mem>>)
    }
    %scan3A_72 = arith.constant 11 : i32
    %dma_wait3A = arith.constant 0 : i32
    %dma_wait3A_73 = arith.constant 0 : i32
    %dma_wait3A_74 = tpu.memref_slice %arg9[%dma_wait3A, %dma_wait3A_73] : memref<96x128xi32, #tpu.memory_space<vmem>> -> memref<1x128xi32, #tpu.memory_space<vmem>>
    %dma_wait3A_75 = tpu.memref_squeeze %dma_wait3A_74 : memref<1x128xi32, #tpu.memory_space<vmem>> -> memref<128xi32, #tpu.memory_space<vmem>>
    %dma_wait3A_76 = arith.constant 0 : i32
    %dma_wait3A_77 = arith.constant 0 : i32
    %dma_wait3A_78 = tpu.memref_slice %arg2[%dma_wait3A_76, %dma_wait3A_77] : memref<10112x40xf32, #tpu.memory_space<hbm>> -> memref<10112x40xf32, #tpu.memory_space<hbm>>
    tpu.wait_indirect_dma semaphore(%arg21 : memref<!tpu.dma_semaphore, #tpu.memory_space<semaphore_mem>>) src(%dma_wait3A_78 : memref<10112x40xf32, #tpu.memory_space<hbm>>) dst(%arg11 : memref<128x40xf32, #tpu.memory_space<vmem>>)
    %dma_wait3A_79 = arith.constant 1 : i32
    %dma_wait3A_80 = arith.constant 0 : i32
    %dma_wait3A_81 = tpu.memref_slice %arg9[%dma_wait3A_79, %dma_wait3A_80] : memref<96x128xi32, #tpu.memory_space<vmem>> -> memref<1x128xi32, #tpu.memory_space<vmem>>
    %dma_wait3A_82 = tpu.memref_squeeze %dma_wait3A_81 : memref<1x128xi32, #tpu.memory_space<vmem>> -> memref<128xi32, #tpu.memory_space<vmem>>
    %dma_wait3A_83 = arith.constant 0 : i32
    %dma_wait3A_84 = arith.constant 0 : i32
    %dma_wait3A_85 = tpu.memref_slice %arg2[%dma_wait3A_83, %dma_wait3A_84] : memref<10112x40xf32, #tpu.memory_space<hbm>> -> memref<10112x40xf32, #tpu.memory_space<hbm>>
    tpu.wait_indirect_dma semaphore(%arg22 : memref<!tpu.dma_semaphore, #tpu.memory_space<semaphore_mem>>) src(%dma_wait3A_85 : memref<10112x40xf32, #tpu.memory_space<hbm>>) dst(%arg12 : memref<128x40xf32, #tpu.memory_space<vmem>>)
    %dma_wait3A_86 = arith.constant 2 : i32
    %dma_wait3A_87 = arith.constant 0 : i32
    %dma_wait3A_88 = tpu.memref_slice %arg9[%dma_wait3A_86, %dma_wait3A_87] : memref<96x128xi32, #tpu.memory_space<vmem>> -> memref<1x128xi32, #tpu.memory_space<vmem>>
    %dma_wait3A_89 = tpu.memref_squeeze %dma_wait3A_88 : memref<1x128xi32, #tpu.memory_space<vmem>> -> memref<128xi32, #tpu.memory_space<vmem>>
    %dma_wait3A_90 = arith.constant 0 : i32
    %dma_wait3A_91 = arith.constant 0 : i32
    %dma_wait3A_92 = tpu.memref_slice %arg2[%dma_wait3A_90, %dma_wait3A_91] : memref<10112x40xf32, #tpu.memory_space<hbm>> -> memref<10112x40xf32, #tpu.memory_space<hbm>>
    tpu.wait_indirect_dma semaphore(%arg23 : memref<!tpu.dma_semaphore, #tpu.memory_space<semaphore_mem>>) src(%dma_wait3A_92 : memref<10112x40xf32, #tpu.memory_space<hbm>>) dst(%arg13 : memref<128x40xf32, #tpu.memory_space<vmem>>)
    %dma_wait3A_93 = arith.constant 3 : i32
    %dma_wait3A_94 = arith.constant 0 : i32
    %dma_wait3A_95 = tpu.memref_slice %arg9[%dma_wait3A_93, %dma_wait3A_94] : memref<96x128xi32, #tpu.memory_space<vmem>> -> memref<1x128xi32, #tpu.memory_space<vmem>>
    %dma_wait3A_96 = tpu.memref_squeeze %dma_wait3A_95 : memref<1x128xi32, #tpu.memory_space<vmem>> -> memref<128xi32, #tpu.memory_space<vmem>>
    %dma_wait3A_97 = arith.constant 0 : i32
    %dma_wait3A_98 = arith.constant 0 : i32
    %dma_wait3A_99 = tpu.memref_slice %arg2[%dma_wait3A_97, %dma_wait3A_98] : memref<10112x40xf32, #tpu.memory_space<hbm>> -> memref<10112x40xf32, #tpu.memory_space<hbm>>
    tpu.wait_indirect_dma semaphore(%arg24 : memref<!tpu.dma_semaphore, #tpu.memory_space<semaphore_mem>>) src(%dma_wait3A_99 : memref<10112x40xf32, #tpu.memory_space<hbm>>) dst(%arg14 : memref<128x40xf32, #tpu.memory_space<vmem>>)
    %dma_wait3A_100 = arith.constant 4 : i32
    %dma_wait3A_101 = arith.constant 0 : i32
    %dma_wait3A_102 = tpu.memref_slice %arg9[%dma_wait3A_100, %dma_wait3A_101] : memref<96x128xi32, #tpu.memory_space<vmem>> -> memref<1x128xi32, #tpu.memory_space<vmem>>
    %dma_wait3A_103 = tpu.memref_squeeze %dma_wait3A_102 : memref<1x128xi32, #tpu.memory_space<vmem>> -> memref<128xi32, #tpu.memory_space<vmem>>
    %dma_wait3A_104 = arith.constant 0 : i32
    %dma_wait3A_105 = arith.constant 0 : i32
    %dma_wait3A_106 = tpu.memref_slice %arg2[%dma_wait3A_104, %dma_wait3A_105] : memref<10112x40xf32, #tpu.memory_space<hbm>> -> memref<10112x40xf32, #tpu.memory_space<hbm>>
    tpu.wait_indirect_dma semaphore(%arg25 : memref<!tpu.dma_semaphore, #tpu.memory_space<semaphore_mem>>) src(%dma_wait3A_106 : memref<10112x40xf32, #tpu.memory_space<hbm>>) dst(%arg15 : memref<128x40xf32, #tpu.memory_space<vmem>>)
    %dma_wait3A_107 = arith.constant 5 : i32
    %dma_wait3A_108 = arith.constant 0 : i32
    %dma_wait3A_109 = tpu.memref_slice %arg9[%dma_wait3A_107, %dma_wait3A_108] : memref<96x128xi32, #tpu.memory_space<vmem>> -> memref<1x128xi32, #tpu.memory_space<vmem>>
    %dma_wait3A_110 = tpu.memref_squeeze %dma_wait3A_109 : memref<1x128xi32, #tpu.memory_space<vmem>> -> memref<128xi32, #tpu.memory_space<vmem>>
    %dma_wait3A_111 = arith.constant 0 : i32
    %dma_wait3A_112 = arith.constant 0 : i32
    %dma_wait3A_113 = tpu.memref_slice %arg2[%dma_wait3A_111, %dma_wait3A_112] : memref<10112x40xf32, #tpu.memory_space<hbm>> -> memref<10112x40xf32, #tpu.memory_space<hbm>>
    tpu.wait_indirect_dma semaphore(%arg26 : memref<!tpu.dma_semaphore, #tpu.memory_space<semaphore_mem>>) src(%dma_wait3A_113 : memref<10112x40xf32, #tpu.memory_space<hbm>>) dst(%arg16 : memref<128x40xf32, #tpu.memory_space<vmem>>)
    %dma_wait3A_114 = arith.constant 6 : i32
    %dma_wait3A_115 = arith.constant 0 : i32
    %dma_wait3A_116 = tpu.memref_slice %arg9[%dma_wait3A_114, %dma_wait3A_115] : memref<96x128xi32, #tpu.memory_space<vmem>> -> memref<1x128xi32, #tpu.memory_space<vmem>>
    %dma_wait3A_117 = tpu.memref_squeeze %dma_wait3A_116 : memref<1x128xi32, #tpu.memory_space<vmem>> -> memref<128xi32, #tpu.memory_space<vmem>>
    %dma_wait3A_118 = arith.constant 0 : i32
    %dma_wait3A_119 = arith.constant 0 : i32
    %dma_wait3A_120 = tpu.memref_slice %arg2[%dma_wait3A_118, %dma_wait3A_119] : memref<10112x40xf32, #tpu.memory_space<hbm>> -> memref<10112x40xf32, #tpu.memory_space<hbm>>
    tpu.wait_indirect_dma semaphore(%arg27 : memref<!tpu.dma_semaphore, #tpu.memory_space<semaphore_mem>>) src(%dma_wait3A_120 : memref<10112x40xf32, #tpu.memory_space<hbm>>) dst(%arg17 : memref<128x40xf32, #tpu.memory_space<vmem>>)
    %dma_wait3A_121 = arith.constant 7 : i32
    %dma_wait3A_122 = arith.constant 0 : i32
    %dma_wait3A_123 = tpu.memref_slice %arg9[%dma_wait3A_121, %dma_wait3A_122] : memref<96x128xi32, #tpu.memory_space<vmem>> -> memref<1x128xi32, #tpu.memory_space<vmem>>
    %dma_wait3A_124 = tpu.memref_squeeze %dma_wait3A_123 : memref<1x128xi32, #tpu.memory_space<vmem>> -> memref<128xi32, #tpu.memory_space<vmem>>
    %dma_wait3A_125 = arith.constant 0 : i32
    %dma_wait3A_126 = arith.constant 0 : i32
    %dma_wait3A_127 = tpu.memref_slice %arg2[%dma_wait3A_125, %dma_wait3A_126] : memref<10112x40xf32, #tpu.memory_space<hbm>> -> memref<10112x40xf32, #tpu.memory_space<hbm>>
    tpu.wait_indirect_dma semaphore(%arg28 : memref<!tpu.dma_semaphore, #tpu.memory_space<semaphore_mem>>) src(%dma_wait3A_127 : memref<10112x40xf32, #tpu.memory_space<hbm>>) dst(%arg18 : memref<128x40xf32, #tpu.memory_space<vmem>>)
    %barrier3A_128 = arith.constant 0 : index
    tpu.barrier barrier_id(%barrier3A_128)
    %mul3A_129 = arith.constant 632 : i32
    %mul3A_130 = arith.muli %arg1, %mul3A_129 : i32
    "tpu.region"() ({
      %run_scoped3A = tpu.sem_alloc : memref<!tpu.dma_semaphore, #tpu.memory_space<semaphore_mem>>
      %dma_start3A_133 = arith.constant 0 : i32
      %dma_start3A_134 = tpu.memref_slice %arg20[%mul3A_130, %dma_start3A_133] : memref<10112x40xf32, #tpu.memory_space<vmem_shared>> -> memref<632x40xf32, #tpu.memory_space<vmem_shared>>
      %dma_start3A_135 = arith.constant 0 : i32
      %dma_start3A_136 = tpu.memref_slice %arg20[%mul3A_130, %dma_start3A_135] : memref<10112x40xf32, #tpu.memory_space<vmem_shared>> -> memref<632x40xf32, #tpu.memory_space<vmem_shared>>
      tpu.enqueue_dma source(%dma_start3A_136 : memref<632x40xf32, #tpu.memory_space<vmem_shared>>) target(%arg19 : memref<632x40xf32, #tpu.memory_space<vmem>>) target_semaphore(%run_scoped3A : memref<!tpu.dma_semaphore, #tpu.memory_space<semaphore_mem>>)
      %dma_wait3A_137 = arith.constant 0 : i32
      %dma_wait3A_138 = tpu.memref_slice %arg20[%mul3A_130, %dma_wait3A_137] : memref<10112x40xf32, #tpu.memory_space<vmem_shared>> -> memref<632x40xf32, #tpu.memory_space<vmem_shared>>
      %dma_wait3A_139 = arith.constant 0 : i32
      %dma_wait3A_140 = tpu.memref_slice %arg20[%mul3A_130, %dma_wait3A_139] : memref<10112x40xf32, #tpu.memory_space<vmem_shared>> -> memref<632x40xf32, #tpu.memory_space<vmem_shared>>
      tpu.wait_dma2 semaphore(%run_scoped3A : memref<!tpu.dma_semaphore, #tpu.memory_space<semaphore_mem>>) src(%dma_wait3A_140 : memref<632x40xf32, #tpu.memory_space<vmem_shared>>) dst(%arg19 : memref<632x40xf32, #tpu.memory_space<vmem>>)
      tpu.yield
    }) : () -> ()
    %mul3A_131 = arith.constant 632 : i32
    %mul3A_132 = arith.muli %arg1, %mul3A_131 : i32
    "tpu.region"() ({
      %run_scoped3A = tpu.sem_alloc : memref<!tpu.dma_semaphore, #tpu.memory_space<semaphore_mem>>
      %dma_start3A_133 = arith.constant 0 : i32
      %dma_start3A_134 = tpu.memref_slice %arg8[%arg0, %mul3A_132, %dma_start3A_133] : memref<2x10112x40xf32, #tpu.memory_space<hbm>> -> memref<1x632x40xf32, #tpu.memory_space<hbm>>
      %dma_start3A_135 = tpu.memref_squeeze %dma_start3A_134 : memref<1x632x40xf32, #tpu.memory_space<hbm>> -> memref<632x40xf32, #tpu.memory_space<hbm>>
      %dma_start3A_136 = arith.constant 0 : i32
      %dma_start3A_137 = tpu.memref_slice %arg8[%arg0, %mul3A_132, %dma_start3A_136] : memref<2x10112x40xf32, #tpu.memory_space<hbm>> -> memref<1x632x40xf32, #tpu.memory_space<hbm>>
      %dma_start3A_138 = tpu.memref_squeeze %dma_start3A_137 : memref<1x632x40xf32, #tpu.memory_space<hbm>> -> memref<632x40xf32, #tpu.memory_space<hbm>>
      tpu.enqueue_dma source(%arg19 : memref<632x40xf32, #tpu.memory_space<vmem>>) target(%dma_start3A_138 : memref<632x40xf32, #tpu.memory_space<hbm>>) target_semaphore(%run_scoped3A : memref<!tpu.dma_semaphore, #tpu.memory_space<semaphore_mem>>)
      %dma_wait3A_139 = arith.constant 0 : i32
      %dma_wait3A_140 = tpu.memref_slice %arg8[%arg0, %mul3A_132, %dma_wait3A_139] : memref<2x10112x40xf32, #tpu.memory_space<hbm>> -> memref<1x632x40xf32, #tpu.memory_space<hbm>>
      %dma_wait3A_141 = tpu.memref_squeeze %dma_wait3A_140 : memref<1x632x40xf32, #tpu.memory_space<hbm>> -> memref<632x40xf32, #tpu.memory_space<hbm>>
      %dma_wait3A_142 = arith.constant 0 : i32
      %dma_wait3A_143 = tpu.memref_slice %arg8[%arg0, %mul3A_132, %dma_wait3A_142] : memref<2x10112x40xf32, #tpu.memory_space<hbm>> -> memref<1x632x40xf32, #tpu.memory_space<hbm>>
      %dma_wait3A_144 = tpu.memref_squeeze %dma_wait3A_143 : memref<1x632x40xf32, #tpu.memory_space<hbm>> -> memref<632x40xf32, #tpu.memory_space<hbm>>
      tpu.wait_dma2 semaphore(%run_scoped3A : memref<!tpu.dma_semaphore, #tpu.memory_space<semaphore_mem>>) src(%arg19 : memref<632x40xf32, #tpu.memory_space<vmem>>) dst(%dma_wait3A_144 : memref<632x40xf32, #tpu.memory_space<hbm>>)
      tpu.yield
    }) : () -> ()
    return
  }
}

#map = affine_map<(d0, d1) -> (0, 0)>
#map1 = affine_map<(d0, d1) -> (0)>
module attributes {stable_mosaic.version = 14 : i64} {
  func.func @deg_kernel(%arg0: i32, %arg1: i32, %arg2: memref<2496x128xi32, #tpu.memory_space<hbm>>, %arg3: memref<320x128xi32, #tpu.memory_space<hbm>>, %arg4: memref<128xf32, #tpu.memory_space<hbm>>, %arg5: memref<10112xf32, #tpu.memory_space<hbm>>, %arg6: memref<2x10112xf32, #tpu.memory_space<hbm>>, %arg7: memref<88x128xi32, #tpu.memory_space<vmem>>, %arg8: memref<128xf32, #tpu.memory_space<vmem>>, %arg9: memref<632xf32, #tpu.memory_space<vmem>>, %arg10: memref<10112xf32, #tpu.memory_space<vmem_shared>>) attributes {dimension_semantics = [#tpu.dimension_semantics<core_parallel>, #tpu.dimension_semantics<subcore_parallel>], iteration_bounds = array<i64: 2, 16>, scalar_prefetch = 0 : i64, scratch_operands = 4 : i64, tpu.core_type = #tpu.core_type<sc_vector_subcore>, window_params = [{transform_indices = #map}, {transform_indices = #map}, {transform_indices = #map1}, {transform_indices = #map1}, {transform_indices = #map}]} {
    %mul3A = arith.constant 2 : i32
    %mul3A_0 = arith.muli %arg1, %mul3A : i32
    %add3A = arith.addi %mul3A_0, %arg0 : i32
    %mul3A_1 = arith.constant 632 : i32
    %mul3A_2 = arith.muli %arg1, %mul3A_1 : i32
    "tpu.region"() ({
      %run_scoped3A = tpu.sem_alloc : memref<!tpu.dma_semaphore, #tpu.memory_space<semaphore_mem>>
      %dma_start3A = tpu.memref_slice %arg5[%mul3A_2] : memref<10112xf32, #tpu.memory_space<hbm>> -> memref<632xf32, #tpu.memory_space<hbm>>
      %dma_start3A_19 = tpu.memref_slice %arg5[%mul3A_2] : memref<10112xf32, #tpu.memory_space<hbm>> -> memref<632xf32, #tpu.memory_space<hbm>>
      tpu.enqueue_dma source(%dma_start3A_19 : memref<632xf32, #tpu.memory_space<hbm>>) target(%arg9 : memref<632xf32, #tpu.memory_space<vmem>>) target_semaphore(%run_scoped3A : memref<!tpu.dma_semaphore, #tpu.memory_space<semaphore_mem>>)
      %dma_wait3A = tpu.memref_slice %arg5[%mul3A_2] : memref<10112xf32, #tpu.memory_space<hbm>> -> memref<632xf32, #tpu.memory_space<hbm>>
      %dma_wait3A_20 = tpu.memref_slice %arg5[%mul3A_2] : memref<10112xf32, #tpu.memory_space<hbm>> -> memref<632xf32, #tpu.memory_space<hbm>>
      tpu.wait_dma2 semaphore(%run_scoped3A : memref<!tpu.dma_semaphore, #tpu.memory_space<semaphore_mem>>) src(%dma_wait3A_20 : memref<632xf32, #tpu.memory_space<hbm>>) dst(%arg9 : memref<632xf32, #tpu.memory_space<vmem>>)
      tpu.yield
    }) : () -> ()
    %mul3A_3 = arith.constant 632 : i32
    %mul3A_4 = arith.muli %arg1, %mul3A_3 : i32
    "tpu.region"() ({
      %run_scoped3A = tpu.sem_alloc : memref<!tpu.dma_semaphore, #tpu.memory_space<semaphore_mem>>
      %dma_start3A = tpu.memref_slice %arg10[%mul3A_4] : memref<10112xf32, #tpu.memory_space<vmem_shared>> -> memref<632xf32, #tpu.memory_space<vmem_shared>>
      %dma_start3A_19 = tpu.memref_slice %arg10[%mul3A_4] : memref<10112xf32, #tpu.memory_space<vmem_shared>> -> memref<632xf32, #tpu.memory_space<vmem_shared>>
      tpu.enqueue_dma source(%arg9 : memref<632xf32, #tpu.memory_space<vmem>>) target(%dma_start3A_19 : memref<632xf32, #tpu.memory_space<vmem_shared>>) target_semaphore(%run_scoped3A : memref<!tpu.dma_semaphore, #tpu.memory_space<semaphore_mem>>)
      %dma_wait3A = tpu.memref_slice %arg10[%mul3A_4] : memref<10112xf32, #tpu.memory_space<vmem_shared>> -> memref<632xf32, #tpu.memory_space<vmem_shared>>
      %dma_wait3A_20 = tpu.memref_slice %arg10[%mul3A_4] : memref<10112xf32, #tpu.memory_space<vmem_shared>> -> memref<632xf32, #tpu.memory_space<vmem_shared>>
      tpu.wait_dma2 semaphore(%run_scoped3A : memref<!tpu.dma_semaphore, #tpu.memory_space<semaphore_mem>>) src(%arg9 : memref<632xf32, #tpu.memory_space<vmem>>) dst(%dma_wait3A_20 : memref<632xf32, #tpu.memory_space<vmem_shared>>)
      tpu.yield
    }) : () -> ()
    "tpu.region"() ({
      %run_scoped3A = tpu.sem_alloc : memref<!tpu.dma_semaphore, #tpu.memory_space<semaphore_mem>>
      tpu.enqueue_dma source(%arg4 : memref<128xf32, #tpu.memory_space<hbm>>) target(%arg8 : memref<128xf32, #tpu.memory_space<vmem>>) target_semaphore(%run_scoped3A : memref<!tpu.dma_semaphore, #tpu.memory_space<semaphore_mem>>)
      tpu.wait_dma2 semaphore(%run_scoped3A : memref<!tpu.dma_semaphore, #tpu.memory_space<semaphore_mem>>) src(%arg4 : memref<128xf32, #tpu.memory_space<hbm>>) dst(%arg8 : memref<128xf32, #tpu.memory_space<vmem>>)
      tpu.yield
    }) : () -> ()
    %mul3A_5 = arith.constant 78 : i32
    %mul3A_6 = arith.muli %add3A, %mul3A_5 : i32
    "tpu.region"() ({
      %run_scoped3A = tpu.sem_alloc : memref<!tpu.dma_semaphore, #tpu.memory_space<semaphore_mem>>
      %dma_start3A = arith.constant 0 : i32
      %dma_start3A_19 = arith.constant 0 : i32
      %dma_start3A_20 = tpu.memref_slice %arg7[%dma_start3A, %dma_start3A_19] : memref<88x128xi32, #tpu.memory_space<vmem>> -> memref<78x128xi32, #tpu.memory_space<vmem>>
      %dma_start3A_21 = arith.constant 0 : i32
      %dma_start3A_22 = tpu.memref_slice %arg2[%mul3A_6, %dma_start3A_21] : memref<2496x128xi32, #tpu.memory_space<hbm>> -> memref<78x128xi32, #tpu.memory_space<hbm>>
      %dma_start3A_23 = arith.constant 0 : i32
      %dma_start3A_24 = arith.constant 0 : i32
      %dma_start3A_25 = tpu.memref_slice %arg7[%dma_start3A_23, %dma_start3A_24] : memref<88x128xi32, #tpu.memory_space<vmem>> -> memref<78x128xi32, #tpu.memory_space<vmem>>
      %dma_start3A_26 = arith.constant 0 : i32
      %dma_start3A_27 = tpu.memref_slice %arg2[%mul3A_6, %dma_start3A_26] : memref<2496x128xi32, #tpu.memory_space<hbm>> -> memref<78x128xi32, #tpu.memory_space<hbm>>
      tpu.enqueue_dma source(%dma_start3A_27 : memref<78x128xi32, #tpu.memory_space<hbm>>) target(%dma_start3A_25 : memref<78x128xi32, #tpu.memory_space<vmem>>) target_semaphore(%run_scoped3A : memref<!tpu.dma_semaphore, #tpu.memory_space<semaphore_mem>>)
      %dma_wait3A = arith.constant 0 : i32
      %dma_wait3A_28 = arith.constant 0 : i32
      %dma_wait3A_29 = tpu.memref_slice %arg7[%dma_wait3A, %dma_wait3A_28] : memref<88x128xi32, #tpu.memory_space<vmem>> -> memref<78x128xi32, #tpu.memory_space<vmem>>
      %dma_wait3A_30 = arith.constant 0 : i32
      %dma_wait3A_31 = tpu.memref_slice %arg2[%mul3A_6, %dma_wait3A_30] : memref<2496x128xi32, #tpu.memory_space<hbm>> -> memref<78x128xi32, #tpu.memory_space<hbm>>
      %dma_wait3A_32 = arith.constant 0 : i32
      %dma_wait3A_33 = arith.constant 0 : i32
      %dma_wait3A_34 = tpu.memref_slice %arg7[%dma_wait3A_32, %dma_wait3A_33] : memref<88x128xi32, #tpu.memory_space<vmem>> -> memref<78x128xi32, #tpu.memory_space<vmem>>
      %dma_wait3A_35 = arith.constant 0 : i32
      %dma_wait3A_36 = tpu.memref_slice %arg2[%mul3A_6, %dma_wait3A_35] : memref<2496x128xi32, #tpu.memory_space<hbm>> -> memref<78x128xi32, #tpu.memory_space<hbm>>
      tpu.wait_dma2 semaphore(%run_scoped3A : memref<!tpu.dma_semaphore, #tpu.memory_space<semaphore_mem>>) src(%dma_wait3A_36 : memref<78x128xi32, #tpu.memory_space<hbm>>) dst(%dma_wait3A_34 : memref<78x128xi32, #tpu.memory_space<vmem>>)
      tpu.yield
    }) : () -> ()
    %mul3A_7 = arith.constant 10 : i32
    %mul3A_8 = arith.muli %add3A, %mul3A_7 : i32
    "tpu.region"() ({
      %run_scoped3A = tpu.sem_alloc : memref<!tpu.dma_semaphore, #tpu.memory_space<semaphore_mem>>
      %dma_start3A = arith.constant 78 : i32
      %dma_start3A_19 = arith.constant 0 : i32
      %dma_start3A_20 = tpu.memref_slice %arg7[%dma_start3A, %dma_start3A_19] : memref<88x128xi32, #tpu.memory_space<vmem>> -> memref<10x128xi32, #tpu.memory_space<vmem>>
      %dma_start3A_21 = arith.constant 0 : i32
      %dma_start3A_22 = tpu.memref_slice %arg3[%mul3A_8, %dma_start3A_21] : memref<320x128xi32, #tpu.memory_space<hbm>> -> memref<10x128xi32, #tpu.memory_space<hbm>>
      %dma_start3A_23 = arith.constant 78 : i32
      %dma_start3A_24 = arith.constant 0 : i32
      %dma_start3A_25 = tpu.memref_slice %arg7[%dma_start3A_23, %dma_start3A_24] : memref<88x128xi32, #tpu.memory_space<vmem>> -> memref<10x128xi32, #tpu.memory_space<vmem>>
      %dma_start3A_26 = arith.constant 0 : i32
      %dma_start3A_27 = tpu.memref_slice %arg3[%mul3A_8, %dma_start3A_26] : memref<320x128xi32, #tpu.memory_space<hbm>> -> memref<10x128xi32, #tpu.memory_space<hbm>>
      tpu.enqueue_dma source(%dma_start3A_27 : memref<10x128xi32, #tpu.memory_space<hbm>>) target(%dma_start3A_25 : memref<10x128xi32, #tpu.memory_space<vmem>>) target_semaphore(%run_scoped3A : memref<!tpu.dma_semaphore, #tpu.memory_space<semaphore_mem>>)
      %dma_wait3A = arith.constant 78 : i32
      %dma_wait3A_28 = arith.constant 0 : i32
      %dma_wait3A_29 = tpu.memref_slice %arg7[%dma_wait3A, %dma_wait3A_28] : memref<88x128xi32, #tpu.memory_space<vmem>> -> memref<10x128xi32, #tpu.memory_space<vmem>>
      %dma_wait3A_30 = arith.constant 0 : i32
      %dma_wait3A_31 = tpu.memref_slice %arg3[%mul3A_8, %dma_wait3A_30] : memref<320x128xi32, #tpu.memory_space<hbm>> -> memref<10x128xi32, #tpu.memory_space<hbm>>
      %dma_wait3A_32 = arith.constant 78 : i32
      %dma_wait3A_33 = arith.constant 0 : i32
      %dma_wait3A_34 = tpu.memref_slice %arg7[%dma_wait3A_32, %dma_wait3A_33] : memref<88x128xi32, #tpu.memory_space<vmem>> -> memref<10x128xi32, #tpu.memory_space<vmem>>
      %dma_wait3A_35 = arith.constant 0 : i32
      %dma_wait3A_36 = tpu.memref_slice %arg3[%mul3A_8, %dma_wait3A_35] : memref<320x128xi32, #tpu.memory_space<hbm>> -> memref<10x128xi32, #tpu.memory_space<hbm>>
      tpu.wait_dma2 semaphore(%run_scoped3A : memref<!tpu.dma_semaphore, #tpu.memory_space<semaphore_mem>>) src(%dma_wait3A_36 : memref<10x128xi32, #tpu.memory_space<hbm>>) dst(%dma_wait3A_34 : memref<10x128xi32, #tpu.memory_space<vmem>>)
      tpu.yield
    }) : () -> ()
    %barrier3A = arith.constant 0 : index
    tpu.barrier barrier_id(%barrier3A)
    %scan3A = arith.constant 0 : i32
    %scan3A_9 = arith.constant 0 : i32
    %scan3A_10 = arith.constant 88 : i32
    %scan3A_11 = arith.addi %scan3A_9, %scan3A_10 : i32
    %scan3A_12 = arith.constant 1 : i32
    scf.for %scan3A_19 = %scan3A_9 to %scan3A_11 step %scan3A_12  : i32 {
      "tpu.region"() ({
        %run_scoped3A = tpu.sem_alloc : memref<!tpu.dma_semaphore, #tpu.memory_space<semaphore_mem>>
        %dma_start3A = arith.constant 0 : i32
        %dma_start3A_20 = tpu.memref_slice %arg7[%scan3A_19, %dma_start3A] : memref<88x128xi32, #tpu.memory_space<vmem>> -> memref<1x128xi32, #tpu.memory_space<vmem>>
        %dma_start3A_21 = tpu.memref_squeeze %dma_start3A_20 : memref<1x128xi32, #tpu.memory_space<vmem>> -> memref<128xi32, #tpu.memory_space<vmem>>
        %dma_start3A_22 = arith.constant 0 : i32
        %dma_start3A_23 = tpu.memref_slice %arg10[%dma_start3A_22] : memref<10112xf32, #tpu.memory_space<vmem_shared>> -> memref<10112xf32, #tpu.memory_space<vmem_shared>>
        tpu.enqueue_indirect_dma source(%arg8 : memref<128xf32, #tpu.memory_space<vmem>>) target(%dma_start3A_23 : memref<10112xf32, #tpu.memory_space<vmem_shared>>) offsets(%dma_start3A_21 : memref<128xi32, #tpu.memory_space<vmem>>) semaphore(%run_scoped3A : memref<!tpu.dma_semaphore, #tpu.memory_space<semaphore_mem>>) {add = true}
        %dma_wait3A = arith.constant 0 : i32
        %dma_wait3A_24 = tpu.memref_slice %arg7[%scan3A_19, %dma_wait3A] : memref<88x128xi32, #tpu.memory_space<vmem>> -> memref<1x128xi32, #tpu.memory_space<vmem>>
        %dma_wait3A_25 = tpu.memref_squeeze %dma_wait3A_24 : memref<1x128xi32, #tpu.memory_space<vmem>> -> memref<128xi32, #tpu.memory_space<vmem>>
        %dma_wait3A_26 = arith.constant 0 : i32
        %dma_wait3A_27 = tpu.memref_slice %arg10[%dma_wait3A_26] : memref<10112xf32, #tpu.memory_space<vmem_shared>> -> memref<10112xf32, #tpu.memory_space<vmem_shared>>
        tpu.wait_indirect_dma semaphore(%run_scoped3A : memref<!tpu.dma_semaphore, #tpu.memory_space<semaphore_mem>>) src(%arg8 : memref<128xf32, #tpu.memory_space<vmem>>) dst(%dma_wait3A_27 : memref<10112xf32, #tpu.memory_space<vmem_shared>>)
        tpu.yield
      }) : () -> ()
    }
    %scan3A_13 = arith.constant 88 : i32
    %barrier3A_14 = arith.constant 0 : index
    tpu.barrier barrier_id(%barrier3A_14)
    %mul3A_15 = arith.constant 632 : i32
    %mul3A_16 = arith.muli %arg1, %mul3A_15 : i32
    "tpu.region"() ({
      %run_scoped3A = tpu.sem_alloc : memref<!tpu.dma_semaphore, #tpu.memory_space<semaphore_mem>>
      %dma_start3A = tpu.memref_slice %arg10[%mul3A_16] : memref<10112xf32, #tpu.memory_space<vmem_shared>> -> memref<632xf32, #tpu.memory_space<vmem_shared>>
      %dma_start3A_19 = tpu.memref_slice %arg10[%mul3A_16] : memref<10112xf32, #tpu.memory_space<vmem_shared>> -> memref<632xf32, #tpu.memory_space<vmem_shared>>
      tpu.enqueue_dma source(%dma_start3A_19 : memref<632xf32, #tpu.memory_space<vmem_shared>>) target(%arg9 : memref<632xf32, #tpu.memory_space<vmem>>) target_semaphore(%run_scoped3A : memref<!tpu.dma_semaphore, #tpu.memory_space<semaphore_mem>>)
      %dma_wait3A = tpu.memref_slice %arg10[%mul3A_16] : memref<10112xf32, #tpu.memory_space<vmem_shared>> -> memref<632xf32, #tpu.memory_space<vmem_shared>>
      %dma_wait3A_20 = tpu.memref_slice %arg10[%mul3A_16] : memref<10112xf32, #tpu.memory_space<vmem_shared>> -> memref<632xf32, #tpu.memory_space<vmem_shared>>
      tpu.wait_dma2 semaphore(%run_scoped3A : memref<!tpu.dma_semaphore, #tpu.memory_space<semaphore_mem>>) src(%dma_wait3A_20 : memref<632xf32, #tpu.memory_space<vmem_shared>>) dst(%arg9 : memref<632xf32, #tpu.memory_space<vmem>>)
      tpu.yield
    }) : () -> ()
    %mul3A_17 = arith.constant 632 : i32
    %mul3A_18 = arith.muli %arg1, %mul3A_17 : i32
    "tpu.region"() ({
      %run_scoped3A = tpu.sem_alloc : memref<!tpu.dma_semaphore, #tpu.memory_space<semaphore_mem>>
      %dma_start3A = tpu.memref_slice %arg6[%arg0, %mul3A_18] : memref<2x10112xf32, #tpu.memory_space<hbm>> -> memref<1x632xf32, #tpu.memory_space<hbm>>
      %dma_start3A_19 = tpu.memref_squeeze %dma_start3A : memref<1x632xf32, #tpu.memory_space<hbm>> -> memref<632xf32, #tpu.memory_space<hbm>>
      %dma_start3A_20 = tpu.memref_slice %arg6[%arg0, %mul3A_18] : memref<2x10112xf32, #tpu.memory_space<hbm>> -> memref<1x632xf32, #tpu.memory_space<hbm>>
      %dma_start3A_21 = tpu.memref_squeeze %dma_start3A_20 : memref<1x632xf32, #tpu.memory_space<hbm>> -> memref<632xf32, #tpu.memory_space<hbm>>
      tpu.enqueue_dma source(%arg9 : memref<632xf32, #tpu.memory_space<vmem>>) target(%dma_start3A_21 : memref<632xf32, #tpu.memory_space<hbm>>) target_semaphore(%run_scoped3A : memref<!tpu.dma_semaphore, #tpu.memory_space<semaphore_mem>>)
      %dma_wait3A = tpu.memref_slice %arg6[%arg0, %mul3A_18] : memref<2x10112xf32, #tpu.memory_space<hbm>> -> memref<1x632xf32, #tpu.memory_space<hbm>>
      %dma_wait3A_22 = tpu.memref_squeeze %dma_wait3A : memref<1x632xf32, #tpu.memory_space<hbm>> -> memref<632xf32, #tpu.memory_space<hbm>>
      %dma_wait3A_23 = tpu.memref_slice %arg6[%arg0, %mul3A_18] : memref<2x10112xf32, #tpu.memory_space<hbm>> -> memref<1x632xf32, #tpu.memory_space<hbm>>
      %dma_wait3A_24 = tpu.memref_squeeze %dma_wait3A_23 : memref<1x632xf32, #tpu.memory_space<hbm>> -> memref<632xf32, #tpu.memory_space<hbm>>
      tpu.wait_dma2 semaphore(%run_scoped3A : memref<!tpu.dma_semaphore, #tpu.memory_space<semaphore_mem>>) src(%arg9 : memref<632xf32, #tpu.memory_space<vmem>>) dst(%dma_wait3A_24 : memref<632xf32, #tpu.memory_space<hbm>>)
      tpu.yield
    }) : () -> ()
    return
  }
}

#map = affine_map<(d0, d1) -> (0, 0)>
#map1 = affine_map<(d0, d1) -> (0, 0, 0)>
module attributes {stable_mosaic.version = 14 : i64} {
  func.func @spmm_kernel(%arg0: i32, %arg1: i32, %arg2: memref<10112x16xf32, #tpu.memory_space<hbm>>, %arg3: memref<2496x128xi32, #tpu.memory_space<hbm>>, %arg4: memref<320x128xi32, #tpu.memory_space<hbm>>, %arg5: memref<2496x128xi32, #tpu.memory_space<hbm>>, %arg6: memref<320x128xi32, #tpu.memory_space<hbm>>, %arg7: memref<10112x16xf32, #tpu.memory_space<hbm>>, %arg8: memref<2x10112x16xf32, #tpu.memory_space<hbm>>, %arg9: memref<96x128xi32, #tpu.memory_space<vmem>>, %arg10: memref<88x128xi32, #tpu.memory_space<vmem>>, %arg11: memref<128x16xf32, #tpu.memory_space<vmem>>, %arg12: memref<128x16xf32, #tpu.memory_space<vmem>>, %arg13: memref<128x16xf32, #tpu.memory_space<vmem>>, %arg14: memref<128x16xf32, #tpu.memory_space<vmem>>, %arg15: memref<128x16xf32, #tpu.memory_space<vmem>>, %arg16: memref<128x16xf32, #tpu.memory_space<vmem>>, %arg17: memref<128x16xf32, #tpu.memory_space<vmem>>, %arg18: memref<128x16xf32, #tpu.memory_space<vmem>>, %arg19: memref<632x16xf32, #tpu.memory_space<vmem>>, %arg20: memref<10112x16xf32, #tpu.memory_space<vmem_shared>>, %arg21: memref<!tpu.dma_semaphore, #tpu.memory_space<semaphore_mem>>, %arg22: memref<!tpu.dma_semaphore, #tpu.memory_space<semaphore_mem>>, %arg23: memref<!tpu.dma_semaphore, #tpu.memory_space<semaphore_mem>>, %arg24: memref<!tpu.dma_semaphore, #tpu.memory_space<semaphore_mem>>, %arg25: memref<!tpu.dma_semaphore, #tpu.memory_space<semaphore_mem>>, %arg26: memref<!tpu.dma_semaphore, #tpu.memory_space<semaphore_mem>>, %arg27: memref<!tpu.dma_semaphore, #tpu.memory_space<semaphore_mem>>, %arg28: memref<!tpu.dma_semaphore, #tpu.memory_space<semaphore_mem>>) attributes {dimension_semantics = [#tpu.dimension_semantics<core_parallel>, #tpu.dimension_semantics<subcore_parallel>], iteration_bounds = array<i64: 2, 16>, scalar_prefetch = 0 : i64, scratch_operands = 20 : i64, tpu.core_type = #tpu.core_type<sc_vector_subcore>, window_params = [{transform_indices = #map}, {transform_indices = #map}, {transform_indices = #map}, {transform_indices = #map}, {transform_indices = #map}, {transform_indices = #map}, {transform_indices = #map1}]} {
    %mul3A = arith.constant 2 : i32
    %mul3A_0 = arith.muli %arg1, %mul3A : i32
    %add3A = arith.addi %mul3A_0, %arg0 : i32
    %mul3A_1 = arith.constant 632 : i32
    %mul3A_2 = arith.muli %arg1, %mul3A_1 : i32
    "tpu.region"() ({
      %run_scoped3A = tpu.sem_alloc : memref<!tpu.dma_semaphore, #tpu.memory_space<semaphore_mem>>
      %dma_start3A_133 = arith.constant 0 : i32
      %dma_start3A_134 = tpu.memref_slice %arg7[%mul3A_2, %dma_start3A_133] : memref<10112x16xf32, #tpu.memory_space<hbm>> -> memref<632x16xf32, #tpu.memory_space<hbm>>
      %dma_start3A_135 = arith.constant 0 : i32
      %dma_start3A_136 = tpu.memref_slice %arg7[%mul3A_2, %dma_start3A_135] : memref<10112x16xf32, #tpu.memory_space<hbm>> -> memref<632x16xf32, #tpu.memory_space<hbm>>
      tpu.enqueue_dma source(%dma_start3A_136 : memref<632x16xf32, #tpu.memory_space<hbm>>) target(%arg19 : memref<632x16xf32, #tpu.memory_space<vmem>>) target_semaphore(%run_scoped3A : memref<!tpu.dma_semaphore, #tpu.memory_space<semaphore_mem>>)
      %dma_wait3A_137 = arith.constant 0 : i32
      %dma_wait3A_138 = tpu.memref_slice %arg7[%mul3A_2, %dma_wait3A_137] : memref<10112x16xf32, #tpu.memory_space<hbm>> -> memref<632x16xf32, #tpu.memory_space<hbm>>
      %dma_wait3A_139 = arith.constant 0 : i32
      %dma_wait3A_140 = tpu.memref_slice %arg7[%mul3A_2, %dma_wait3A_139] : memref<10112x16xf32, #tpu.memory_space<hbm>> -> memref<632x16xf32, #tpu.memory_space<hbm>>
      tpu.wait_dma2 semaphore(%run_scoped3A : memref<!tpu.dma_semaphore, #tpu.memory_space<semaphore_mem>>) src(%dma_wait3A_140 : memref<632x16xf32, #tpu.memory_space<hbm>>) dst(%arg19 : memref<632x16xf32, #tpu.memory_space<vmem>>)
      tpu.yield
    }) : () -> ()
    %mul3A_3 = arith.constant 632 : i32
    %mul3A_4 = arith.muli %arg1, %mul3A_3 : i32
    "tpu.region"() ({
      %run_scoped3A = tpu.sem_alloc : memref<!tpu.dma_semaphore, #tpu.memory_space<semaphore_mem>>
      %dma_start3A_133 = arith.constant 0 : i32
      %dma_start3A_134 = tpu.memref_slice %arg20[%mul3A_4, %dma_start3A_133] : memref<10112x16xf32, #tpu.memory_space<vmem_shared>> -> memref<632x16xf32, #tpu.memory_space<vmem_shared>>
      %dma_start3A_135 = arith.constant 0 : i32
      %dma_start3A_136 = tpu.memref_slice %arg20[%mul3A_4, %dma_start3A_135] : memref<10112x16xf32, #tpu.memory_space<vmem_shared>> -> memref<632x16xf32, #tpu.memory_space<vmem_shared>>
      tpu.enqueue_dma source(%arg19 : memref<632x16xf32, #tpu.memory_space<vmem>>) target(%dma_start3A_136 : memref<632x16xf32, #tpu.memory_space<vmem_shared>>) target_semaphore(%run_scoped3A : memref<!tpu.dma_semaphore, #tpu.memory_space<semaphore_mem>>)
      %dma_wait3A_137 = arith.constant 0 : i32
      %dma_wait3A_138 = tpu.memref_slice %arg20[%mul3A_4, %dma_wait3A_137] : memref<10112x16xf32, #tpu.memory_space<vmem_shared>> -> memref<632x16xf32, #tpu.memory_space<vmem_shared>>
      %dma_wait3A_139 = arith.constant 0 : i32
      %dma_wait3A_140 = tpu.memref_slice %arg20[%mul3A_4, %dma_wait3A_139] : memref<10112x16xf32, #tpu.memory_space<vmem_shared>> -> memref<632x16xf32, #tpu.memory_space<vmem_shared>>
      tpu.wait_dma2 semaphore(%run_scoped3A : memref<!tpu.dma_semaphore, #tpu.memory_space<semaphore_mem>>) src(%arg19 : memref<632x16xf32, #tpu.memory_space<vmem>>) dst(%dma_wait3A_140 : memref<632x16xf32, #tpu.memory_space<vmem_shared>>)
      tpu.yield
    }) : () -> ()
    %mul3A_5 = arith.constant 78 : i32
    %mul3A_6 = arith.muli %add3A, %mul3A_5 : i32
    "tpu.region"() ({
      %run_scoped3A = tpu.sem_alloc : memref<!tpu.dma_semaphore, #tpu.memory_space<semaphore_mem>>
      %dma_start3A_133 = arith.constant 0 : i32
      %dma_start3A_134 = arith.constant 0 : i32
      %dma_start3A_135 = tpu.memref_slice %arg9[%dma_start3A_133, %dma_start3A_134] : memref<96x128xi32, #tpu.memory_space<vmem>> -> memref<78x128xi32, #tpu.memory_space<vmem>>
      %dma_start3A_136 = arith.constant 0 : i32
      %dma_start3A_137 = tpu.memref_slice %arg3[%mul3A_6, %dma_start3A_136] : memref<2496x128xi32, #tpu.memory_space<hbm>> -> memref<78x128xi32, #tpu.memory_space<hbm>>
      %dma_start3A_138 = arith.constant 0 : i32
      %dma_start3A_139 = arith.constant 0 : i32
      %dma_start3A_140 = tpu.memref_slice %arg9[%dma_start3A_138, %dma_start3A_139] : memref<96x128xi32, #tpu.memory_space<vmem>> -> memref<78x128xi32, #tpu.memory_space<vmem>>
      %dma_start3A_141 = arith.constant 0 : i32
      %dma_start3A_142 = tpu.memref_slice %arg3[%mul3A_6, %dma_start3A_141] : memref<2496x128xi32, #tpu.memory_space<hbm>> -> memref<78x128xi32, #tpu.memory_space<hbm>>
      tpu.enqueue_dma source(%dma_start3A_142 : memref<78x128xi32, #tpu.memory_space<hbm>>) target(%dma_start3A_140 : memref<78x128xi32, #tpu.memory_space<vmem>>) target_semaphore(%run_scoped3A : memref<!tpu.dma_semaphore, #tpu.memory_space<semaphore_mem>>)
      %dma_wait3A_143 = arith.constant 0 : i32
      %dma_wait3A_144 = arith.constant 0 : i32
      %dma_wait3A_145 = tpu.memref_slice %arg9[%dma_wait3A_143, %dma_wait3A_144] : memref<96x128xi32, #tpu.memory_space<vmem>> -> memref<78x128xi32, #tpu.memory_space<vmem>>
      %dma_wait3A_146 = arith.constant 0 : i32
      %dma_wait3A_147 = tpu.memref_slice %arg3[%mul3A_6, %dma_wait3A_146] : memref<2496x128xi32, #tpu.memory_space<hbm>> -> memref<78x128xi32, #tpu.memory_space<hbm>>
      %dma_wait3A_148 = arith.constant 0 : i32
      %dma_wait3A_149 = arith.constant 0 : i32
      %dma_wait3A_150 = tpu.memref_slice %arg9[%dma_wait3A_148, %dma_wait3A_149] : memref<96x128xi32, #tpu.memory_space<vmem>> -> memref<78x128xi32, #tpu.memory_space<vmem>>
      %dma_wait3A_151 = arith.constant 0 : i32
      %dma_wait3A_152 = tpu.memref_slice %arg3[%mul3A_6, %dma_wait3A_151] : memref<2496x128xi32, #tpu.memory_space<hbm>> -> memref<78x128xi32, #tpu.memory_space<hbm>>
      tpu.wait_dma2 semaphore(%run_scoped3A : memref<!tpu.dma_semaphore, #tpu.memory_space<semaphore_mem>>) src(%dma_wait3A_152 : memref<78x128xi32, #tpu.memory_space<hbm>>) dst(%dma_wait3A_150 : memref<78x128xi32, #tpu.memory_space<vmem>>)
      tpu.yield
    }) : () -> ()
    %mul3A_7 = arith.constant 10 : i32
    %mul3A_8 = arith.muli %add3A, %mul3A_7 : i32
    "tpu.region"() ({
      %run_scoped3A = tpu.sem_alloc : memref<!tpu.dma_semaphore, #tpu.memory_space<semaphore_mem>>
      %dma_start3A_133 = arith.constant 78 : i32
      %dma_start3A_134 = arith.constant 0 : i32
      %dma_start3A_135 = tpu.memref_slice %arg9[%dma_start3A_133, %dma_start3A_134] : memref<96x128xi32, #tpu.memory_space<vmem>> -> memref<10x128xi32, #tpu.memory_space<vmem>>
      %dma_start3A_136 = arith.constant 0 : i32
      %dma_start3A_137 = tpu.memref_slice %arg4[%mul3A_8, %dma_start3A_136] : memref<320x128xi32, #tpu.memory_space<hbm>> -> memref<10x128xi32, #tpu.memory_space<hbm>>
      %dma_start3A_138 = arith.constant 78 : i32
      %dma_start3A_139 = arith.constant 0 : i32
      %dma_start3A_140 = tpu.memref_slice %arg9[%dma_start3A_138, %dma_start3A_139] : memref<96x128xi32, #tpu.memory_space<vmem>> -> memref<10x128xi32, #tpu.memory_space<vmem>>
      %dma_start3A_141 = arith.constant 0 : i32
      %dma_start3A_142 = tpu.memref_slice %arg4[%mul3A_8, %dma_start3A_141] : memref<320x128xi32, #tpu.memory_space<hbm>> -> memref<10x128xi32, #tpu.memory_space<hbm>>
      tpu.enqueue_dma source(%dma_start3A_142 : memref<10x128xi32, #tpu.memory_space<hbm>>) target(%dma_start3A_140 : memref<10x128xi32, #tpu.memory_space<vmem>>) target_semaphore(%run_scoped3A : memref<!tpu.dma_semaphore, #tpu.memory_space<semaphore_mem>>)
      %dma_wait3A_143 = arith.constant 78 : i32
      %dma_wait3A_144 = arith.constant 0 : i32
      %dma_wait3A_145 = tpu.memref_slice %arg9[%dma_wait3A_143, %dma_wait3A_144] : memref<96x128xi32, #tpu.memory_space<vmem>> -> memref<10x128xi32, #tpu.memory_space<vmem>>
      %dma_wait3A_146 = arith.constant 0 : i32
      %dma_wait3A_147 = tpu.memref_slice %arg4[%mul3A_8, %dma_wait3A_146] : memref<320x128xi32, #tpu.memory_space<hbm>> -> memref<10x128xi32, #tpu.memory_space<hbm>>
      %dma_wait3A_148 = arith.constant 78 : i32
      %dma_wait3A_149 = arith.constant 0 : i32
      %dma_wait3A_150 = tpu.memref_slice %arg9[%dma_wait3A_148, %dma_wait3A_149] : memref<96x128xi32, #tpu.memory_space<vmem>> -> memref<10x128xi32, #tpu.memory_space<vmem>>
      %dma_wait3A_151 = arith.constant 0 : i32
      %dma_wait3A_152 = tpu.memref_slice %arg4[%mul3A_8, %dma_wait3A_151] : memref<320x128xi32, #tpu.memory_space<hbm>> -> memref<10x128xi32, #tpu.memory_space<hbm>>
      tpu.wait_dma2 semaphore(%run_scoped3A : memref<!tpu.dma_semaphore, #tpu.memory_space<semaphore_mem>>) src(%dma_wait3A_152 : memref<10x128xi32, #tpu.memory_space<hbm>>) dst(%dma_wait3A_150 : memref<10x128xi32, #tpu.memory_space<vmem>>)
      tpu.yield
    }) : () -> ()
    "tpu.region"() ({
      %run_scoped3A = tpu.sem_alloc : memref<!tpu.dma_semaphore, #tpu.memory_space<semaphore_mem>>
      %dma_start3A_133 = arith.constant 88 : i32
      %dma_start3A_134 = arith.constant 0 : i32
      %dma_start3A_135 = tpu.memref_slice %arg9[%dma_start3A_133, %dma_start3A_134] : memref<96x128xi32, #tpu.memory_space<vmem>> -> memref<8x128xi32, #tpu.memory_space<vmem>>
      %dma_start3A_136 = arith.constant 0 : i32
      %dma_start3A_137 = arith.constant 0 : i32
      %dma_start3A_138 = tpu.memref_slice %arg4[%dma_start3A_136, %dma_start3A_137] : memref<320x128xi32, #tpu.memory_space<hbm>> -> memref<8x128xi32, #tpu.memory_space<hbm>>
      %dma_start3A_139 = arith.constant 88 : i32
      %dma_start3A_140 = arith.constant 0 : i32
      %dma_start3A_141 = tpu.memref_slice %arg9[%dma_start3A_139, %dma_start3A_140] : memref<96x128xi32, #tpu.memory_space<vmem>> -> memref<8x128xi32, #tpu.memory_space<vmem>>
      %dma_start3A_142 = arith.constant 0 : i32
      %dma_start3A_143 = arith.constant 0 : i32
      %dma_start3A_144 = tpu.memref_slice %arg4[%dma_start3A_142, %dma_start3A_143] : memref<320x128xi32, #tpu.memory_space<hbm>> -> memref<8x128xi32, #tpu.memory_space<hbm>>
      tpu.enqueue_dma source(%dma_start3A_144 : memref<8x128xi32, #tpu.memory_space<hbm>>) target(%dma_start3A_141 : memref<8x128xi32, #tpu.memory_space<vmem>>) target_semaphore(%run_scoped3A : memref<!tpu.dma_semaphore, #tpu.memory_space<semaphore_mem>>)
      %dma_wait3A_145 = arith.constant 88 : i32
      %dma_wait3A_146 = arith.constant 0 : i32
      %dma_wait3A_147 = tpu.memref_slice %arg9[%dma_wait3A_145, %dma_wait3A_146] : memref<96x128xi32, #tpu.memory_space<vmem>> -> memref<8x128xi32, #tpu.memory_space<vmem>>
      %dma_wait3A_148 = arith.constant 0 : i32
      %dma_wait3A_149 = arith.constant 0 : i32
      %dma_wait3A_150 = tpu.memref_slice %arg4[%dma_wait3A_148, %dma_wait3A_149] : memref<320x128xi32, #tpu.memory_space<hbm>> -> memref<8x128xi32, #tpu.memory_space<hbm>>
      %dma_wait3A_151 = arith.constant 88 : i32
      %dma_wait3A_152 = arith.constant 0 : i32
      %dma_wait3A_153 = tpu.memref_slice %arg9[%dma_wait3A_151, %dma_wait3A_152] : memref<96x128xi32, #tpu.memory_space<vmem>> -> memref<8x128xi32, #tpu.memory_space<vmem>>
      %dma_wait3A_154 = arith.constant 0 : i32
      %dma_wait3A_155 = arith.constant 0 : i32
      %dma_wait3A_156 = tpu.memref_slice %arg4[%dma_wait3A_154, %dma_wait3A_155] : memref<320x128xi32, #tpu.memory_space<hbm>> -> memref<8x128xi32, #tpu.memory_space<hbm>>
      tpu.wait_dma2 semaphore(%run_scoped3A : memref<!tpu.dma_semaphore, #tpu.memory_space<semaphore_mem>>) src(%dma_wait3A_156 : memref<8x128xi32, #tpu.memory_space<hbm>>) dst(%dma_wait3A_153 : memref<8x128xi32, #tpu.memory_space<vmem>>)
      tpu.yield
    }) : () -> ()
    %mul3A_9 = arith.constant 78 : i32
    %mul3A_10 = arith.muli %add3A, %mul3A_9 : i32
    "tpu.region"() ({
      %run_scoped3A = tpu.sem_alloc : memref<!tpu.dma_semaphore, #tpu.memory_space<semaphore_mem>>
      %dma_start3A_133 = arith.constant 0 : i32
      %dma_start3A_134 = arith.constant 0 : i32
      %dma_start3A_135 = tpu.memref_slice %arg10[%dma_start3A_133, %dma_start3A_134] : memref<88x128xi32, #tpu.memory_space<vmem>> -> memref<78x128xi32, #tpu.memory_space<vmem>>
      %dma_start3A_136 = arith.constant 0 : i32
      %dma_start3A_137 = tpu.memref_slice %arg5[%mul3A_10, %dma_start3A_136] : memref<2496x128xi32, #tpu.memory_space<hbm>> -> memref<78x128xi32, #tpu.memory_space<hbm>>
      %dma_start3A_138 = arith.constant 0 : i32
      %dma_start3A_139 = arith.constant 0 : i32
      %dma_start3A_140 = tpu.memref_slice %arg10[%dma_start3A_138, %dma_start3A_139] : memref<88x128xi32, #tpu.memory_space<vmem>> -> memref<78x128xi32, #tpu.memory_space<vmem>>
      %dma_start3A_141 = arith.constant 0 : i32
      %dma_start3A_142 = tpu.memref_slice %arg5[%mul3A_10, %dma_start3A_141] : memref<2496x128xi32, #tpu.memory_space<hbm>> -> memref<78x128xi32, #tpu.memory_space<hbm>>
      tpu.enqueue_dma source(%dma_start3A_142 : memref<78x128xi32, #tpu.memory_space<hbm>>) target(%dma_start3A_140 : memref<78x128xi32, #tpu.memory_space<vmem>>) target_semaphore(%run_scoped3A : memref<!tpu.dma_semaphore, #tpu.memory_space<semaphore_mem>>)
      %dma_wait3A_143 = arith.constant 0 : i32
      %dma_wait3A_144 = arith.constant 0 : i32
      %dma_wait3A_145 = tpu.memref_slice %arg10[%dma_wait3A_143, %dma_wait3A_144] : memref<88x128xi32, #tpu.memory_space<vmem>> -> memref<78x128xi32, #tpu.memory_space<vmem>>
      %dma_wait3A_146 = arith.constant 0 : i32
      %dma_wait3A_147 = tpu.memref_slice %arg5[%mul3A_10, %dma_wait3A_146] : memref<2496x128xi32, #tpu.memory_space<hbm>> -> memref<78x128xi32, #tpu.memory_space<hbm>>
      %dma_wait3A_148 = arith.constant 0 : i32
      %dma_wait3A_149 = arith.constant 0 : i32
      %dma_wait3A_150 = tpu.memref_slice %arg10[%dma_wait3A_148, %dma_wait3A_149] : memref<88x128xi32, #tpu.memory_space<vmem>> -> memref<78x128xi32, #tpu.memory_space<vmem>>
      %dma_wait3A_151 = arith.constant 0 : i32
      %dma_wait3A_152 = tpu.memref_slice %arg5[%mul3A_10, %dma_wait3A_151] : memref<2496x128xi32, #tpu.memory_space<hbm>> -> memref<78x128xi32, #tpu.memory_space<hbm>>
      tpu.wait_dma2 semaphore(%run_scoped3A : memref<!tpu.dma_semaphore, #tpu.memory_space<semaphore_mem>>) src(%dma_wait3A_152 : memref<78x128xi32, #tpu.memory_space<hbm>>) dst(%dma_wait3A_150 : memref<78x128xi32, #tpu.memory_space<vmem>>)
      tpu.yield
    }) : () -> ()
    %mul3A_11 = arith.constant 10 : i32
    %mul3A_12 = arith.muli %add3A, %mul3A_11 : i32
    "tpu.region"() ({
      %run_scoped3A = tpu.sem_alloc : memref<!tpu.dma_semaphore, #tpu.memory_space<semaphore_mem>>
      %dma_start3A_133 = arith.constant 78 : i32
      %dma_start3A_134 = arith.constant 0 : i32
      %dma_start3A_135 = tpu.memref_slice %arg10[%dma_start3A_133, %dma_start3A_134] : memref<88x128xi32, #tpu.memory_space<vmem>> -> memref<10x128xi32, #tpu.memory_space<vmem>>
      %dma_start3A_136 = arith.constant 0 : i32
      %dma_start3A_137 = tpu.memref_slice %arg6[%mul3A_12, %dma_start3A_136] : memref<320x128xi32, #tpu.memory_space<hbm>> -> memref<10x128xi32, #tpu.memory_space<hbm>>
      %dma_start3A_138 = arith.constant 78 : i32
      %dma_start3A_139 = arith.constant 0 : i32
      %dma_start3A_140 = tpu.memref_slice %arg10[%dma_start3A_138, %dma_start3A_139] : memref<88x128xi32, #tpu.memory_space<vmem>> -> memref<10x128xi32, #tpu.memory_space<vmem>>
      %dma_start3A_141 = arith.constant 0 : i32
      %dma_start3A_142 = tpu.memref_slice %arg6[%mul3A_12, %dma_start3A_141] : memref<320x128xi32, #tpu.memory_space<hbm>> -> memref<10x128xi32, #tpu.memory_space<hbm>>
      tpu.enqueue_dma source(%dma_start3A_142 : memref<10x128xi32, #tpu.memory_space<hbm>>) target(%dma_start3A_140 : memref<10x128xi32, #tpu.memory_space<vmem>>) target_semaphore(%run_scoped3A : memref<!tpu.dma_semaphore, #tpu.memory_space<semaphore_mem>>)
      %dma_wait3A_143 = arith.constant 78 : i32
      %dma_wait3A_144 = arith.constant 0 : i32
      %dma_wait3A_145 = tpu.memref_slice %arg10[%dma_wait3A_143, %dma_wait3A_144] : memref<88x128xi32, #tpu.memory_space<vmem>> -> memref<10x128xi32, #tpu.memory_space<vmem>>
      %dma_wait3A_146 = arith.constant 0 : i32
      %dma_wait3A_147 = tpu.memref_slice %arg6[%mul3A_12, %dma_wait3A_146] : memref<320x128xi32, #tpu.memory_space<hbm>> -> memref<10x128xi32, #tpu.memory_space<hbm>>
      %dma_wait3A_148 = arith.constant 78 : i32
      %dma_wait3A_149 = arith.constant 0 : i32
      %dma_wait3A_150 = tpu.memref_slice %arg10[%dma_wait3A_148, %dma_wait3A_149] : memref<88x128xi32, #tpu.memory_space<vmem>> -> memref<10x128xi32, #tpu.memory_space<vmem>>
      %dma_wait3A_151 = arith.constant 0 : i32
      %dma_wait3A_152 = tpu.memref_slice %arg6[%mul3A_12, %dma_wait3A_151] : memref<320x128xi32, #tpu.memory_space<hbm>> -> memref<10x128xi32, #tpu.memory_space<hbm>>
      tpu.wait_dma2 semaphore(%run_scoped3A : memref<!tpu.dma_semaphore, #tpu.memory_space<semaphore_mem>>) src(%dma_wait3A_152 : memref<10x128xi32, #tpu.memory_space<hbm>>) dst(%dma_wait3A_150 : memref<10x128xi32, #tpu.memory_space<vmem>>)
      tpu.yield
    }) : () -> ()
    %barrier3A = arith.constant 0 : index
    tpu.barrier barrier_id(%barrier3A)
    %dma_start3A = arith.constant 0 : i32
    %dma_start3A_13 = arith.constant 0 : i32
    %dma_start3A_14 = tpu.memref_slice %arg9[%dma_start3A, %dma_start3A_13] : memref<96x128xi32, #tpu.memory_space<vmem>> -> memref<1x128xi32, #tpu.memory_space<vmem>>
    %dma_start3A_15 = tpu.memref_squeeze %dma_start3A_14 : memref<1x128xi32, #tpu.memory_space<vmem>> -> memref<128xi32, #tpu.memory_space<vmem>>
    %dma_start3A_16 = arith.constant 0 : i32
    %dma_start3A_17 = arith.constant 0 : i32
    %dma_start3A_18 = tpu.memref_slice %arg2[%dma_start3A_16, %dma_start3A_17] : memref<10112x16xf32, #tpu.memory_space<hbm>> -> memref<10112x16xf32, #tpu.memory_space<hbm>>
    tpu.enqueue_indirect_dma source(%dma_start3A_18 : memref<10112x16xf32, #tpu.memory_space<hbm>>) target(%arg11 : memref<128x16xf32, #tpu.memory_space<vmem>>) offsets(%dma_start3A_15 : memref<128xi32, #tpu.memory_space<vmem>>) semaphore(%arg21 : memref<!tpu.dma_semaphore, #tpu.memory_space<semaphore_mem>>)
    %dma_start3A_19 = arith.constant 1 : i32
    %dma_start3A_20 = arith.constant 0 : i32
    %dma_start3A_21 = tpu.memref_slice %arg9[%dma_start3A_19, %dma_start3A_20] : memref<96x128xi32, #tpu.memory_space<vmem>> -> memref<1x128xi32, #tpu.memory_space<vmem>>
    %dma_start3A_22 = tpu.memref_squeeze %dma_start3A_21 : memref<1x128xi32, #tpu.memory_space<vmem>> -> memref<128xi32, #tpu.memory_space<vmem>>
    %dma_start3A_23 = arith.constant 0 : i32
    %dma_start3A_24 = arith.constant 0 : i32
    %dma_start3A_25 = tpu.memref_slice %arg2[%dma_start3A_23, %dma_start3A_24] : memref<10112x16xf32, #tpu.memory_space<hbm>> -> memref<10112x16xf32, #tpu.memory_space<hbm>>
    tpu.enqueue_indirect_dma source(%dma_start3A_25 : memref<10112x16xf32, #tpu.memory_space<hbm>>) target(%arg12 : memref<128x16xf32, #tpu.memory_space<vmem>>) offsets(%dma_start3A_22 : memref<128xi32, #tpu.memory_space<vmem>>) semaphore(%arg22 : memref<!tpu.dma_semaphore, #tpu.memory_space<semaphore_mem>>)
    %dma_start3A_26 = arith.constant 2 : i32
    %dma_start3A_27 = arith.constant 0 : i32
    %dma_start3A_28 = tpu.memref_slice %arg9[%dma_start3A_26, %dma_start3A_27] : memref<96x128xi32, #tpu.memory_space<vmem>> -> memref<1x128xi32, #tpu.memory_space<vmem>>
    %dma_start3A_29 = tpu.memref_squeeze %dma_start3A_28 : memref<1x128xi32, #tpu.memory_space<vmem>> -> memref<128xi32, #tpu.memory_space<vmem>>
    %dma_start3A_30 = arith.constant 0 : i32
    %dma_start3A_31 = arith.constant 0 : i32
    %dma_start3A_32 = tpu.memref_slice %arg2[%dma_start3A_30, %dma_start3A_31] : memref<10112x16xf32, #tpu.memory_space<hbm>> -> memref<10112x16xf32, #tpu.memory_space<hbm>>
    tpu.enqueue_indirect_dma source(%dma_start3A_32 : memref<10112x16xf32, #tpu.memory_space<hbm>>) target(%arg13 : memref<128x16xf32, #tpu.memory_space<vmem>>) offsets(%dma_start3A_29 : memref<128xi32, #tpu.memory_space<vmem>>) semaphore(%arg23 : memref<!tpu.dma_semaphore, #tpu.memory_space<semaphore_mem>>)
    %dma_start3A_33 = arith.constant 3 : i32
    %dma_start3A_34 = arith.constant 0 : i32
    %dma_start3A_35 = tpu.memref_slice %arg9[%dma_start3A_33, %dma_start3A_34] : memref<96x128xi32, #tpu.memory_space<vmem>> -> memref<1x128xi32, #tpu.memory_space<vmem>>
    %dma_start3A_36 = tpu.memref_squeeze %dma_start3A_35 : memref<1x128xi32, #tpu.memory_space<vmem>> -> memref<128xi32, #tpu.memory_space<vmem>>
    %dma_start3A_37 = arith.constant 0 : i32
    %dma_start3A_38 = arith.constant 0 : i32
    %dma_start3A_39 = tpu.memref_slice %arg2[%dma_start3A_37, %dma_start3A_38] : memref<10112x16xf32, #tpu.memory_space<hbm>> -> memref<10112x16xf32, #tpu.memory_space<hbm>>
    tpu.enqueue_indirect_dma source(%dma_start3A_39 : memref<10112x16xf32, #tpu.memory_space<hbm>>) target(%arg14 : memref<128x16xf32, #tpu.memory_space<vmem>>) offsets(%dma_start3A_36 : memref<128xi32, #tpu.memory_space<vmem>>) semaphore(%arg24 : memref<!tpu.dma_semaphore, #tpu.memory_space<semaphore_mem>>)
    %dma_start3A_40 = arith.constant 4 : i32
    %dma_start3A_41 = arith.constant 0 : i32
    %dma_start3A_42 = tpu.memref_slice %arg9[%dma_start3A_40, %dma_start3A_41] : memref<96x128xi32, #tpu.memory_space<vmem>> -> memref<1x128xi32, #tpu.memory_space<vmem>>
    %dma_start3A_43 = tpu.memref_squeeze %dma_start3A_42 : memref<1x128xi32, #tpu.memory_space<vmem>> -> memref<128xi32, #tpu.memory_space<vmem>>
    %dma_start3A_44 = arith.constant 0 : i32
    %dma_start3A_45 = arith.constant 0 : i32
    %dma_start3A_46 = tpu.memref_slice %arg2[%dma_start3A_44, %dma_start3A_45] : memref<10112x16xf32, #tpu.memory_space<hbm>> -> memref<10112x16xf32, #tpu.memory_space<hbm>>
    tpu.enqueue_indirect_dma source(%dma_start3A_46 : memref<10112x16xf32, #tpu.memory_space<hbm>>) target(%arg15 : memref<128x16xf32, #tpu.memory_space<vmem>>) offsets(%dma_start3A_43 : memref<128xi32, #tpu.memory_space<vmem>>) semaphore(%arg25 : memref<!tpu.dma_semaphore, #tpu.memory_space<semaphore_mem>>)
    %dma_start3A_47 = arith.constant 5 : i32
    %dma_start3A_48 = arith.constant 0 : i32
    %dma_start3A_49 = tpu.memref_slice %arg9[%dma_start3A_47, %dma_start3A_48] : memref<96x128xi32, #tpu.memory_space<vmem>> -> memref<1x128xi32, #tpu.memory_space<vmem>>
    %dma_start3A_50 = tpu.memref_squeeze %dma_start3A_49 : memref<1x128xi32, #tpu.memory_space<vmem>> -> memref<128xi32, #tpu.memory_space<vmem>>
    %dma_start3A_51 = arith.constant 0 : i32
    %dma_start3A_52 = arith.constant 0 : i32
    %dma_start3A_53 = tpu.memref_slice %arg2[%dma_start3A_51, %dma_start3A_52] : memref<10112x16xf32, #tpu.memory_space<hbm>> -> memref<10112x16xf32, #tpu.memory_space<hbm>>
    tpu.enqueue_indirect_dma source(%dma_start3A_53 : memref<10112x16xf32, #tpu.memory_space<hbm>>) target(%arg16 : memref<128x16xf32, #tpu.memory_space<vmem>>) offsets(%dma_start3A_50 : memref<128xi32, #tpu.memory_space<vmem>>) semaphore(%arg26 : memref<!tpu.dma_semaphore, #tpu.memory_space<semaphore_mem>>)
    %dma_start3A_54 = arith.constant 6 : i32
    %dma_start3A_55 = arith.constant 0 : i32
    %dma_start3A_56 = tpu.memref_slice %arg9[%dma_start3A_54, %dma_start3A_55] : memref<96x128xi32, #tpu.memory_space<vmem>> -> memref<1x128xi32, #tpu.memory_space<vmem>>
    %dma_start3A_57 = tpu.memref_squeeze %dma_start3A_56 : memref<1x128xi32, #tpu.memory_space<vmem>> -> memref<128xi32, #tpu.memory_space<vmem>>
    %dma_start3A_58 = arith.constant 0 : i32
    %dma_start3A_59 = arith.constant 0 : i32
    %dma_start3A_60 = tpu.memref_slice %arg2[%dma_start3A_58, %dma_start3A_59] : memref<10112x16xf32, #tpu.memory_space<hbm>> -> memref<10112x16xf32, #tpu.memory_space<hbm>>
    tpu.enqueue_indirect_dma source(%dma_start3A_60 : memref<10112x16xf32, #tpu.memory_space<hbm>>) target(%arg17 : memref<128x16xf32, #tpu.memory_space<vmem>>) offsets(%dma_start3A_57 : memref<128xi32, #tpu.memory_space<vmem>>) semaphore(%arg27 : memref<!tpu.dma_semaphore, #tpu.memory_space<semaphore_mem>>)
    %dma_start3A_61 = arith.constant 7 : i32
    %dma_start3A_62 = arith.constant 0 : i32
    %dma_start3A_63 = tpu.memref_slice %arg9[%dma_start3A_61, %dma_start3A_62] : memref<96x128xi32, #tpu.memory_space<vmem>> -> memref<1x128xi32, #tpu.memory_space<vmem>>
    %dma_start3A_64 = tpu.memref_squeeze %dma_start3A_63 : memref<1x128xi32, #tpu.memory_space<vmem>> -> memref<128xi32, #tpu.memory_space<vmem>>
    %dma_start3A_65 = arith.constant 0 : i32
    %dma_start3A_66 = arith.constant 0 : i32
    %dma_start3A_67 = tpu.memref_slice %arg2[%dma_start3A_65, %dma_start3A_66] : memref<10112x16xf32, #tpu.memory_space<hbm>> -> memref<10112x16xf32, #tpu.memory_space<hbm>>
    tpu.enqueue_indirect_dma source(%dma_start3A_67 : memref<10112x16xf32, #tpu.memory_space<hbm>>) target(%arg18 : memref<128x16xf32, #tpu.memory_space<vmem>>) offsets(%dma_start3A_64 : memref<128xi32, #tpu.memory_space<vmem>>) semaphore(%arg28 : memref<!tpu.dma_semaphore, #tpu.memory_space<semaphore_mem>>)
    %scan3A = arith.constant 0 : i32
    %scan3A_68 = arith.constant 0 : i32
    %scan3A_69 = arith.constant 11 : i32
    %scan3A_70 = arith.addi %scan3A_68, %scan3A_69 : i32
    %scan3A_71 = arith.constant 1 : i32
    scf.for %scan3A_133 = %scan3A_68 to %scan3A_70 step %scan3A_71  : i32 {
      %mul3A_134 = arith.constant 8 : i32
      %mul3A_135 = arith.muli %scan3A_133, %mul3A_134 : i32
      %add3A_136 = arith.constant 0 : i32
      %add3A_137 = arith.addi %mul3A_135, %add3A_136 : i32
      %dma_wait3A_138 = arith.constant 0 : i32
      %dma_wait3A_139 = tpu.memref_slice %arg9[%add3A_137, %dma_wait3A_138] : memref<96x128xi32, #tpu.memory_space<vmem>> -> memref<1x128xi32, #tpu.memory_space<vmem>>
      %dma_wait3A_140 = tpu.memref_squeeze %dma_wait3A_139 : memref<1x128xi32, #tpu.memory_space<vmem>> -> memref<128xi32, #tpu.memory_space<vmem>>
      %dma_wait3A_141 = arith.constant 0 : i32
      %dma_wait3A_142 = arith.constant 0 : i32
      %dma_wait3A_143 = tpu.memref_slice %arg2[%dma_wait3A_141, %dma_wait3A_142] : memref<10112x16xf32, #tpu.memory_space<hbm>> -> memref<10112x16xf32, #tpu.memory_space<hbm>>
      tpu.wait_indirect_dma semaphore(%arg21 : memref<!tpu.dma_semaphore, #tpu.memory_space<semaphore_mem>>) src(%dma_wait3A_143 : memref<10112x16xf32, #tpu.memory_space<hbm>>) dst(%arg11 : memref<128x16xf32, #tpu.memory_space<vmem>>)
      "tpu.region"() ({
        %run_scoped3A = tpu.sem_alloc : memref<!tpu.dma_semaphore, #tpu.memory_space<semaphore_mem>>
        %dma_start3A_278 = arith.constant 0 : i32
        %dma_start3A_279 = tpu.memref_slice %arg10[%add3A_137, %dma_start3A_278] : memref<88x128xi32, #tpu.memory_space<vmem>> -> memref<1x128xi32, #tpu.memory_space<vmem>>
        %dma_start3A_280 = tpu.memref_squeeze %dma_start3A_279 : memref<1x128xi32, #tpu.memory_space<vmem>> -> memref<128xi32, #tpu.memory_space<vmem>>
        %dma_start3A_281 = arith.constant 0 : i32
        %dma_start3A_282 = arith.constant 0 : i32
        %dma_start3A_283 = tpu.memref_slice %arg20[%dma_start3A_281, %dma_start3A_282] : memref<10112x16xf32, #tpu.memory_space<vmem_shared>> -> memref<10112x16xf32, #tpu.memory_space<vmem_shared>>
        tpu.enqueue_indirect_dma source(%arg11 : memref<128x16xf32, #tpu.memory_space<vmem>>) target(%dma_start3A_283 : memref<10112x16xf32, #tpu.memory_space<vmem_shared>>) offsets(%dma_start3A_280 : memref<128xi32, #tpu.memory_space<vmem>>) semaphore(%run_scoped3A : memref<!tpu.dma_semaphore, #tpu.memory_space<semaphore_mem>>) {add = true}
        %dma_wait3A_284 = arith.constant 0 : i32
        %dma_wait3A_285 = tpu.memref_slice %arg10[%add3A_137, %dma_wait3A_284] : memref<88x128xi32, #tpu.memory_space<vmem>> -> memref<1x128xi32, #tpu.memory_space<vmem>>
        %dma_wait3A_286 = tpu.memref_squeeze %dma_wait3A_285 : memref<1x128xi32, #tpu.memory_space<vmem>> -> memref<128xi32, #tpu.memory_space<vmem>>
        %dma_wait3A_287 = arith.constant 0 : i32
        %dma_wait3A_288 = arith.constant 0 : i32
        %dma_wait3A_289 = tpu.memref_slice %arg20[%dma_wait3A_287, %dma_wait3A_288] : memref<10112x16xf32, #tpu.memory_space<vmem_shared>> -> memref<10112x16xf32, #tpu.memory_space<vmem_shared>>
        tpu.wait_indirect_dma semaphore(%run_scoped3A : memref<!tpu.dma_semaphore, #tpu.memory_space<semaphore_mem>>) src(%arg11 : memref<128x16xf32, #tpu.memory_space<vmem>>) dst(%dma_wait3A_289 : memref<10112x16xf32, #tpu.memory_space<vmem_shared>>)
        tpu.yield
      }) : () -> ()
      %add3A_144 = arith.constant 8 : i32
      %add3A_145 = arith.addi %add3A_137, %add3A_144 : i32
      %dma_start3A_146 = arith.constant 0 : i32
      %dma_start3A_147 = tpu.memref_slice %arg9[%add3A_145, %dma_start3A_146] : memref<96x128xi32, #tpu.memory_space<vmem>> -> memref<1x128xi32, #tpu.memory_space<vmem>>
      %dma_start3A_148 = tpu.memref_squeeze %dma_start3A_147 : memref<1x128xi32, #tpu.memory_space<vmem>> -> memref<128xi32, #tpu.memory_space<vmem>>
      %dma_start3A_149 = arith.constant 0 : i32
      %dma_start3A_150 = arith.constant 0 : i32
      %dma_start3A_151 = tpu.memref_slice %arg2[%dma_start3A_149, %dma_start3A_150] : memref<10112x16xf32, #tpu.memory_space<hbm>> -> memref<10112x16xf32, #tpu.memory_space<hbm>>
      tpu.enqueue_indirect_dma source(%dma_start3A_151 : memref<10112x16xf32, #tpu.memory_space<hbm>>) target(%arg11 : memref<128x16xf32, #tpu.memory_space<vmem>>) offsets(%dma_start3A_148 : memref<128xi32, #tpu.memory_space<vmem>>) semaphore(%arg21 : memref<!tpu.dma_semaphore, #tpu.memory_space<semaphore_mem>>)
      %mul3A_152 = arith.constant 8 : i32
      %mul3A_153 = arith.muli %scan3A_133, %mul3A_152 : i32
      %add3A_154 = arith.constant 1 : i32
      %add3A_155 = arith.addi %mul3A_153, %add3A_154 : i32
      %dma_wait3A_156 = arith.constant 0 : i32
      %dma_wait3A_157 = tpu.memref_slice %arg9[%add3A_155, %dma_wait3A_156] : memref<96x128xi32, #tpu.memory_space<vmem>> -> memref<1x128xi32, #tpu.memory_space<vmem>>
      %dma_wait3A_158 = tpu.memref_squeeze %dma_wait3A_157 : memref<1x128xi32, #tpu.memory_space<vmem>> -> memref<128xi32, #tpu.memory_space<vmem>>
      %dma_wait3A_159 = arith.constant 0 : i32
      %dma_wait3A_160 = arith.constant 0 : i32
      %dma_wait3A_161 = tpu.memref_slice %arg2[%dma_wait3A_159, %dma_wait3A_160] : memref<10112x16xf32, #tpu.memory_space<hbm>> -> memref<10112x16xf32, #tpu.memory_space<hbm>>
      tpu.wait_indirect_dma semaphore(%arg22 : memref<!tpu.dma_semaphore, #tpu.memory_space<semaphore_mem>>) src(%dma_wait3A_161 : memref<10112x16xf32, #tpu.memory_space<hbm>>) dst(%arg12 : memref<128x16xf32, #tpu.memory_space<vmem>>)
      "tpu.region"() ({
        %run_scoped3A = tpu.sem_alloc : memref<!tpu.dma_semaphore, #tpu.memory_space<semaphore_mem>>
        %dma_start3A_278 = arith.constant 0 : i32
        %dma_start3A_279 = tpu.memref_slice %arg10[%add3A_155, %dma_start3A_278] : memref<88x128xi32, #tpu.memory_space<vmem>> -> memref<1x128xi32, #tpu.memory_space<vmem>>
        %dma_start3A_280 = tpu.memref_squeeze %dma_start3A_279 : memref<1x128xi32, #tpu.memory_space<vmem>> -> memref<128xi32, #tpu.memory_space<vmem>>
        %dma_start3A_281 = arith.constant 0 : i32
        %dma_start3A_282 = arith.constant 0 : i32
        %dma_start3A_283 = tpu.memref_slice %arg20[%dma_start3A_281, %dma_start3A_282] : memref<10112x16xf32, #tpu.memory_space<vmem_shared>> -> memref<10112x16xf32, #tpu.memory_space<vmem_shared>>
        tpu.enqueue_indirect_dma source(%arg12 : memref<128x16xf32, #tpu.memory_space<vmem>>) target(%dma_start3A_283 : memref<10112x16xf32, #tpu.memory_space<vmem_shared>>) offsets(%dma_start3A_280 : memref<128xi32, #tpu.memory_space<vmem>>) semaphore(%run_scoped3A : memref<!tpu.dma_semaphore, #tpu.memory_space<semaphore_mem>>) {add = true}
        %dma_wait3A_284 = arith.constant 0 : i32
        %dma_wait3A_285 = tpu.memref_slice %arg10[%add3A_155, %dma_wait3A_284] : memref<88x128xi32, #tpu.memory_space<vmem>> -> memref<1x128xi32, #tpu.memory_space<vmem>>
        %dma_wait3A_286 = tpu.memref_squeeze %dma_wait3A_285 : memref<1x128xi32, #tpu.memory_space<vmem>> -> memref<128xi32, #tpu.memory_space<vmem>>
        %dma_wait3A_287 = arith.constant 0 : i32
        %dma_wait3A_288 = arith.constant 0 : i32
        %dma_wait3A_289 = tpu.memref_slice %arg20[%dma_wait3A_287, %dma_wait3A_288] : memref<10112x16xf32, #tpu.memory_space<vmem_shared>> -> memref<10112x16xf32, #tpu.memory_space<vmem_shared>>
        tpu.wait_indirect_dma semaphore(%run_scoped3A : memref<!tpu.dma_semaphore, #tpu.memory_space<semaphore_mem>>) src(%arg12 : memref<128x16xf32, #tpu.memory_space<vmem>>) dst(%dma_wait3A_289 : memref<10112x16xf32, #tpu.memory_space<vmem_shared>>)
        tpu.yield
      }) : () -> ()
      %add3A_162 = arith.constant 8 : i32
      %add3A_163 = arith.addi %add3A_155, %add3A_162 : i32
      %dma_start3A_164 = arith.constant 0 : i32
      %dma_start3A_165 = tpu.memref_slice %arg9[%add3A_163, %dma_start3A_164] : memref<96x128xi32, #tpu.memory_space<vmem>> -> memref<1x128xi32, #tpu.memory_space<vmem>>
      %dma_start3A_166 = tpu.memref_squeeze %dma_start3A_165 : memref<1x128xi32, #tpu.memory_space<vmem>> -> memref<128xi32, #tpu.memory_space<vmem>>
      %dma_start3A_167 = arith.constant 0 : i32
      %dma_start3A_168 = arith.constant 0 : i32
      %dma_start3A_169 = tpu.memref_slice %arg2[%dma_start3A_167, %dma_start3A_168] : memref<10112x16xf32, #tpu.memory_space<hbm>> -> memref<10112x16xf32, #tpu.memory_space<hbm>>
      tpu.enqueue_indirect_dma source(%dma_start3A_169 : memref<10112x16xf32, #tpu.memory_space<hbm>>) target(%arg12 : memref<128x16xf32, #tpu.memory_space<vmem>>) offsets(%dma_start3A_166 : memref<128xi32, #tpu.memory_space<vmem>>) semaphore(%arg22 : memref<!tpu.dma_semaphore, #tpu.memory_space<semaphore_mem>>)
      %mul3A_170 = arith.constant 8 : i32
      %mul3A_171 = arith.muli %scan3A_133, %mul3A_170 : i32
      %add3A_172 = arith.constant 2 : i32
      %add3A_173 = arith.addi %mul3A_171, %add3A_172 : i32
      %dma_wait3A_174 = arith.constant 0 : i32
      %dma_wait3A_175 = tpu.memref_slice %arg9[%add3A_173, %dma_wait3A_174] : memref<96x128xi32, #tpu.memory_space<vmem>> -> memref<1x128xi32, #tpu.memory_space<vmem>>
      %dma_wait3A_176 = tpu.memref_squeeze %dma_wait3A_175 : memref<1x128xi32, #tpu.memory_space<vmem>> -> memref<128xi32, #tpu.memory_space<vmem>>
      %dma_wait3A_177 = arith.constant 0 : i32
      %dma_wait3A_178 = arith.constant 0 : i32
      %dma_wait3A_179 = tpu.memref_slice %arg2[%dma_wait3A_177, %dma_wait3A_178] : memref<10112x16xf32, #tpu.memory_space<hbm>> -> memref<10112x16xf32, #tpu.memory_space<hbm>>
      tpu.wait_indirect_dma semaphore(%arg23 : memref<!tpu.dma_semaphore, #tpu.memory_space<semaphore_mem>>) src(%dma_wait3A_179 : memref<10112x16xf32, #tpu.memory_space<hbm>>) dst(%arg13 : memref<128x16xf32, #tpu.memory_space<vmem>>)
      "tpu.region"() ({
        %run_scoped3A = tpu.sem_alloc : memref<!tpu.dma_semaphore, #tpu.memory_space<semaphore_mem>>
        %dma_start3A_278 = arith.constant 0 : i32
        %dma_start3A_279 = tpu.memref_slice %arg10[%add3A_173, %dma_start3A_278] : memref<88x128xi32, #tpu.memory_space<vmem>> -> memref<1x128xi32, #tpu.memory_space<vmem>>
        %dma_start3A_280 = tpu.memref_squeeze %dma_start3A_279 : memref<1x128xi32, #tpu.memory_space<vmem>> -> memref<128xi32, #tpu.memory_space<vmem>>
        %dma_start3A_281 = arith.constant 0 : i32
        %dma_start3A_282 = arith.constant 0 : i32
        %dma_start3A_283 = tpu.memref_slice %arg20[%dma_start3A_281, %dma_start3A_282] : memref<10112x16xf32, #tpu.memory_space<vmem_shared>> -> memref<10112x16xf32, #tpu.memory_space<vmem_shared>>
        tpu.enqueue_indirect_dma source(%arg13 : memref<128x16xf32, #tpu.memory_space<vmem>>) target(%dma_start3A_283 : memref<10112x16xf32, #tpu.memory_space<vmem_shared>>) offsets(%dma_start3A_280 : memref<128xi32, #tpu.memory_space<vmem>>) semaphore(%run_scoped3A : memref<!tpu.dma_semaphore, #tpu.memory_space<semaphore_mem>>) {add = true}
        %dma_wait3A_284 = arith.constant 0 : i32
        %dma_wait3A_285 = tpu.memref_slice %arg10[%add3A_173, %dma_wait3A_284] : memref<88x128xi32, #tpu.memory_space<vmem>> -> memref<1x128xi32, #tpu.memory_space<vmem>>
        %dma_wait3A_286 = tpu.memref_squeeze %dma_wait3A_285 : memref<1x128xi32, #tpu.memory_space<vmem>> -> memref<128xi32, #tpu.memory_space<vmem>>
        %dma_wait3A_287 = arith.constant 0 : i32
        %dma_wait3A_288 = arith.constant 0 : i32
        %dma_wait3A_289 = tpu.memref_slice %arg20[%dma_wait3A_287, %dma_wait3A_288] : memref<10112x16xf32, #tpu.memory_space<vmem_shared>> -> memref<10112x16xf32, #tpu.memory_space<vmem_shared>>
        tpu.wait_indirect_dma semaphore(%run_scoped3A : memref<!tpu.dma_semaphore, #tpu.memory_space<semaphore_mem>>) src(%arg13 : memref<128x16xf32, #tpu.memory_space<vmem>>) dst(%dma_wait3A_289 : memref<10112x16xf32, #tpu.memory_space<vmem_shared>>)
        tpu.yield
      }) : () -> ()
      %add3A_180 = arith.constant 8 : i32
      %add3A_181 = arith.addi %add3A_173, %add3A_180 : i32
      %dma_start3A_182 = arith.constant 0 : i32
      %dma_start3A_183 = tpu.memref_slice %arg9[%add3A_181, %dma_start3A_182] : memref<96x128xi32, #tpu.memory_space<vmem>> -> memref<1x128xi32, #tpu.memory_space<vmem>>
      %dma_start3A_184 = tpu.memref_squeeze %dma_start3A_183 : memref<1x128xi32, #tpu.memory_space<vmem>> -> memref<128xi32, #tpu.memory_space<vmem>>
      %dma_start3A_185 = arith.constant 0 : i32
      %dma_start3A_186 = arith.constant 0 : i32
      %dma_start3A_187 = tpu.memref_slice %arg2[%dma_start3A_185, %dma_start3A_186] : memref<10112x16xf32, #tpu.memory_space<hbm>> -> memref<10112x16xf32, #tpu.memory_space<hbm>>
      tpu.enqueue_indirect_dma source(%dma_start3A_187 : memref<10112x16xf32, #tpu.memory_space<hbm>>) target(%arg13 : memref<128x16xf32, #tpu.memory_space<vmem>>) offsets(%dma_start3A_184 : memref<128xi32, #tpu.memory_space<vmem>>) semaphore(%arg23 : memref<!tpu.dma_semaphore, #tpu.memory_space<semaphore_mem>>)
      %mul3A_188 = arith.constant 8 : i32
      %mul3A_189 = arith.muli %scan3A_133, %mul3A_188 : i32
      %add3A_190 = arith.constant 3 : i32
      %add3A_191 = arith.addi %mul3A_189, %add3A_190 : i32
      %dma_wait3A_192 = arith.constant 0 : i32
      %dma_wait3A_193 = tpu.memref_slice %arg9[%add3A_191, %dma_wait3A_192] : memref<96x128xi32, #tpu.memory_space<vmem>> -> memref<1x128xi32, #tpu.memory_space<vmem>>
      %dma_wait3A_194 = tpu.memref_squeeze %dma_wait3A_193 : memref<1x128xi32, #tpu.memory_space<vmem>> -> memref<128xi32, #tpu.memory_space<vmem>>
      %dma_wait3A_195 = arith.constant 0 : i32
      %dma_wait3A_196 = arith.constant 0 : i32
      %dma_wait3A_197 = tpu.memref_slice %arg2[%dma_wait3A_195, %dma_wait3A_196] : memref<10112x16xf32, #tpu.memory_space<hbm>> -> memref<10112x16xf32, #tpu.memory_space<hbm>>
      tpu.wait_indirect_dma semaphore(%arg24 : memref<!tpu.dma_semaphore, #tpu.memory_space<semaphore_mem>>) src(%dma_wait3A_197 : memref<10112x16xf32, #tpu.memory_space<hbm>>) dst(%arg14 : memref<128x16xf32, #tpu.memory_space<vmem>>)
      "tpu.region"() ({
        %run_scoped3A = tpu.sem_alloc : memref<!tpu.dma_semaphore, #tpu.memory_space<semaphore_mem>>
        %dma_start3A_278 = arith.constant 0 : i32
        %dma_start3A_279 = tpu.memref_slice %arg10[%add3A_191, %dma_start3A_278] : memref<88x128xi32, #tpu.memory_space<vmem>> -> memref<1x128xi32, #tpu.memory_space<vmem>>
        %dma_start3A_280 = tpu.memref_squeeze %dma_start3A_279 : memref<1x128xi32, #tpu.memory_space<vmem>> -> memref<128xi32, #tpu.memory_space<vmem>>
        %dma_start3A_281 = arith.constant 0 : i32
        %dma_start3A_282 = arith.constant 0 : i32
        %dma_start3A_283 = tpu.memref_slice %arg20[%dma_start3A_281, %dma_start3A_282] : memref<10112x16xf32, #tpu.memory_space<vmem_shared>> -> memref<10112x16xf32, #tpu.memory_space<vmem_shared>>
        tpu.enqueue_indirect_dma source(%arg14 : memref<128x16xf32, #tpu.memory_space<vmem>>) target(%dma_start3A_283 : memref<10112x16xf32, #tpu.memory_space<vmem_shared>>) offsets(%dma_start3A_280 : memref<128xi32, #tpu.memory_space<vmem>>) semaphore(%run_scoped3A : memref<!tpu.dma_semaphore, #tpu.memory_space<semaphore_mem>>) {add = true}
        %dma_wait3A_284 = arith.constant 0 : i32
        %dma_wait3A_285 = tpu.memref_slice %arg10[%add3A_191, %dma_wait3A_284] : memref<88x128xi32, #tpu.memory_space<vmem>> -> memref<1x128xi32, #tpu.memory_space<vmem>>
        %dma_wait3A_286 = tpu.memref_squeeze %dma_wait3A_285 : memref<1x128xi32, #tpu.memory_space<vmem>> -> memref<128xi32, #tpu.memory_space<vmem>>
        %dma_wait3A_287 = arith.constant 0 : i32
        %dma_wait3A_288 = arith.constant 0 : i32
        %dma_wait3A_289 = tpu.memref_slice %arg20[%dma_wait3A_287, %dma_wait3A_288] : memref<10112x16xf32, #tpu.memory_space<vmem_shared>> -> memref<10112x16xf32, #tpu.memory_space<vmem_shared>>
        tpu.wait_indirect_dma semaphore(%run_scoped3A : memref<!tpu.dma_semaphore, #tpu.memory_space<semaphore_mem>>) src(%arg14 : memref<128x16xf32, #tpu.memory_space<vmem>>) dst(%dma_wait3A_289 : memref<10112x16xf32, #tpu.memory_space<vmem_shared>>)
        tpu.yield
      }) : () -> ()
      %add3A_198 = arith.constant 8 : i32
      %add3A_199 = arith.addi %add3A_191, %add3A_198 : i32
      %dma_start3A_200 = arith.constant 0 : i32
      %dma_start3A_201 = tpu.memref_slice %arg9[%add3A_199, %dma_start3A_200] : memref<96x128xi32, #tpu.memory_space<vmem>> -> memref<1x128xi32, #tpu.memory_space<vmem>>
      %dma_start3A_202 = tpu.memref_squeeze %dma_start3A_201 : memref<1x128xi32, #tpu.memory_space<vmem>> -> memref<128xi32, #tpu.memory_space<vmem>>
      %dma_start3A_203 = arith.constant 0 : i32
      %dma_start3A_204 = arith.constant 0 : i32
      %dma_start3A_205 = tpu.memref_slice %arg2[%dma_start3A_203, %dma_start3A_204] : memref<10112x16xf32, #tpu.memory_space<hbm>> -> memref<10112x16xf32, #tpu.memory_space<hbm>>
      tpu.enqueue_indirect_dma source(%dma_start3A_205 : memref<10112x16xf32, #tpu.memory_space<hbm>>) target(%arg14 : memref<128x16xf32, #tpu.memory_space<vmem>>) offsets(%dma_start3A_202 : memref<128xi32, #tpu.memory_space<vmem>>) semaphore(%arg24 : memref<!tpu.dma_semaphore, #tpu.memory_space<semaphore_mem>>)
      %mul3A_206 = arith.constant 8 : i32
      %mul3A_207 = arith.muli %scan3A_133, %mul3A_206 : i32
      %add3A_208 = arith.constant 4 : i32
      %add3A_209 = arith.addi %mul3A_207, %add3A_208 : i32
      %dma_wait3A_210 = arith.constant 0 : i32
      %dma_wait3A_211 = tpu.memref_slice %arg9[%add3A_209, %dma_wait3A_210] : memref<96x128xi32, #tpu.memory_space<vmem>> -> memref<1x128xi32, #tpu.memory_space<vmem>>
      %dma_wait3A_212 = tpu.memref_squeeze %dma_wait3A_211 : memref<1x128xi32, #tpu.memory_space<vmem>> -> memref<128xi32, #tpu.memory_space<vmem>>
      %dma_wait3A_213 = arith.constant 0 : i32
      %dma_wait3A_214 = arith.constant 0 : i32
      %dma_wait3A_215 = tpu.memref_slice %arg2[%dma_wait3A_213, %dma_wait3A_214] : memref<10112x16xf32, #tpu.memory_space<hbm>> -> memref<10112x16xf32, #tpu.memory_space<hbm>>
      tpu.wait_indirect_dma semaphore(%arg25 : memref<!tpu.dma_semaphore, #tpu.memory_space<semaphore_mem>>) src(%dma_wait3A_215 : memref<10112x16xf32, #tpu.memory_space<hbm>>) dst(%arg15 : memref<128x16xf32, #tpu.memory_space<vmem>>)
      "tpu.region"() ({
        %run_scoped3A = tpu.sem_alloc : memref<!tpu.dma_semaphore, #tpu.memory_space<semaphore_mem>>
        %dma_start3A_278 = arith.constant 0 : i32
        %dma_start3A_279 = tpu.memref_slice %arg10[%add3A_209, %dma_start3A_278] : memref<88x128xi32, #tpu.memory_space<vmem>> -> memref<1x128xi32, #tpu.memory_space<vmem>>
        %dma_start3A_280 = tpu.memref_squeeze %dma_start3A_279 : memref<1x128xi32, #tpu.memory_space<vmem>> -> memref<128xi32, #tpu.memory_space<vmem>>
        %dma_start3A_281 = arith.constant 0 : i32
        %dma_start3A_282 = arith.constant 0 : i32
        %dma_start3A_283 = tpu.memref_slice %arg20[%dma_start3A_281, %dma_start3A_282] : memref<10112x16xf32, #tpu.memory_space<vmem_shared>> -> memref<10112x16xf32, #tpu.memory_space<vmem_shared>>
        tpu.enqueue_indirect_dma source(%arg15 : memref<128x16xf32, #tpu.memory_space<vmem>>) target(%dma_start3A_283 : memref<10112x16xf32, #tpu.memory_space<vmem_shared>>) offsets(%dma_start3A_280 : memref<128xi32, #tpu.memory_space<vmem>>) semaphore(%run_scoped3A : memref<!tpu.dma_semaphore, #tpu.memory_space<semaphore_mem>>) {add = true}
        %dma_wait3A_284 = arith.constant 0 : i32
        %dma_wait3A_285 = tpu.memref_slice %arg10[%add3A_209, %dma_wait3A_284] : memref<88x128xi32, #tpu.memory_space<vmem>> -> memref<1x128xi32, #tpu.memory_space<vmem>>
        %dma_wait3A_286 = tpu.memref_squeeze %dma_wait3A_285 : memref<1x128xi32, #tpu.memory_space<vmem>> -> memref<128xi32, #tpu.memory_space<vmem>>
        %dma_wait3A_287 = arith.constant 0 : i32
        %dma_wait3A_288 = arith.constant 0 : i32
        %dma_wait3A_289 = tpu.memref_slice %arg20[%dma_wait3A_287, %dma_wait3A_288] : memref<10112x16xf32, #tpu.memory_space<vmem_shared>> -> memref<10112x16xf32, #tpu.memory_space<vmem_shared>>
        tpu.wait_indirect_dma semaphore(%run_scoped3A : memref<!tpu.dma_semaphore, #tpu.memory_space<semaphore_mem>>) src(%arg15 : memref<128x16xf32, #tpu.memory_space<vmem>>) dst(%dma_wait3A_289 : memref<10112x16xf32, #tpu.memory_space<vmem_shared>>)
        tpu.yield
      }) : () -> ()
      %add3A_216 = arith.constant 8 : i32
      %add3A_217 = arith.addi %add3A_209, %add3A_216 : i32
      %dma_start3A_218 = arith.constant 0 : i32
      %dma_start3A_219 = tpu.memref_slice %arg9[%add3A_217, %dma_start3A_218] : memref<96x128xi32, #tpu.memory_space<vmem>> -> memref<1x128xi32, #tpu.memory_space<vmem>>
      %dma_start3A_220 = tpu.memref_squeeze %dma_start3A_219 : memref<1x128xi32, #tpu.memory_space<vmem>> -> memref<128xi32, #tpu.memory_space<vmem>>
      %dma_start3A_221 = arith.constant 0 : i32
      %dma_start3A_222 = arith.constant 0 : i32
      %dma_start3A_223 = tpu.memref_slice %arg2[%dma_start3A_221, %dma_start3A_222] : memref<10112x16xf32, #tpu.memory_space<hbm>> -> memref<10112x16xf32, #tpu.memory_space<hbm>>
      tpu.enqueue_indirect_dma source(%dma_start3A_223 : memref<10112x16xf32, #tpu.memory_space<hbm>>) target(%arg15 : memref<128x16xf32, #tpu.memory_space<vmem>>) offsets(%dma_start3A_220 : memref<128xi32, #tpu.memory_space<vmem>>) semaphore(%arg25 : memref<!tpu.dma_semaphore, #tpu.memory_space<semaphore_mem>>)
      %mul3A_224 = arith.constant 8 : i32
      %mul3A_225 = arith.muli %scan3A_133, %mul3A_224 : i32
      %add3A_226 = arith.constant 5 : i32
      %add3A_227 = arith.addi %mul3A_225, %add3A_226 : i32
      %dma_wait3A_228 = arith.constant 0 : i32
      %dma_wait3A_229 = tpu.memref_slice %arg9[%add3A_227, %dma_wait3A_228] : memref<96x128xi32, #tpu.memory_space<vmem>> -> memref<1x128xi32, #tpu.memory_space<vmem>>
      %dma_wait3A_230 = tpu.memref_squeeze %dma_wait3A_229 : memref<1x128xi32, #tpu.memory_space<vmem>> -> memref<128xi32, #tpu.memory_space<vmem>>
      %dma_wait3A_231 = arith.constant 0 : i32
      %dma_wait3A_232 = arith.constant 0 : i32
      %dma_wait3A_233 = tpu.memref_slice %arg2[%dma_wait3A_231, %dma_wait3A_232] : memref<10112x16xf32, #tpu.memory_space<hbm>> -> memref<10112x16xf32, #tpu.memory_space<hbm>>
      tpu.wait_indirect_dma semaphore(%arg26 : memref<!tpu.dma_semaphore, #tpu.memory_space<semaphore_mem>>) src(%dma_wait3A_233 : memref<10112x16xf32, #tpu.memory_space<hbm>>) dst(%arg16 : memref<128x16xf32, #tpu.memory_space<vmem>>)
      "tpu.region"() ({
        %run_scoped3A = tpu.sem_alloc : memref<!tpu.dma_semaphore, #tpu.memory_space<semaphore_mem>>
        %dma_start3A_278 = arith.constant 0 : i32
        %dma_start3A_279 = tpu.memref_slice %arg10[%add3A_227, %dma_start3A_278] : memref<88x128xi32, #tpu.memory_space<vmem>> -> memref<1x128xi32, #tpu.memory_space<vmem>>
        %dma_start3A_280 = tpu.memref_squeeze %dma_start3A_279 : memref<1x128xi32, #tpu.memory_space<vmem>> -> memref<128xi32, #tpu.memory_space<vmem>>
        %dma_start3A_281 = arith.constant 0 : i32
        %dma_start3A_282 = arith.constant 0 : i32
        %dma_start3A_283 = tpu.memref_slice %arg20[%dma_start3A_281, %dma_start3A_282] : memref<10112x16xf32, #tpu.memory_space<vmem_shared>> -> memref<10112x16xf32, #tpu.memory_space<vmem_shared>>
        tpu.enqueue_indirect_dma source(%arg16 : memref<128x16xf32, #tpu.memory_space<vmem>>) target(%dma_start3A_283 : memref<10112x16xf32, #tpu.memory_space<vmem_shared>>) offsets(%dma_start3A_280 : memref<128xi32, #tpu.memory_space<vmem>>) semaphore(%run_scoped3A : memref<!tpu.dma_semaphore, #tpu.memory_space<semaphore_mem>>) {add = true}
        %dma_wait3A_284 = arith.constant 0 : i32
        %dma_wait3A_285 = tpu.memref_slice %arg10[%add3A_227, %dma_wait3A_284] : memref<88x128xi32, #tpu.memory_space<vmem>> -> memref<1x128xi32, #tpu.memory_space<vmem>>
        %dma_wait3A_286 = tpu.memref_squeeze %dma_wait3A_285 : memref<1x128xi32, #tpu.memory_space<vmem>> -> memref<128xi32, #tpu.memory_space<vmem>>
        %dma_wait3A_287 = arith.constant 0 : i32
        %dma_wait3A_288 = arith.constant 0 : i32
        %dma_wait3A_289 = tpu.memref_slice %arg20[%dma_wait3A_287, %dma_wait3A_288] : memref<10112x16xf32, #tpu.memory_space<vmem_shared>> -> memref<10112x16xf32, #tpu.memory_space<vmem_shared>>
        tpu.wait_indirect_dma semaphore(%run_scoped3A : memref<!tpu.dma_semaphore, #tpu.memory_space<semaphore_mem>>) src(%arg16 : memref<128x16xf32, #tpu.memory_space<vmem>>) dst(%dma_wait3A_289 : memref<10112x16xf32, #tpu.memory_space<vmem_shared>>)
        tpu.yield
      }) : () -> ()
      %add3A_234 = arith.constant 8 : i32
      %add3A_235 = arith.addi %add3A_227, %add3A_234 : i32
      %dma_start3A_236 = arith.constant 0 : i32
      %dma_start3A_237 = tpu.memref_slice %arg9[%add3A_235, %dma_start3A_236] : memref<96x128xi32, #tpu.memory_space<vmem>> -> memref<1x128xi32, #tpu.memory_space<vmem>>
      %dma_start3A_238 = tpu.memref_squeeze %dma_start3A_237 : memref<1x128xi32, #tpu.memory_space<vmem>> -> memref<128xi32, #tpu.memory_space<vmem>>
      %dma_start3A_239 = arith.constant 0 : i32
      %dma_start3A_240 = arith.constant 0 : i32
      %dma_start3A_241 = tpu.memref_slice %arg2[%dma_start3A_239, %dma_start3A_240] : memref<10112x16xf32, #tpu.memory_space<hbm>> -> memref<10112x16xf32, #tpu.memory_space<hbm>>
      tpu.enqueue_indirect_dma source(%dma_start3A_241 : memref<10112x16xf32, #tpu.memory_space<hbm>>) target(%arg16 : memref<128x16xf32, #tpu.memory_space<vmem>>) offsets(%dma_start3A_238 : memref<128xi32, #tpu.memory_space<vmem>>) semaphore(%arg26 : memref<!tpu.dma_semaphore, #tpu.memory_space<semaphore_mem>>)
      %mul3A_242 = arith.constant 8 : i32
      %mul3A_243 = arith.muli %scan3A_133, %mul3A_242 : i32
      %add3A_244 = arith.constant 6 : i32
      %add3A_245 = arith.addi %mul3A_243, %add3A_244 : i32
      %dma_wait3A_246 = arith.constant 0 : i32
      %dma_wait3A_247 = tpu.memref_slice %arg9[%add3A_245, %dma_wait3A_246] : memref<96x128xi32, #tpu.memory_space<vmem>> -> memref<1x128xi32, #tpu.memory_space<vmem>>
      %dma_wait3A_248 = tpu.memref_squeeze %dma_wait3A_247 : memref<1x128xi32, #tpu.memory_space<vmem>> -> memref<128xi32, #tpu.memory_space<vmem>>
      %dma_wait3A_249 = arith.constant 0 : i32
      %dma_wait3A_250 = arith.constant 0 : i32
      %dma_wait3A_251 = tpu.memref_slice %arg2[%dma_wait3A_249, %dma_wait3A_250] : memref<10112x16xf32, #tpu.memory_space<hbm>> -> memref<10112x16xf32, #tpu.memory_space<hbm>>
      tpu.wait_indirect_dma semaphore(%arg27 : memref<!tpu.dma_semaphore, #tpu.memory_space<semaphore_mem>>) src(%dma_wait3A_251 : memref<10112x16xf32, #tpu.memory_space<hbm>>) dst(%arg17 : memref<128x16xf32, #tpu.memory_space<vmem>>)
      "tpu.region"() ({
        %run_scoped3A = tpu.sem_alloc : memref<!tpu.dma_semaphore, #tpu.memory_space<semaphore_mem>>
        %dma_start3A_278 = arith.constant 0 : i32
        %dma_start3A_279 = tpu.memref_slice %arg10[%add3A_245, %dma_start3A_278] : memref<88x128xi32, #tpu.memory_space<vmem>> -> memref<1x128xi32, #tpu.memory_space<vmem>>
        %dma_start3A_280 = tpu.memref_squeeze %dma_start3A_279 : memref<1x128xi32, #tpu.memory_space<vmem>> -> memref<128xi32, #tpu.memory_space<vmem>>
        %dma_start3A_281 = arith.constant 0 : i32
        %dma_start3A_282 = arith.constant 0 : i32
        %dma_start3A_283 = tpu.memref_slice %arg20[%dma_start3A_281, %dma_start3A_282] : memref<10112x16xf32, #tpu.memory_space<vmem_shared>> -> memref<10112x16xf32, #tpu.memory_space<vmem_shared>>
        tpu.enqueue_indirect_dma source(%arg17 : memref<128x16xf32, #tpu.memory_space<vmem>>) target(%dma_start3A_283 : memref<10112x16xf32, #tpu.memory_space<vmem_shared>>) offsets(%dma_start3A_280 : memref<128xi32, #tpu.memory_space<vmem>>) semaphore(%run_scoped3A : memref<!tpu.dma_semaphore, #tpu.memory_space<semaphore_mem>>) {add = true}
        %dma_wait3A_284 = arith.constant 0 : i32
        %dma_wait3A_285 = tpu.memref_slice %arg10[%add3A_245, %dma_wait3A_284] : memref<88x128xi32, #tpu.memory_space<vmem>> -> memref<1x128xi32, #tpu.memory_space<vmem>>
        %dma_wait3A_286 = tpu.memref_squeeze %dma_wait3A_285 : memref<1x128xi32, #tpu.memory_space<vmem>> -> memref<128xi32, #tpu.memory_space<vmem>>
        %dma_wait3A_287 = arith.constant 0 : i32
        %dma_wait3A_288 = arith.constant 0 : i32
        %dma_wait3A_289 = tpu.memref_slice %arg20[%dma_wait3A_287, %dma_wait3A_288] : memref<10112x16xf32, #tpu.memory_space<vmem_shared>> -> memref<10112x16xf32, #tpu.memory_space<vmem_shared>>
        tpu.wait_indirect_dma semaphore(%run_scoped3A : memref<!tpu.dma_semaphore, #tpu.memory_space<semaphore_mem>>) src(%arg17 : memref<128x16xf32, #tpu.memory_space<vmem>>) dst(%dma_wait3A_289 : memref<10112x16xf32, #tpu.memory_space<vmem_shared>>)
        tpu.yield
      }) : () -> ()
      %add3A_252 = arith.constant 8 : i32
      %add3A_253 = arith.addi %add3A_245, %add3A_252 : i32
      %dma_start3A_254 = arith.constant 0 : i32
      %dma_start3A_255 = tpu.memref_slice %arg9[%add3A_253, %dma_start3A_254] : memref<96x128xi32, #tpu.memory_space<vmem>> -> memref<1x128xi32, #tpu.memory_space<vmem>>
      %dma_start3A_256 = tpu.memref_squeeze %dma_start3A_255 : memref<1x128xi32, #tpu.memory_space<vmem>> -> memref<128xi32, #tpu.memory_space<vmem>>
      %dma_start3A_257 = arith.constant 0 : i32
      %dma_start3A_258 = arith.constant 0 : i32
      %dma_start3A_259 = tpu.memref_slice %arg2[%dma_start3A_257, %dma_start3A_258] : memref<10112x16xf32, #tpu.memory_space<hbm>> -> memref<10112x16xf32, #tpu.memory_space<hbm>>
      tpu.enqueue_indirect_dma source(%dma_start3A_259 : memref<10112x16xf32, #tpu.memory_space<hbm>>) target(%arg17 : memref<128x16xf32, #tpu.memory_space<vmem>>) offsets(%dma_start3A_256 : memref<128xi32, #tpu.memory_space<vmem>>) semaphore(%arg27 : memref<!tpu.dma_semaphore, #tpu.memory_space<semaphore_mem>>)
      %mul3A_260 = arith.constant 8 : i32
      %mul3A_261 = arith.muli %scan3A_133, %mul3A_260 : i32
      %add3A_262 = arith.constant 7 : i32
      %add3A_263 = arith.addi %mul3A_261, %add3A_262 : i32
      %dma_wait3A_264 = arith.constant 0 : i32
      %dma_wait3A_265 = tpu.memref_slice %arg9[%add3A_263, %dma_wait3A_264] : memref<96x128xi32, #tpu.memory_space<vmem>> -> memref<1x128xi32, #tpu.memory_space<vmem>>
      %dma_wait3A_266 = tpu.memref_squeeze %dma_wait3A_265 : memref<1x128xi32, #tpu.memory_space<vmem>> -> memref<128xi32, #tpu.memory_space<vmem>>
      %dma_wait3A_267 = arith.constant 0 : i32
      %dma_wait3A_268 = arith.constant 0 : i32
      %dma_wait3A_269 = tpu.memref_slice %arg2[%dma_wait3A_267, %dma_wait3A_268] : memref<10112x16xf32, #tpu.memory_space<hbm>> -> memref<10112x16xf32, #tpu.memory_space<hbm>>
      tpu.wait_indirect_dma semaphore(%arg28 : memref<!tpu.dma_semaphore, #tpu.memory_space<semaphore_mem>>) src(%dma_wait3A_269 : memref<10112x16xf32, #tpu.memory_space<hbm>>) dst(%arg18 : memref<128x16xf32, #tpu.memory_space<vmem>>)
      "tpu.region"() ({
        %run_scoped3A = tpu.sem_alloc : memref<!tpu.dma_semaphore, #tpu.memory_space<semaphore_mem>>
        %dma_start3A_278 = arith.constant 0 : i32
        %dma_start3A_279 = tpu.memref_slice %arg10[%add3A_263, %dma_start3A_278] : memref<88x128xi32, #tpu.memory_space<vmem>> -> memref<1x128xi32, #tpu.memory_space<vmem>>
        %dma_start3A_280 = tpu.memref_squeeze %dma_start3A_279 : memref<1x128xi32, #tpu.memory_space<vmem>> -> memref<128xi32, #tpu.memory_space<vmem>>
        %dma_start3A_281 = arith.constant 0 : i32
        %dma_start3A_282 = arith.constant 0 : i32
        %dma_start3A_283 = tpu.memref_slice %arg20[%dma_start3A_281, %dma_start3A_282] : memref<10112x16xf32, #tpu.memory_space<vmem_shared>> -> memref<10112x16xf32, #tpu.memory_space<vmem_shared>>
        tpu.enqueue_indirect_dma source(%arg18 : memref<128x16xf32, #tpu.memory_space<vmem>>) target(%dma_start3A_283 : memref<10112x16xf32, #tpu.memory_space<vmem_shared>>) offsets(%dma_start3A_280 : memref<128xi32, #tpu.memory_space<vmem>>) semaphore(%run_scoped3A : memref<!tpu.dma_semaphore, #tpu.memory_space<semaphore_mem>>) {add = true}
        %dma_wait3A_284 = arith.constant 0 : i32
        %dma_wait3A_285 = tpu.memref_slice %arg10[%add3A_263, %dma_wait3A_284] : memref<88x128xi32, #tpu.memory_space<vmem>> -> memref<1x128xi32, #tpu.memory_space<vmem>>
        %dma_wait3A_286 = tpu.memref_squeeze %dma_wait3A_285 : memref<1x128xi32, #tpu.memory_space<vmem>> -> memref<128xi32, #tpu.memory_space<vmem>>
        %dma_wait3A_287 = arith.constant 0 : i32
        %dma_wait3A_288 = arith.constant 0 : i32
        %dma_wait3A_289 = tpu.memref_slice %arg20[%dma_wait3A_287, %dma_wait3A_288] : memref<10112x16xf32, #tpu.memory_space<vmem_shared>> -> memref<10112x16xf32, #tpu.memory_space<vmem_shared>>
        tpu.wait_indirect_dma semaphore(%run_scoped3A : memref<!tpu.dma_semaphore, #tpu.memory_space<semaphore_mem>>) src(%arg18 : memref<128x16xf32, #tpu.memory_space<vmem>>) dst(%dma_wait3A_289 : memref<10112x16xf32, #tpu.memory_space<vmem_shared>>)
        tpu.yield
      }) : () -> ()
      %add3A_270 = arith.constant 8 : i32
      %add3A_271 = arith.addi %add3A_263, %add3A_270 : i32
      %dma_start3A_272 = arith.constant 0 : i32
      %dma_start3A_273 = tpu.memref_slice %arg9[%add3A_271, %dma_start3A_272] : memref<96x128xi32, #tpu.memory_space<vmem>> -> memref<1x128xi32, #tpu.memory_space<vmem>>
      %dma_start3A_274 = tpu.memref_squeeze %dma_start3A_273 : memref<1x128xi32, #tpu.memory_space<vmem>> -> memref<128xi32, #tpu.memory_space<vmem>>
      %dma_start3A_275 = arith.constant 0 : i32
      %dma_start3A_276 = arith.constant 0 : i32
      %dma_start3A_277 = tpu.memref_slice %arg2[%dma_start3A_275, %dma_start3A_276] : memref<10112x16xf32, #tpu.memory_space<hbm>> -> memref<10112x16xf32, #tpu.memory_space<hbm>>
      tpu.enqueue_indirect_dma source(%dma_start3A_277 : memref<10112x16xf32, #tpu.memory_space<hbm>>) target(%arg18 : memref<128x16xf32, #tpu.memory_space<vmem>>) offsets(%dma_start3A_274 : memref<128xi32, #tpu.memory_space<vmem>>) semaphore(%arg28 : memref<!tpu.dma_semaphore, #tpu.memory_space<semaphore_mem>>)
    }
    %scan3A_72 = arith.constant 11 : i32
    %dma_wait3A = arith.constant 0 : i32
    %dma_wait3A_73 = arith.constant 0 : i32
    %dma_wait3A_74 = tpu.memref_slice %arg9[%dma_wait3A, %dma_wait3A_73] : memref<96x128xi32, #tpu.memory_space<vmem>> -> memref<1x128xi32, #tpu.memory_space<vmem>>
    %dma_wait3A_75 = tpu.memref_squeeze %dma_wait3A_74 : memref<1x128xi32, #tpu.memory_space<vmem>> -> memref<128xi32, #tpu.memory_space<vmem>>
    %dma_wait3A_76 = arith.constant 0 : i32
    %dma_wait3A_77 = arith.constant 0 : i32
    %dma_wait3A_78 = tpu.memref_slice %arg2[%dma_wait3A_76, %dma_wait3A_77] : memref<10112x16xf32, #tpu.memory_space<hbm>> -> memref<10112x16xf32, #tpu.memory_space<hbm>>
    tpu.wait_indirect_dma semaphore(%arg21 : memref<!tpu.dma_semaphore, #tpu.memory_space<semaphore_mem>>) src(%dma_wait3A_78 : memref<10112x16xf32, #tpu.memory_space<hbm>>) dst(%arg11 : memref<128x16xf32, #tpu.memory_space<vmem>>)
    %dma_wait3A_79 = arith.constant 1 : i32
    %dma_wait3A_80 = arith.constant 0 : i32
    %dma_wait3A_81 = tpu.memref_slice %arg9[%dma_wait3A_79, %dma_wait3A_80] : memref<96x128xi32, #tpu.memory_space<vmem>> -> memref<1x128xi32, #tpu.memory_space<vmem>>
    %dma_wait3A_82 = tpu.memref_squeeze %dma_wait3A_81 : memref<1x128xi32, #tpu.memory_space<vmem>> -> memref<128xi32, #tpu.memory_space<vmem>>
    %dma_wait3A_83 = arith.constant 0 : i32
    %dma_wait3A_84 = arith.constant 0 : i32
    %dma_wait3A_85 = tpu.memref_slice %arg2[%dma_wait3A_83, %dma_wait3A_84] : memref<10112x16xf32, #tpu.memory_space<hbm>> -> memref<10112x16xf32, #tpu.memory_space<hbm>>
    tpu.wait_indirect_dma semaphore(%arg22 : memref<!tpu.dma_semaphore, #tpu.memory_space<semaphore_mem>>) src(%dma_wait3A_85 : memref<10112x16xf32, #tpu.memory_space<hbm>>) dst(%arg12 : memref<128x16xf32, #tpu.memory_space<vmem>>)
    %dma_wait3A_86 = arith.constant 2 : i32
    %dma_wait3A_87 = arith.constant 0 : i32
    %dma_wait3A_88 = tpu.memref_slice %arg9[%dma_wait3A_86, %dma_wait3A_87] : memref<96x128xi32, #tpu.memory_space<vmem>> -> memref<1x128xi32, #tpu.memory_space<vmem>>
    %dma_wait3A_89 = tpu.memref_squeeze %dma_wait3A_88 : memref<1x128xi32, #tpu.memory_space<vmem>> -> memref<128xi32, #tpu.memory_space<vmem>>
    %dma_wait3A_90 = arith.constant 0 : i32
    %dma_wait3A_91 = arith.constant 0 : i32
    %dma_wait3A_92 = tpu.memref_slice %arg2[%dma_wait3A_90, %dma_wait3A_91] : memref<10112x16xf32, #tpu.memory_space<hbm>> -> memref<10112x16xf32, #tpu.memory_space<hbm>>
    tpu.wait_indirect_dma semaphore(%arg23 : memref<!tpu.dma_semaphore, #tpu.memory_space<semaphore_mem>>) src(%dma_wait3A_92 : memref<10112x16xf32, #tpu.memory_space<hbm>>) dst(%arg13 : memref<128x16xf32, #tpu.memory_space<vmem>>)
    %dma_wait3A_93 = arith.constant 3 : i32
    %dma_wait3A_94 = arith.constant 0 : i32
    %dma_wait3A_95 = tpu.memref_slice %arg9[%dma_wait3A_93, %dma_wait3A_94] : memref<96x128xi32, #tpu.memory_space<vmem>> -> memref<1x128xi32, #tpu.memory_space<vmem>>
    %dma_wait3A_96 = tpu.memref_squeeze %dma_wait3A_95 : memref<1x128xi32, #tpu.memory_space<vmem>> -> memref<128xi32, #tpu.memory_space<vmem>>
    %dma_wait3A_97 = arith.constant 0 : i32
    %dma_wait3A_98 = arith.constant 0 : i32
    %dma_wait3A_99 = tpu.memref_slice %arg2[%dma_wait3A_97, %dma_wait3A_98] : memref<10112x16xf32, #tpu.memory_space<hbm>> -> memref<10112x16xf32, #tpu.memory_space<hbm>>
    tpu.wait_indirect_dma semaphore(%arg24 : memref<!tpu.dma_semaphore, #tpu.memory_space<semaphore_mem>>) src(%dma_wait3A_99 : memref<10112x16xf32, #tpu.memory_space<hbm>>) dst(%arg14 : memref<128x16xf32, #tpu.memory_space<vmem>>)
    %dma_wait3A_100 = arith.constant 4 : i32
    %dma_wait3A_101 = arith.constant 0 : i32
    %dma_wait3A_102 = tpu.memref_slice %arg9[%dma_wait3A_100, %dma_wait3A_101] : memref<96x128xi32, #tpu.memory_space<vmem>> -> memref<1x128xi32, #tpu.memory_space<vmem>>
    %dma_wait3A_103 = tpu.memref_squeeze %dma_wait3A_102 : memref<1x128xi32, #tpu.memory_space<vmem>> -> memref<128xi32, #tpu.memory_space<vmem>>
    %dma_wait3A_104 = arith.constant 0 : i32
    %dma_wait3A_105 = arith.constant 0 : i32
    %dma_wait3A_106 = tpu.memref_slice %arg2[%dma_wait3A_104, %dma_wait3A_105] : memref<10112x16xf32, #tpu.memory_space<hbm>> -> memref<10112x16xf32, #tpu.memory_space<hbm>>
    tpu.wait_indirect_dma semaphore(%arg25 : memref<!tpu.dma_semaphore, #tpu.memory_space<semaphore_mem>>) src(%dma_wait3A_106 : memref<10112x16xf32, #tpu.memory_space<hbm>>) dst(%arg15 : memref<128x16xf32, #tpu.memory_space<vmem>>)
    %dma_wait3A_107 = arith.constant 5 : i32
    %dma_wait3A_108 = arith.constant 0 : i32
    %dma_wait3A_109 = tpu.memref_slice %arg9[%dma_wait3A_107, %dma_wait3A_108] : memref<96x128xi32, #tpu.memory_space<vmem>> -> memref<1x128xi32, #tpu.memory_space<vmem>>
    %dma_wait3A_110 = tpu.memref_squeeze %dma_wait3A_109 : memref<1x128xi32, #tpu.memory_space<vmem>> -> memref<128xi32, #tpu.memory_space<vmem>>
    %dma_wait3A_111 = arith.constant 0 : i32
    %dma_wait3A_112 = arith.constant 0 : i32
    %dma_wait3A_113 = tpu.memref_slice %arg2[%dma_wait3A_111, %dma_wait3A_112] : memref<10112x16xf32, #tpu.memory_space<hbm>> -> memref<10112x16xf32, #tpu.memory_space<hbm>>
    tpu.wait_indirect_dma semaphore(%arg26 : memref<!tpu.dma_semaphore, #tpu.memory_space<semaphore_mem>>) src(%dma_wait3A_113 : memref<10112x16xf32, #tpu.memory_space<hbm>>) dst(%arg16 : memref<128x16xf32, #tpu.memory_space<vmem>>)
    %dma_wait3A_114 = arith.constant 6 : i32
    %dma_wait3A_115 = arith.constant 0 : i32
    %dma_wait3A_116 = tpu.memref_slice %arg9[%dma_wait3A_114, %dma_wait3A_115] : memref<96x128xi32, #tpu.memory_space<vmem>> -> memref<1x128xi32, #tpu.memory_space<vmem>>
    %dma_wait3A_117 = tpu.memref_squeeze %dma_wait3A_116 : memref<1x128xi32, #tpu.memory_space<vmem>> -> memref<128xi32, #tpu.memory_space<vmem>>
    %dma_wait3A_118 = arith.constant 0 : i32
    %dma_wait3A_119 = arith.constant 0 : i32
    %dma_wait3A_120 = tpu.memref_slice %arg2[%dma_wait3A_118, %dma_wait3A_119] : memref<10112x16xf32, #tpu.memory_space<hbm>> -> memref<10112x16xf32, #tpu.memory_space<hbm>>
    tpu.wait_indirect_dma semaphore(%arg27 : memref<!tpu.dma_semaphore, #tpu.memory_space<semaphore_mem>>) src(%dma_wait3A_120 : memref<10112x16xf32, #tpu.memory_space<hbm>>) dst(%arg17 : memref<128x16xf32, #tpu.memory_space<vmem>>)
    %dma_wait3A_121 = arith.constant 7 : i32
    %dma_wait3A_122 = arith.constant 0 : i32
    %dma_wait3A_123 = tpu.memref_slice %arg9[%dma_wait3A_121, %dma_wait3A_122] : memref<96x128xi32, #tpu.memory_space<vmem>> -> memref<1x128xi32, #tpu.memory_space<vmem>>
    %dma_wait3A_124 = tpu.memref_squeeze %dma_wait3A_123 : memref<1x128xi32, #tpu.memory_space<vmem>> -> memref<128xi32, #tpu.memory_space<vmem>>
    %dma_wait3A_125 = arith.constant 0 : i32
    %dma_wait3A_126 = arith.constant 0 : i32
    %dma_wait3A_127 = tpu.memref_slice %arg2[%dma_wait3A_125, %dma_wait3A_126] : memref<10112x16xf32, #tpu.memory_space<hbm>> -> memref<10112x16xf32, #tpu.memory_space<hbm>>
    tpu.wait_indirect_dma semaphore(%arg28 : memref<!tpu.dma_semaphore, #tpu.memory_space<semaphore_mem>>) src(%dma_wait3A_127 : memref<10112x16xf32, #tpu.memory_space<hbm>>) dst(%arg18 : memref<128x16xf32, #tpu.memory_space<vmem>>)
    %barrier3A_128 = arith.constant 0 : index
    tpu.barrier barrier_id(%barrier3A_128)
    %mul3A_129 = arith.constant 632 : i32
    %mul3A_130 = arith.muli %arg1, %mul3A_129 : i32
    "tpu.region"() ({
      %run_scoped3A = tpu.sem_alloc : memref<!tpu.dma_semaphore, #tpu.memory_space<semaphore_mem>>
      %dma_start3A_133 = arith.constant 0 : i32
      %dma_start3A_134 = tpu.memref_slice %arg20[%mul3A_130, %dma_start3A_133] : memref<10112x16xf32, #tpu.memory_space<vmem_shared>> -> memref<632x16xf32, #tpu.memory_space<vmem_shared>>
      %dma_start3A_135 = arith.constant 0 : i32
      %dma_start3A_136 = tpu.memref_slice %arg20[%mul3A_130, %dma_start3A_135] : memref<10112x16xf32, #tpu.memory_space<vmem_shared>> -> memref<632x16xf32, #tpu.memory_space<vmem_shared>>
      tpu.enqueue_dma source(%dma_start3A_136 : memref<632x16xf32, #tpu.memory_space<vmem_shared>>) target(%arg19 : memref<632x16xf32, #tpu.memory_space<vmem>>) target_semaphore(%run_scoped3A : memref<!tpu.dma_semaphore, #tpu.memory_space<semaphore_mem>>)
      %dma_wait3A_137 = arith.constant 0 : i32
      %dma_wait3A_138 = tpu.memref_slice %arg20[%mul3A_130, %dma_wait3A_137] : memref<10112x16xf32, #tpu.memory_space<vmem_shared>> -> memref<632x16xf32, #tpu.memory_space<vmem_shared>>
      %dma_wait3A_139 = arith.constant 0 : i32
      %dma_wait3A_140 = tpu.memref_slice %arg20[%mul3A_130, %dma_wait3A_139] : memref<10112x16xf32, #tpu.memory_space<vmem_shared>> -> memref<632x16xf32, #tpu.memory_space<vmem_shared>>
      tpu.wait_dma2 semaphore(%run_scoped3A : memref<!tpu.dma_semaphore, #tpu.memory_space<semaphore_mem>>) src(%dma_wait3A_140 : memref<632x16xf32, #tpu.memory_space<vmem_shared>>) dst(%arg19 : memref<632x16xf32, #tpu.memory_space<vmem>>)
      tpu.yield
    }) : () -> ()
    %mul3A_131 = arith.constant 632 : i32
    %mul3A_132 = arith.muli %arg1, %mul3A_131 : i32
    "tpu.region"() ({
      %run_scoped3A = tpu.sem_alloc : memref<!tpu.dma_semaphore, #tpu.memory_space<semaphore_mem>>
      %dma_start3A_133 = arith.constant 0 : i32
      %dma_start3A_134 = tpu.memref_slice %arg8[%arg0, %mul3A_132, %dma_start3A_133] : memref<2x10112x16xf32, #tpu.memory_space<hbm>> -> memref<1x632x16xf32, #tpu.memory_space<hbm>>
      %dma_start3A_135 = tpu.memref_squeeze %dma_start3A_134 : memref<1x632x16xf32, #tpu.memory_space<hbm>> -> memref<632x16xf32, #tpu.memory_space<hbm>>
      %dma_start3A_136 = arith.constant 0 : i32
      %dma_start3A_137 = tpu.memref_slice %arg8[%arg0, %mul3A_132, %dma_start3A_136] : memref<2x10112x16xf32, #tpu.memory_space<hbm>> -> memref<1x632x16xf32, #tpu.memory_space<hbm>>
      %dma_start3A_138 = tpu.memref_squeeze %dma_start3A_137 : memref<1x632x16xf32, #tpu.memory_space<hbm>> -> memref<632x16xf32, #tpu.memory_space<hbm>>
      tpu.enqueue_dma source(%arg19 : memref<632x16xf32, #tpu.memory_space<vmem>>) target(%dma_start3A_138 : memref<632x16xf32, #tpu.memory_space<hbm>>) target_semaphore(%run_scoped3A : memref<!tpu.dma_semaphore, #tpu.memory_space<semaphore_mem>>)
      %dma_wait3A_139 = arith.constant 0 : i32
      %dma_wait3A_140 = tpu.memref_slice %arg8[%arg0, %mul3A_132, %dma_wait3A_139] : memref<2x10112x16xf32, #tpu.memory_space<hbm>> -> memref<1x632x16xf32, #tpu.memory_space<hbm>>
      %dma_wait3A_141 = tpu.memref_squeeze %dma_wait3A_140 : memref<1x632x16xf32, #tpu.memory_space<hbm>> -> memref<632x16xf32, #tpu.memory_space<hbm>>
      %dma_wait3A_142 = arith.constant 0 : i32
      %dma_wait3A_143 = tpu.memref_slice %arg8[%arg0, %mul3A_132, %dma_wait3A_142] : memref<2x10112x16xf32, #tpu.memory_space<hbm>> -> memref<1x632x16xf32, #tpu.memory_space<hbm>>
      %dma_wait3A_144 = tpu.memref_squeeze %dma_wait3A_143 : memref<1x632x16xf32, #tpu.memory_space<hbm>> -> memref<632x16xf32, #tpu.memory_space<hbm>>
      tpu.wait_dma2 semaphore(%run_scoped3A : memref<!tpu.dma_semaphore, #tpu.memory_space<semaphore_mem>>) src(%arg19 : memref<632x16xf32, #tpu.memory_space<vmem>>) dst(%dma_wait3A_144 : memref<632x16xf32, #tpu.memory_space<hbm>>)
      tpu.yield
    }) : () -> ()
    return
  }
}

module attributes {stable_mosaic.version = 14 : i64} {
  func.func @body(%arg0: i32, %arg1: memref<5056x1xf32, #tpu.memory_space<vmem>>, %arg2: memref<5056x1xf32, #tpu.memory_space<vmem>>, %arg3: memref<5056x128xf32, #tpu.memory_space<vmem>>, %arg4: memref<128x16xf32, #tpu.memory_space<vmem>>, %arg5: memref<1x16xf32, #tpu.memory_space<vmem>>, %arg6: memref<5056x16xf32, #tpu.memory_space<vmem>>, %arg7: memref<5056x1xf32, #tpu.memory_space<vmem>>) attributes {dimension_semantics = [#tpu.dimension_semantics<arbitrary>], iteration_bounds = array<i64: 2>, scalar_prefetch = 0 : i64, scratch_operands = 0 : i64, tpu.core_type = #tpu.core_type<tc>, window_params = [{transform_indices = @transform_0, window_bounds = array<i64: 5056, 1>}, {transform_indices = @transform_1, window_bounds = array<i64: 5056, 1>}, {transform_indices = @transform_2, window_bounds = array<i64: 5056, 128>}, {pipeline_mode = #tpu.pipeline_mode<synchronous>, transform_indices = @transform_3, window_bounds = array<i64: 128, 16>}, {pipeline_mode = #tpu.pipeline_mode<synchronous>, transform_indices = @transform_4, window_bounds = array<i64: 1, 16>}, {transform_indices = @transform_5, window_bounds = array<i64: 5056, 16>}, {transform_indices = @transform_6, window_bounds = array<i64: 5056, 1>}]} {
    %get3A = arith.constant 0 : index
    %get3A_0 = arith.constant 0 : index
    %get3A_1 = vector.load %arg1[%get3A, %get3A_0] : memref<5056x1xf32, #tpu.memory_space<vmem>>, vector<5056x1xf32>
    %get3A_2 = arith.constant 0 : index
    %get3A_3 = arith.constant 0 : index
    %get3A_4 = vector.load %arg2[%get3A_2, %get3A_3] : memref<5056x1xf32, #tpu.memory_space<vmem>>, vector<5056x1xf32>
    %add3A = arith.addf %get3A_1, %get3A_4 : vector<5056x1xf32>
    %rsqrt3A = math.rsqrt %add3A : vector<5056x1xf32>
    %get3A_5 = arith.constant 0 : index
    %get3A_6 = arith.constant 0 : index
    %get3A_7 = vector.load %arg3[%get3A_5, %get3A_6] : memref<5056x128xf32, #tpu.memory_space<vmem>>, vector<5056x128xf32>
    %get3A_8 = arith.constant 0 : index
    %get3A_9 = arith.constant 0 : index
    %get3A_10 = vector.load %arg4[%get3A_8, %get3A_9] : memref<128x16xf32, #tpu.memory_space<vmem>>, vector<128x16xf32>
    %dot_general3A = arith.constant dense<0.000000e+00> : vector<5056x16xf32>
    %dot_general3A_11 = tpu.matmul %get3A_7, %get3A_10, %dot_general3A {dimension_numbers = #tpu.dot_dimension_numbers<[1], [0], [0], [1], [0, 0, 1, 1], [], []>, transpose_lhs_hint = false} : vector<5056x128xf32>, vector<128x16xf32>, vector<5056x16xf32> -> vector<5056x16xf32>
    %get3A_12 = arith.constant 0 : index
    %get3A_13 = arith.constant 0 : index
    %get3A_14 = vector.load %arg5[%get3A_12, %get3A_13] : memref<1x16xf32, #tpu.memory_space<vmem>>, vector<1x16xf32>
    %add3A_15 = vector.broadcast %get3A_14 : vector<1x16xf32> to vector<5056x16xf32>
    %add3A_16 = arith.addf %dot_general3A_11, %add3A_15 : vector<5056x16xf32>
    %mul3A = vector.broadcast %rsqrt3A : vector<5056x1xf32> to vector<5056x16xf32>
    %mul3A_17 = arith.mulf %add3A_16, %mul3A : vector<5056x16xf32>
    %swap3A = arith.constant 0 : index
    %swap3A_18 = arith.constant 0 : index
    %swap3A_19 = vector.load %arg6[%swap3A, %swap3A_18] : memref<5056x16xf32, #tpu.memory_space<vmem>>, vector<5056x16xf32>
    tpu.vector_store %arg6[%swap3A, %swap3A_18], %mul3A_17 {strides = array<i32>} : memref<5056x16xf32, #tpu.memory_space<vmem>>, vector<5056x16xf32>,
    %swap3A_20 = arith.constant 0 : index
    %swap3A_21 = arith.constant 0 : index
    %swap3A_22 = vector.load %arg7[%swap3A_20, %swap3A_21] : memref<5056x1xf32, #tpu.memory_space<vmem>>, vector<5056x1xf32>
    tpu.vector_store %arg7[%swap3A_20, %swap3A_21], %rsqrt3A {strides = array<i32>} : memref<5056x1xf32, #tpu.memory_space<vmem>>, vector<5056x1xf32>,
    return
  }
  func.func @transform_0(%arg0: i32) -> (i32, i32) {
    %c0_i32 = arith.constant 0 : i32
    %c0_i32_0 = arith.constant 0 : i32
    return %arg0, %c0_i32 : i32, i32
  }
  func.func @transform_1(%arg0: i32) -> (i32, i32) {
    %c0_i32 = arith.constant 0 : i32
    %c0_i32_0 = arith.constant 0 : i32
    return %arg0, %c0_i32 : i32, i32
  }
  func.func @transform_2(%arg0: i32) -> (i32, i32) {
    %c0_i32 = arith.constant 0 : i32
    %c0_i32_0 = arith.constant 0 : i32
    return %arg0, %c0_i32 : i32, i32
  }
  func.func @transform_3(%arg0: i32) -> (i32, i32) {
    %c0_i32 = arith.constant 0 : i32
    %c0_i32_0 = arith.constant 0 : i32
    %c0_i32_1 = arith.constant 0 : i32
    return %c0_i32, %c0_i32_0 : i32, i32
  }
  func.func @transform_4(%arg0: i32) -> (i32, i32) {
    %c0_i32 = arith.constant 0 : i32
    %c0_i32_0 = arith.constant 0 : i32
    %c0_i32_1 = arith.constant 0 : i32
    return %c0_i32, %c0_i32_0 : i32, i32
  }
  func.func @transform_5(%arg0: i32) -> (i32, i32) {
    %c0_i32 = arith.constant 0 : i32
    %c0_i32_0 = arith.constant 0 : i32
    return %arg0, %c0_i32 : i32, i32
  }
  func.func @transform_6(%arg0: i32) -> (i32, i32) {
    %c0_i32 = arith.constant 0 : i32
    %c0_i32_0 = arith.constant 0 : i32
    return %arg0, %c0_i32 : i32, i32
  }
}

module attributes {stable_mosaic.version = 14 : i64} {
  func.func @body(%arg0: i32, %arg1: memref<5056x16xf32, #tpu.memory_space<vmem>>, %arg2: memref<5056x16xf32, #tpu.memory_space<vmem>>, %arg3: memref<5056x1xf32, #tpu.memory_space<vmem>>, %arg4: memref<16x40xf32, #tpu.memory_space<vmem>>, %arg5: memref<1x40xf32, #tpu.memory_space<vmem>>, %arg6: memref<5056x40xf32, #tpu.memory_space<vmem>>) attributes {dimension_semantics = [#tpu.dimension_semantics<arbitrary>], iteration_bounds = array<i64: 2>, scalar_prefetch = 0 : i64, scratch_operands = 0 : i64, tpu.core_type = #tpu.core_type<tc>, window_params = [{transform_indices = @transform_0, window_bounds = array<i64: 5056, 16>}, {transform_indices = @transform_1, window_bounds = array<i64: 5056, 16>}, {transform_indices = @transform_2, window_bounds = array<i64: 5056, 1>}, {pipeline_mode = #tpu.pipeline_mode<synchronous>, transform_indices = @transform_3, window_bounds = array<i64: 16, 40>}, {pipeline_mode = #tpu.pipeline_mode<synchronous>, transform_indices = @transform_4, window_bounds = array<i64: 1, 40>}, {transform_indices = @transform_5, window_bounds = array<i64: 5056, 40>}]} {
    %get3A = arith.constant 0 : index
    %get3A_0 = arith.constant 0 : index
    %get3A_1 = vector.load %arg3[%get3A, %get3A_0] : memref<5056x1xf32, #tpu.memory_space<vmem>>, vector<5056x1xf32>
    %get3A_2 = arith.constant 0 : index
    %get3A_3 = arith.constant 0 : index
    %get3A_4 = vector.load %arg1[%get3A_2, %get3A_3] : memref<5056x16xf32, #tpu.memory_space<vmem>>, vector<5056x16xf32>
    %get3A_5 = arith.constant 0 : index
    %get3A_6 = arith.constant 0 : index
    %get3A_7 = vector.load %arg2[%get3A_5, %get3A_6] : memref<5056x16xf32, #tpu.memory_space<vmem>>, vector<5056x16xf32>
    %add3A = arith.addf %get3A_4, %get3A_7 : vector<5056x16xf32>
    %mul3A = vector.broadcast %get3A_1 : vector<5056x1xf32> to vector<5056x16xf32>
    %mul3A_8 = arith.mulf %add3A, %mul3A : vector<5056x16xf32>
    %max3A = arith.constant 0.000000e+00 : f32
    %max3A_9 = vector.broadcast %max3A : f32 to vector<5056x16xf32>
    %max3A_10 = arith.maximumf %mul3A_8, %max3A_9 : vector<5056x16xf32>
    %get3A_11 = arith.constant 0 : index
    %get3A_12 = arith.constant 0 : index
    %get3A_13 = vector.load %arg4[%get3A_11, %get3A_12] : memref<16x40xf32, #tpu.memory_space<vmem>>, vector<16x40xf32>
    %dot_general3A = arith.constant dense<0.000000e+00> : vector<5056x40xf32>
    %dot_general3A_14 = tpu.matmul %max3A_10, %get3A_13, %dot_general3A {dimension_numbers = #tpu.dot_dimension_numbers<[1], [0], [0], [1], [0, 0, 1, 1], [], []>, transpose_lhs_hint = false} : vector<5056x16xf32>, vector<16x40xf32>, vector<5056x40xf32> -> vector<5056x40xf32>
    %get3A_15 = arith.constant 0 : index
    %get3A_16 = arith.constant 0 : index
    %get3A_17 = vector.load %arg5[%get3A_15, %get3A_16] : memref<1x40xf32, #tpu.memory_space<vmem>>, vector<1x40xf32>
    %add3A_18 = vector.broadcast %get3A_17 : vector<1x40xf32> to vector<5056x40xf32>
    %add3A_19 = arith.addf %dot_general3A_14, %add3A_18 : vector<5056x40xf32>
    %mul3A_20 = vector.broadcast %get3A_1 : vector<5056x1xf32> to vector<5056x40xf32>
    %mul3A_21 = arith.mulf %add3A_19, %mul3A_20 : vector<5056x40xf32>
    %swap3A = arith.constant 0 : index
    %swap3A_22 = arith.constant 0 : index
    %swap3A_23 = vector.load %arg6[%swap3A, %swap3A_22] : memref<5056x40xf32, #tpu.memory_space<vmem>>, vector<5056x40xf32>
    tpu.vector_store %arg6[%swap3A, %swap3A_22], %mul3A_21 {strides = array<i32>} : memref<5056x40xf32, #tpu.memory_space<vmem>>, vector<5056x40xf32>,
    return
  }
  func.func @transform_0(%arg0: i32) -> (i32, i32) {
    %c0_i32 = arith.constant 0 : i32
    %c0_i32_0 = arith.constant 0 : i32
    return %arg0, %c0_i32 : i32, i32
  }
  func.func @transform_1(%arg0: i32) -> (i32, i32) {
    %c0_i32 = arith.constant 0 : i32
    %c0_i32_0 = arith.constant 0 : i32
    return %arg0, %c0_i32 : i32, i32
  }
  func.func @transform_2(%arg0: i32) -> (i32, i32) {
    %c0_i32 = arith.constant 0 : i32
    %c0_i32_0 = arith.constant 0 : i32
    return %arg0, %c0_i32 : i32, i32
  }
  func.func @transform_3(%arg0: i32) -> (i32, i32) {
    %c0_i32 = arith.constant 0 : i32
    %c0_i32_0 = arith.constant 0 : i32
    %c0_i32_1 = arith.constant 0 : i32
    return %c0_i32, %c0_i32_0 : i32, i32
  }
  func.func @transform_4(%arg0: i32) -> (i32, i32) {
    %c0_i32 = arith.constant 0 : i32
    %c0_i32_0 = arith.constant 0 : i32
    %c0_i32_1 = arith.constant 0 : i32
    return %c0_i32, %c0_i32_0 : i32, i32
  }
  func.func @transform_5(%arg0: i32) -> (i32, i32) {
    %c0_i32 = arith.constant 0 : i32
    %c0_i32_0 = arith.constant 0 : i32
    return %arg0, %c0_i32 : i32, i32
  }
}

module attributes {stable_mosaic.version = 14 : i64} {
  func.func @body(%arg0: i32, %arg1: memref<5056x40xf32, #tpu.memory_space<vmem>>, %arg2: memref<5056x40xf32, #tpu.memory_space<vmem>>, %arg3: memref<5056x1xf32, #tpu.memory_space<vmem>>, %arg4: memref<5056x40xf32, #tpu.memory_space<vmem>>) attributes {dimension_semantics = [#tpu.dimension_semantics<arbitrary>], iteration_bounds = array<i64: 2>, scalar_prefetch = 0 : i64, scratch_operands = 0 : i64, tpu.core_type = #tpu.core_type<tc>, window_params = [{transform_indices = @transform_0, window_bounds = array<i64: 5056, 40>}, {transform_indices = @transform_1, window_bounds = array<i64: 5056, 40>}, {transform_indices = @transform_2, window_bounds = array<i64: 5056, 1>}, {transform_indices = @transform_3, window_bounds = array<i64: 5056, 40>}]} {
    %get3A = arith.constant 0 : index
    %get3A_0 = arith.constant 0 : index
    %get3A_1 = vector.load %arg1[%get3A, %get3A_0] : memref<5056x40xf32, #tpu.memory_space<vmem>>, vector<5056x40xf32>
    %get3A_2 = arith.constant 0 : index
    %get3A_3 = arith.constant 0 : index
    %get3A_4 = vector.load %arg2[%get3A_2, %get3A_3] : memref<5056x40xf32, #tpu.memory_space<vmem>>, vector<5056x40xf32>
    %add3A = arith.addf %get3A_1, %get3A_4 : vector<5056x40xf32>
    %get3A_5 = arith.constant 0 : index
    %get3A_6 = arith.constant 0 : index
    %get3A_7 = vector.load %arg3[%get3A_5, %get3A_6] : memref<5056x1xf32, #tpu.memory_space<vmem>>, vector<5056x1xf32>
    %mul3A = vector.broadcast %get3A_7 : vector<5056x1xf32> to vector<5056x40xf32>
    %mul3A_8 = arith.mulf %add3A, %mul3A : vector<5056x40xf32>
    %reduce_max3A = arith.constant dense<0xFF800000> : vector<5056xf32>
    %reduce_max3A_9 = vector.multi_reduction <maximumf>, %mul3A_8, %reduce_max3A [1] : vector<5056x40xf32> to vector<5056xf32>
    %broadcast_in_dim3A = vector.shape_cast %reduce_max3A_9 : vector<5056xf32> to vector<5056x1xf32>
    %sub3A = vector.broadcast %broadcast_in_dim3A : vector<5056x1xf32> to vector<5056x40xf32>
    %sub3A_10 = arith.subf %mul3A_8, %sub3A : vector<5056x40xf32>
    %exp3A = math.exp %sub3A_10 : vector<5056x40xf32>
    %reduce_sum3A = arith.constant dense<0.000000e+00> : vector<5056xf32>
    %reduce_sum3A_11 = vector.multi_reduction <add>, %exp3A, %reduce_sum3A [1] : vector<5056x40xf32> to vector<5056xf32>
    %broadcast_in_dim3A_12 = vector.shape_cast %reduce_sum3A_11 : vector<5056xf32> to vector<5056x1xf32>
    %log3A = math.log %broadcast_in_dim3A_12 : vector<5056x1xf32>
    %add3A_13 = arith.addf %log3A, %broadcast_in_dim3A : vector<5056x1xf32>
    %sub3A_14 = vector.broadcast %add3A_13 : vector<5056x1xf32> to vector<5056x40xf32>
    %sub3A_15 = arith.subf %mul3A_8, %sub3A_14 : vector<5056x40xf32>
    %swap3A = arith.constant 0 : index
    %swap3A_16 = arith.constant 0 : index
    %swap3A_17 = vector.load %arg4[%swap3A, %swap3A_16] : memref<5056x40xf32, #tpu.memory_space<vmem>>, vector<5056x40xf32>
    tpu.vector_store %arg4[%swap3A, %swap3A_16], %sub3A_15 {strides = array<i32>} : memref<5056x40xf32, #tpu.memory_space<vmem>>, vector<5056x40xf32>,
    return
  }
  func.func @transform_0(%arg0: i32) -> (i32, i32) {
    %c0_i32 = arith.constant 0 : i32
    %c0_i32_0 = arith.constant 0 : i32
    return %arg0, %c0_i32 : i32, i32
  }
  func.func @transform_1(%arg0: i32) -> (i32, i32) {
    %c0_i32 = arith.constant 0 : i32
    %c0_i32_0 = arith.constant 0 : i32
    return %arg0, %c0_i32 : i32, i32
  }
  func.func @transform_2(%arg0: i32) -> (i32, i32) {
    %c0_i32 = arith.constant 0 : i32
    %c0_i32_0 = arith.constant 0 : i32
    return %arg0, %c0_i32 : i32, i32
  }
  func.func @transform_3(%arg0: i32) -> (i32, i32) {
    %c0_i32 = arith.constant 0 : i32
    %c0_i32_0 = arith.constant 0 : i32
    return %arg0, %c0_i32 : i32, i32
  }
}

</mosaic_0001>

<sc_bundles>
// kernel: kernel.11.cloned.1.call-start
scs
__scs_entry_jumppad:
0x0: {  	(pc) =	sbr.rel $0x88, $3  }
0x1: {  	(tag) =	ssettag $0x0;
	lr =	simm.s32 $0x1  }
0x2: {  	[smem:$0x3F9B] =	sst lr;
	_ =	strace $0xD0000000  }
0x3: {  	_ = 	snop  }
0x4: {  	_ = 	snop  }
0x5: {  	_ = 	snop  }
0x6: {  	_ = 	snop  }
0x7: {  	_ = 	snop  }
__scs_overlays_trampoline_lowered:
0x8: {  	[smem:$0x3FAA] =	sst s0  }
0x9: {  	[smem:$0x3FAB] =	sst s1  }
0xa: {  	[smem:$0x3FAC] =	sst s2  }
0xb: {  	[smem:$0x3FAD] =	sst s3  }
0xc: {  	[smem:$0x3FAE] =	sst s4  }
0xd: {  	[smem:$0x3FAF] =	sst s5  }
0xe: {  	[smem:$0x3FB0] =	sst s6  }
0xf: {  	[smem:$0x3FB1] =	sst s7  }
0x10: {  	[smem:$0x3FB2] =	sst s8  }
0x11: {  	[smem:$0x3FB3] =	sst s9;
	s0 =	simm.s32 @!p0 $0x0  }
0x12: {  	s1 =	sld [smem:$0x3F99];
	s0 =	simm.s32 @p0 $0x1  }
0x13: {  	[smem:$0x3FB4] =	sst s0;
	s0 =	simm.s32 @!p1 $0x0  }
0x14: {  	s2 =	sld [smem:$0x3F98];
	s0 =	simm.s32 @p1 $0x1  }
0x15: {  	[smem:$0x3FB5] =	sst s0;
	s0 =	simm.s32 @!p2 $0x0  }
0x16: {  	s3 =	sld [smem:$0x3FDB];
	s0 =	simm.s32 @p2 $0x1  }
0x17: {  	s4 =	simm.s32 $0x1BF5;
	[smem:$0x3FB7] =	sst s0  }
0x18: {  	s0 =	sld [smem:$0x3F9A];
	_ =	swait.ge [sflag:s4], $0x0  }
0x19: {  	s7 =	sld [smem:$0x3F9B]  }
0x1a: {  	s8 =	sadd.s32 $0xFFFFE003, lr  }
0x1b: {  	s9 =	sadd.s32 $0xFFFFFEF7, lr;
	s5 =	simm.s32 $0xFFFFFFFF;
	p2 =	slt.u32 s8, $0xFFFFF086  }
0x1c: {  	p1 =	slt.u32 s9, $0xF7A;
	s5 =	simm.s32 @!p2 $0x0  }
0x1d: {  	s5 =	simm.s32 @p1 $0x1;
	p0 =	seq.s32 s7, s2  }
0x1e: {  	s7 =	smul.u32 @!p0 $0xF7A, s2;
	p2 =	seq.s32 @!p0 s5, $0x0  }
0x1f: {  	s9 =	smul.u32 $0xF7A, s1;
	s8 =	simm.s32 @!p0 $0x1BF5;
	p2 =	por !p2, p0  }
0x20: {  	[sflag:s8] =	ssyncset.s32 @!p0 $0xFFFFF086;
	s6 =	sadd.s32 @!p0 s3, s7;
	s7 =	simm.s32 @!p0 $0x108  }
0x21: {  	s3 =	sadd.s32 s3, s9;
	s6 =	sadd.s32 @!p0 $0x88, s6;
	s7 =	simm.s32 @p2 $0x1082  }
0x22: {  	[simem:s7], [sflag:s8] =	dma.local @!p0 [hbm:s6], $0xF7A  }
0x23: {  	s9 =	sor.u32 $0xD0000000, s2;
	s6 =	simm.s32 $0x108;
	_ =	swait.ge @!p0 [sflag:s8], $0x0  }
0x24: {  	s3 =	sadd.s32 $0x88, s3;
	s6 =	simm.s32 @!p1 $0x1082;
	[sflag:s4] =	ssyncset.s32 $0xFFFFF086  }
0x25: {  	[simem:s6], [sflag:s4] =	dma.local [hbm:s3], $0xF7A  }
0x26: {  	[smem:$0x3F9B] =	sst s1;
	(tag) =	ssettag s2;
	_ =	strace s9  }
0x27: {  	s1 =	sld [smem:$0x3FAB]  }
0x28: {  	s2 =	sld [smem:$0x3FAC]  }
0x29: {  	s4 =	sld [smem:$0x3FAE]  }
0x2a: {  	p0 =	seq.s32 s5, $0x0;
	s5 =	sld [smem:$0x3FAF]  }
0x2b: {  	s6 =	sld [smem:$0x3FB0]  }
0x2c: {  	s7 =	sld [smem:$0x3FB1]  }
0x2d: {  	s3 =	simm.s32 $0x108;
	s8 =	sld [smem:$0x3FB2]  }
0x2e: {  	s3 =	simm.s32 @!p0 $0x1082;
	s9 =	sld [smem:$0x3FB3]  }
0x2f: {  	lr =	sadd.s32 s0, s3;
	s0 =	sld [smem:$0x3FAA]  }
0x30: {  	s3 =	sld [smem:$0x3FAD]  }
0x31: {  	[smem:$0x3FB6] =	sst s10  }
0x32: {  	s10 =	sld [smem:$0x3FB4];
	_ =	sdelay $0x3  }
0x33: {  	p0 =	seq.s32 s10, $0x1;
	s10 =	sld [smem:$0x3FB6];
	_ =	sdelay $0x3  }
0x34: {  	[smem:$0x3FB6] =	sst s10  }
0x35: {  	s10 =	sld [smem:$0x3FB5];
	_ =	sdelay $0x3  }
0x36: {  	p1 =	seq.s32 s10, $0x1;
	s10 =	sld [smem:$0x3FB6];
	_ =	sdelay $0x3  }
0x37: {  	[smem:$0x3FB6] =	sst s10  }
0x38: {  	s10 =	sld [smem:$0x3FB7]  }
0x39: {  	_ = 	snop;
	(pc) =	sbr.ind lr, $3  }
0x3a: {  	_ = 	snop  }
0x3b: {  	_ = 	snop  }
0x3c: {  	p2 =	seq.s32 s10, $0x1;
	s10 =	sld [smem:$0x3FB6]  }
0x3d: {  	_ =	shalt  }
0x3e: {  	_ =	shalt  }
0x3f: {  	_ =	shalt  }
0x40: {  	_ =	shalt  }
0x41: {  	_ =	shalt  }
0x42: {  	_ =	shalt  }
0x43: {  	_ =	shalt  }
0x44: {  	_ =	shalt  }
0x45: {  	_ =	shalt  }
0x46: {  	_ =	shalt  }
0x47: {  	_ =	shalt  }
0x48: {  	_ =	shalt  }
0x49: {  	_ =	shalt  }
0x4a: {  	_ =	shalt  }
0x4b: {  	_ =	shalt  }
0x4c: {  	_ =	shalt  }
0x4d: {  	_ =	shalt  }
0x4e: {  	_ =	shalt  }
0x4f: {  	_ =	shalt  }
0x50: {  	_ =	shalt  }
0x51: {  	_ =	shalt  }
0x52: {  	_ =	shalt  }
0x53: {  	_ =	shalt  }
0x54: {  	_ =	shalt  }
0x55: {  	_ =	shalt  }
0x56: {  	_ =	shalt  }
0x57: {  	_ =	shalt  }
0x58: {  	_ =	shalt  }
0x59: {  	_ =	shalt  }
0x5a: {  	_ =	shalt  }
0x5b: {  	_ =	shalt  }
0x5c: {  	_ =	shalt  }
0x5d: {  	_ =	shalt  }
0x5e: {  	_ =	shalt  }
0x5f: {  	_ =	shalt  }
0x60: {  	_ =	shalt  }
0x61: {  	_ =	shalt  }
0x62: {  	_ =	shalt  }
0x63: {  	_ =	shalt  }
0x64: {  	_ =	shalt  }
0x65: {  	_ =	shalt  }
0x66: {  	_ =	shalt  }
0x67: {  	_ =	shalt  }
0x68: {  	_ =	shalt  }
0x69: {  	_ =	shalt  }
0x6a: {  	_ =	shalt  }
0x6b: {  	_ =	shalt  }
0x6c: {  	_ =	shalt  }
0x6d: {  	_ =	shalt  }
0x6e: {  	_ =	shalt  }
0x6f: {  	_ =	shalt  }
0x70: {  	_ =	shalt  }
0x71: {  	_ =	shalt  }
0x72: {  	_ =	shalt  }
0x73: {  	_ =	shalt  }
0x74: {  	_ =	shalt  }
0x75: {  	_ =	shalt  }
0x76: {  	_ =	shalt  }
0x77: {  	_ =	shalt  }
0x78: {  	_ =	shalt  }
0x79: {  	_ =	shalt  }
0x7a: {  	_ =	shalt  }
0x7b: {  	_ =	shalt  }
0x7c: {  	_ =	shalt  }
0x7d: {  	_ =	shalt  }
0x7e: {  	_ =	shalt  }
0x7f: {  	_ =	shalt  }
0x80: {  	_ =	shalt  }
0x81: {  	_ =	shalt  }
0x82: {  	_ =	shalt  }
0x83: {  	_ =	shalt  }
0x84: {  	_ =	shalt  }
0x85: {  	_ =	shalt  }
0x86: {  	_ =	shalt  }
0x87: {  	_ =	shalt  }
.Lfunc_end0:
.L_simem_size_0:
called_computation.1_lowered:
.L_overlay_start_0:
0x88: {  	s2 =	sld [smem:$0x3FD9]  }
0x89: {  	s3 =	sld [smem:$0x3FFE];
	_ =	sdelay $0x1  }
0x8a: {  	s1 =	srdreg.scid  }
0x8b: {  	s0 =	sand.u32 $0x1, s1  }
0x8c: {  	s17 =	sshll.u32 s0, $0xA;
	s2 =	sadd.s32 s3, s2  }
0x8d: {  	s2 =	sadd.s32 s2, s17  }
0x8e: {  	[smem:$0x3FC2] =	sst s2  }
0x8f: {  	_ = 	snop  }
0x90: {  	s2 =	sld [smem:$0x3FD0];
	(tm) =	ssettm $0x1  }
0x91: {  	s18 =	sld [smem:$0x3FFB];
	_ =	sdelay $0x3  }
0x92: {  	_ =	strace s18  }
0x93: {  	s3 =	sld [smem:$0x3FFC];
	_ =	sdelay $0x3  }
0x94: {  	_ =	strace s3  }
0x95: {  	s3 =	sld [smem:$0x3FFD];
	_ =	sdelay $0x3  }
0x96: {  	_ =	strace s3  }
0x97: {  	_ =	strace $0x8FFFFFFF  }
0x98: {  	s19 =	sld [smem:$0x3FDB];
	_ =	sdelay $0x1  }
0x99: {  	s4 =	simm.s32 $_scs_section_size  }
0x9a: {  	s5 =	simm.s32 $_size__tile_overlayer_lowered;
	s6 =	simm.s32 $_tile_overlayer_lowered  }
0x9b: {  	s22 =	simm.s32 $0x1BFF;
	s21 =	sshll.u32 s6, $0x1;
	s3 =	sadd.s32 s4, s19  }
0x9c: {  	s7 =	simm.s32 $0x0;
	s20 =	sshll.u32 s5, $0x1;
	s5 =	sadd.s32 s21, s3  }
0x9d: {  	[timem:s7], [sflag:s22] =	dma.local [hbm:s5], s20  }
0x9e: {  	_ =	swait.ge [sflag:s22], s20  }
0x9f: {  	s4 =	ssub.s32 $0x0, s20;
	[sflag:s22] =	ssyncset.done $0x0  }
0xa0: {  	[sflag:s22] =	ssyncadd.s32 s4;
	_ =	sdelay $0x1  }
0xa1: {  	s23 =	simm.s32 $0x1B8B  }
0xa2: {  	_ =	swait.ge [sflag:s23], $0x1  }
0xa3: {  	[sflag:s23] =	ssyncset.done $0x0  }
0xa4: {  	s25 =	simm.s32 $0x1B8E;
	s24 =	sld [smem:$0x3FFE];
	[sflag:s23] =	ssyncadd.s32 $0xFFFFFFFF  }
0xa5: {  	s26 =	simm.s32 $execute0_lowered;
	[smem:$0x3FD2] =	sst s25  }
0xa6: {  	s5 =	sshll.u32 s26, $0x1;
	_ =	strace $0x80000049;
	[dreg:$0x1] =	wrdreg $0xFFFFFFFF  }
0xa7: {  	s28 =	simm.s32 $_size_execute0_lowered;
	s3 =	sadd.s32 s3, s5;
	[dreg:$0x0] =	wrdreg $0x0  }
0xa8: {  	s5 =	sshll.u32 s28, $0x1;
	[dreg:$0x2] =	wrdreg s3  }
0xa9: {  	[dreg:$0x3] =	wrdreg s5  }
0xaa: {  	[dreg:$0x4] =	wrdreg $0xC0  }
0xab: {  	_ =	task [dreg:s7], $0x5FFFF  }
0xac: {  	[dreg:$0x1] =	wrdreg $0xFFFFFFFF  }
0xad: {  	[dreg:$0x0] =	wrdreg $0x60  }
0xae: {  	[dreg:$0x2] =	wrdreg s24  }
0xaf: {  	[dreg:$0x3] =	wrdreg s2  }
0xb0: {  	[dreg:$0x4] =	wrdreg $0xC3800  }
0xb1: {  	[dreg:$0x5] =	wrdreg $0x9  }
0xb2: {  	_ =	task.clear_ibuf [dreg:s7], $0x6FFFF;
	_ =	strace $0x90000049  }
0xb3: {  	s29 =	simm.s32 $0x9;
	_ =	strace $0x8000004B  }
0xb4: {  	_ =	swait.ge [sflag:s29], $0x1  }
0xb5: {  	[sflag:s29] =	ssyncadd.s32 $0xFFFFFFFF  }
0xb6: {  	_ =	strace $0x9000004B  }
0xb7: {  	_ =	sfence  }
0xb8: {  	s30 =	sld [smem:$0x0];
	_ =	sdelay $0x2  }
0xb9: {  	s31 =	sshll.u32 s1, $0xD;
	s1 =	sshrl.u32 s1, $0x2  }
0xba: {  	s3 =	sand.u32 $0x4000, s31;
	s1 =	sadd.s32 s1, s30  }
0xbb: {  	s0 =	sor.u32 s3, s0;
	s1 =	sshll.u32 s1, $0x11  }
0xbc: {  	s0 =	sor.u32 s1, s0  }
0xbd: {  	s0 =	sadd.s32 $0x8F2B, s0  }
0xbe: {  	[sflag:s0] =	ssyncadd.remote.s32 $0x1  }
0xbf: {  	_ =	sfence.sel $0xFFFF  }
0xc0: {  	[dreg:$0x0] =	wrdreg $0xFFFFFFFF;
	(pc) =	sbr.abs _section_cstart, $3  }
0xc1: {  	[dreg:$0x1] =	wrdreg $0xFFFFFFFF  }
0xc2: {  	_ =	task.clear_ibuf [dreg:s7], $0x2FFFF;
	_ =	strace $0x9FFFFFFF  }
0xc3: {  	(tm) =	ssettm $0x7FFFFFFF  }
tec
execute0_lowered:
.L_overlay_start_1:
0x0: {  	(tag) =	ssettag $0x1  }
0x1: {  	s0 =	rddreg [dreg:$0x0]  }
0x2: {  	s1 =	rddreg [dreg:$0x1];
	s3 =	srdreg.scid  }
0x3: {  	s8 =	stileid.u32;
	s2 =	rddreg [dreg:$0x2]  }
0x4: {  	s15 =	simm.s32 $0x9;
	s20 =	simm.s32 $0x80;
	s21 =	simm.s32 $0x5C00  }
0x5: {  	s22 =	simm.s32 $0x6400;
	s29 =	simm.s32 $0x7C00;
	s31 =	simm.s32 $0x8400  }
0x6: {  	s17 =	simm.s32 $0x9400;
	s18 =	simm.s32 $0x1;
	s19 =	simm.s32 $0x2  }
0x7: {  	s23 =	simm.s32 $0x3;
	s28 =	simm.s32 $0x5;
	s30 =	simm.s32 $0x6  }
0x8: {  	s16 =	simm.s32 $0x8;
	s5 =	sand.u32 $0x1, s3;
	s4 =	sshll.u32 s8, $0x1  }
0x9: {  	s3 =	simm.s32 $0x0;
	s8 =	smul.u32 $0x2780, s8;
	s12 =	sadd.s32 $0x17800, s0  }
0xa: {  	s6 =	sor.u32 s5, s4;
	[smem:$0x7FF] =	sst s3;
	s4 =	sadd.s32 $0x18C00, s0  }
0xb: {  	s9 =	ssub.s32 $0x2, s5;
	s5 =	smul.u32 $0x27800, s5;
	s10 =	smov.u32 s12  }
0xc: {  	s7 =	smul.u32 $0x4E0, s6;
	_ =	strace $0x8000004A;
	s11 =	sshrl.u32 s9, $0x1  }
0xd: {  	s6 =	smul.u32 $0xA0, s6;
	s24 =	sshrl.u32 s8, $0x3;
	s13 =	ssub.s32 s9, s11  }
0xe: {  	s5 =	sadd.s32 s8, s5;
	s14 =	sadd.s32 s7, s0;
	s7 =	sadd.s32 s24, s0  }
0xf: {  	s0 =	sadd.s32 s6, s0;
	s6 =	sadd.s32 s12, s6;
	s5 =	sshrl.u32 s5, $0x3  }
0x10: {  	s13 =	smax.u32 s13, $0x1;
	s24 =	simm.s32 $0x6C00;
	s7 =	sadd.s32 $0x1DC00, s7  }
0x11: {  	s25 =	sadd.s32 $0xC800, s14;
	[dreg:$0x6] =	wrdreg s6;
	s26 =	sadd.s32 $0x2C00, s14  }
0x12: {  	s11 =	sadd.s32 $0x16400, s0;
	s12 =	sadd.s32 s1, s5;
	s14 =	simm.s32 $0x9C00  }
0x13: {  	s0 =	simm.s32 $0x8C00;
	s1 =	simm.s32 $0x7;
	[dreg:$0x4] =	wrdreg s7  }
0x14: {  	s6 =	simm.s32 $0x0;
	s7 =	sadd.s32 s8, s2;
	[dreg:$0x5] =	wrdreg s25  }
0x15: {  	[dreg:$0x7] =	wrdreg s26;
	s26 =	simm.s32 $0x7400;
	s25 =	simm.s32 $0x4  }
.LBB2_1:
0x16: {  	s5 =	rddreg [dreg:$0x4]  }
0x17: {  	[tilespmem:s14], [sflag:$0x9] =	stream.linear.gather [hbm4b:s5+s3], $0x2780, $0x38;
	[tilespmem:$0xEB00] =	vst v63  }
0x18: {  	_ =	swait.ge [sflag:s15], $0x2780  }
0x19: {  	[sflag:s15] =	ssyncset.done $0x0  }
0x1a: {  	[sflag:s15] =	ssyncadd.s32 $0xFFFFD880  }
0x1b: {  	[spmem:s7] =	stream.linear.scatter [tilespmem:s14], [sflag:$0x9], $0x2780, $0x38;
	[tilespmem:$0xEB00] =	vst v63  }
0x1c: {  	_ =	swait.ge [sflag:s15], $0x2780  }
0x1d: {  	[sflag:s15] =	ssyncset.done $0x0  }
0x1e: {  	s8 =	rddreg [dreg:$0x5];
	[sflag:s15] =	ssyncadd.s32 $0xFFFFD880  }
0x1f: {  	[tilespmem:s3], [sflag:$0x9] =	stream.linear.gather [hbm4b:s8+s3], $0x2700, $0x38;
	[tilespmem:$0xEB00] =	vst v63  }
0x20: {  	_ =	swait.ge [sflag:s15], $0x2700  }
0x21: {  	[sflag:s15] =	ssyncset.done $0x0  }
0x22: {  	s8 =	simm.s32 $0x2700;
	s9 =	rddreg [dreg:$0x6];
	[sflag:s15] =	ssyncadd.s32 $0xFFFFD900  }
0x23: {  	[tilespmem:s8], [sflag:$0x9] =	stream.linear.gather [hbm4b:s9+s3], $0x500, $0x38;
	[tilespmem:$0xEB00] =	vst v63  }
0x24: {  	_ =	swait.ge [sflag:s15], $0x500  }
0x25: {  	[sflag:s15] =	ssyncset.done $0x0  }
0x26: {  	s9 =	simm.s32 $0x2C00;
	[sflag:s15] =	ssyncadd.s32 $0xFFFFFB00  }
0x27: {  	[tilespmem:s9], [sflag:$0x9] =	stream.linear.gather [hbm4b:s10+s3], $0x400, $0x38;
	[tilespmem:$0xEB00] =	vst v63  }
0x28: {  	_ =	swait.ge [sflag:s15], $0x400  }
0x29: {  	[sflag:s15] =	ssyncset.done $0x0  }
0x2a: {  	s9 =	simm.s32 $0x3000;
	s8 =	rddreg [dreg:$0x7];
	[sflag:s15] =	ssyncadd.s32 $0xFFFFFC00  }
0x2b: {  	[tilespmem:s9], [sflag:$0x9] =	stream.linear.gather [hbm4b:s8+s3], $0x2700, $0x38;
	[tilespmem:$0xEB00] =	vst v63  }
0x2c: {  	_ =	swait.ge [sflag:s15], $0x2700  }
0x2d: {  	[sflag:s15] =	ssyncset.done $0x0  }
0x2e: {  	s8 =	simm.s32 $0x5700;
	[sflag:s15] =	ssyncadd.s32 $0xFFFFD900  }
0x2f: {  	[tilespmem:s8], [sflag:$0x9] =	stream.linear.gather [hbm4b:s11+s3], $0x500, $0x38;
	[tilespmem:$0xEB00] =	vst v63  }
0x30: {  	_ =	swait.ge [sflag:s15], $0x500  }
0x31: {  	[sflag:s15] =	ssyncset.done $0x0  }
0x32: {  	[sflag:s15] =	ssyncadd.s32 $0xFFFFFB00  }
0x33: {  	[bflag:$0x0] =	sbarrier.arrive $0xFFFF  }
0x34: {  	[tilespmem:s21], [sflag:$0x1] =	stream.indirect.gather [hbm4b:s4+s20], $0x10, s3, s20, $0xb8;
	[tilespmem:$0xEB00] =	vst v63  }
0x35: {  	_ = 	snop  }
0x36: {  	[tilespmem:s22], [sflag:$0x2] =	stream.indirect.gather [hbm4b:s4+s20], $0x10, s20, s20, $0xb8;
	[tilespmem:$0xEB00] =	vst v63  }
0x37: {  	s9 =	simm.s32 $0x100  }
0x38: {  	[tilespmem:s24], [sflag:$0x3] =	stream.indirect.gather [hbm4b:s4+s20], $0x10, s9, s20, $0xb8;
	[tilespmem:$0xEB00] =	vst v63  }
0x39: {  	s8 =	simm.s32 $0x180  }
0x3a: {  	[tilespmem:s26], [sflag:$0x4] =	stream.indirect.gather [hbm4b:s4+s20], $0x10, s8, s20, $0xb8;
	[tilespmem:$0xEB00] =	vst v63  }
0x3b: {  	s9 =	simm.s32 $0x200  }
0x3c: {  	[tilespmem:s29], [sflag:$0x5] =	stream.indirect.gather [hbm4b:s4+s20], $0x10, s9, s20, $0xb8;
	[tilespmem:$0xEB00] =	vst v63  }
0x3d: {  	s8 =	simm.s32 $0x280  }
0x3e: {  	[tilespmem:s31], [sflag:$0x6] =	stream.indirect.gather [hbm4b:s4+s20], $0x10, s8, s20, $0xb8;
	[tilespmem:$0xEB00] =	vst v63  }
0x3f: {  	s9 =	simm.s32 $0x300  }
0x40: {  	[tilespmem:s0], [sflag:$0x7] =	stream.indirect.gather [hbm4b:s4+s20], $0x10, s9, s20, $0xb8;
	[tilespmem:$0xEB00] =	vst v63  }
0x41: {  	s8 =	simm.s32 $0x380  }
0x42: {  	[tilespmem:s17], [sflag:$0x8] =	stream.indirect.gather [hbm4b:s4+s20], $0x10, s8, s20, $0xb8;
	[tilespmem:$0xEB00] =	vst v63  }
0x43: {  	_ =	swait.ge [sflag:s18], $0x800  }
0x44: {  	[sflag:s18] =	ssyncset.done $0x0  }
0x45: {  	s9 =	simm.s32 $0x3000;
	[sflag:s18] =	ssyncadd.s32 $0xFFFFF800  }
0x46: {  	[spmem:s2] =	stream.indirect.scatter.add.f32 [tilespmem:s21], [sflag:$0x9], $0x10, s9, s20, $0xb8;
	[tilespmem:$0xEB00] =	vst v63  }
0x47: {  	_ =	swait.ge [sflag:s15], $0x800  }
0x48: {  	[sflag:s15] =	ssyncset.done $0x0  }
0x49: {  	s8 =	simm.s32 $0x400;
	[sflag:s15] =	ssyncadd.s32 $0xFFFFF800  }
0x4a: {  	[tilespmem:s21], [sflag:$0x1] =	stream.indirect.gather [hbm4b:s4+s20], $0x10, s8, s20, $0xb8;
	[tilespmem:$0xEB00] =	vst v63  }
0x4b: {  	_ =	swait.ge [sflag:s19], $0x800  }
0x4c: {  	[sflag:s19] =	ssyncset.done $0x0  }
0x4d: {  	s9 =	simm.s32 $0x3080;
	[sflag:s19] =	ssyncadd.s32 $0xFFFFF800  }
0x4e: {  	[spmem:s2] =	stream.indirect.scatter.add.f32 [tilespmem:s22], [sflag:$0x9], $0x10, s9, s20, $0xb8;
	[tilespmem:$0xEB00] =	vst v63  }
0x4f: {  	_ =	swait.ge [sflag:s15], $0x800  }
0x50: {  	[sflag:s15] =	ssyncset.done $0x0  }
0x51: {  	s8 =	simm.s32 $0x480;
	[sflag:s15] =	ssyncadd.s32 $0xFFFFF800  }
0x52: {  	[tilespmem:s22], [sflag:$0x2] =	stream.indirect.gather [hbm4b:s4+s20], $0x10, s8, s20, $0xb8;
	[tilespmem:$0xEB00] =	vst v63  }
0x53: {  	_ =	swait.ge [sflag:s23], $0x800  }
0x54: {  	[sflag:s23] =	ssyncset.done $0x0  }
0x55: {  	s9 =	simm.s32 $0x3100;
	[sflag:s23] =	ssyncadd.s32 $0xFFFFF800  }
0x56: {  	[spmem:s2] =	stream.indirect.scatter.add.f32 [tilespmem:s24], [sflag:$0x9], $0x10, s9, s20, $0xb8;
	[tilespmem:$0xEB00] =	vst v63  }
0x57: {  	_ =	swait.ge [sflag:s15], $0x800  }
0x58: {  	[sflag:s15] =	ssyncset.done $0x0  }
0x59: {  	s8 =	simm.s32 $0x500;
	[sflag:s15] =	ssyncadd.s32 $0xFFFFF800  }
0x5a: {  	[tilespmem:s24], [sflag:$0x3] =	stream.indirect.gather [hbm4b:s4+s20], $0x10, s8, s20, $0xb8;
	[tilespmem:$0xEB00] =	vst v63  }
0x5b: {  	_ =	swait.ge [sflag:s25], $0x800  }
0x5c: {  	[sflag:s25] =	ssyncset.done $0x0  }
0x5d: {  	s9 =	simm.s32 $0x3180;
	[sflag:s25] =	ssyncadd.s32 $0xFFFFF800  }
0x5e: {  	[spmem:s2] =	stream.indirect.scatter.add.f32 [tilespmem:s26], [sflag:$0x9], $0x10, s9, s20, $0xb8;
	[tilespmem:$0xEB00] =	vst v63  }
0x5f: {  	_ =	swait.ge [sflag:s15], $0x800  }
0x60: {  	[sflag:s15] =	ssyncset.done $0x0  }
0x61: {  	s8 =	simm.s32 $0x580;
	[sflag:s15] =	ssyncadd.s32 $0xFFFFF800  }
0x62: {  	[tilespmem:s26], [sflag:$0x4] =	stream.indirect.gather [hbm4b:s4+s20], $0x10, s8, s20, $0xb8;
	[tilespmem:$0xEB00] =	vst v63  }
0x63: {  	_ =	swait.ge [sflag:s28], $0x800  }
0x64: {  	[sflag:s28] =	ssyncset.done $0x0  }
0x65: {  	s9 =	simm.s32 $0x3200;
	[sflag:s28] =	ssyncadd.s32 $0xFFFFF800  }
0x66: {  	[spmem:s2] =	stream.indirect.scatter.add.f32 [tilespmem:s29], [sflag:$0x9], $0x10, s9, s20, $0xb8;
	[tilespmem:$0xEB00] =	vst v63  }
0x67: {  	_ =	swait.ge [sflag:s15], $0x800  }
0x68: {  	[sflag:s15] =	ssyncset.done $0x0  }
0x69: {  	s8 =	simm.s32 $0x600;
	[sflag:s15] =	ssyncadd.s32 $0xFFFFF800  }
0x6a: {  	[tilespmem:s29], [sflag:$0x5] =	stream.indirect.gather [hbm4b:s4+s20], $0x10, s8, s20, $0xb8;
	[tilespmem:$0xEB00] =	vst v63  }
0x6b: {  	_ =	swait.ge [sflag:s30], $0x800  }
0x6c: {  	[sflag:s30] =	ssyncset.done $0x0  }
0x6d: {  	s9 =	simm.s32 $0x3280;
	[sflag:s30] =	ssyncadd.s32 $0xFFFFF800  }
0x6e: {  	[spmem:s2] =	stream.indirect.scatter.add.f32 [tilespmem:s31], [sflag:$0x9], $0x10, s9, s20, $0xb8;
	[tilespmem:$0xEB00] =	vst v63  }
0x6f: {  	_ =	swait.ge [sflag:s15], $0x800  }
0x70: {  	[sflag:s15] =	ssyncset.done $0x0  }
0x71: {  	s8 =	simm.s32 $0x680;
	[sflag:s15] =	ssyncadd.s32 $0xFFFFF800  }
0x72: {  	[tilespmem:s31], [sflag:$0x6] =	stream.indirect.gather [hbm4b:s4+s20], $0x10, s8, s20, $0xb8;
	[tilespmem:$0xEB00] =	vst v63  }
0x73: {  	_ =	swait.ge [sflag:s1], $0x800  }
0x74: {  	[sflag:s1] =	ssyncset.done $0x0  }
0x75: {  	s9 =	simm.s32 $0x3300;
	[sflag:s1] =	ssyncadd.s32 $0xFFFFF800  }
0x76: {  	[spmem:s2] =	stream.indirect.scatter.add.f32 [tilespmem:s0], [sflag:$0x9], $0x10, s9, s20, $0xb8;
	[tilespmem:$0xEB00] =	vst v63  }
0x77: {  	_ =	swait.ge [sflag:s15], $0x800  }
0x78: {  	[sflag:s15] =	ssyncset.done $0x0  }
0x79: {  	s8 =	simm.s32 $0x700;
	[sflag:s15] =	ssyncadd.s32 $0xFFFFF800  }
0x7a: {  	[tilespmem:s0], [sflag:$0x7] =	stream.indirect.gather [hbm4b:s4+s20], $0x10, s8, s20, $0xb8;
	[tilespmem:$0xEB00] =	vst v63  }
0x7b: {  	_ =	swait.ge [sflag:s16], $0x800  }
0x7c: {  	[sflag:s16] =	ssyncset.done $0x0  }
0x7d: {  	s9 =	simm.s32 $0x3380;
	[sflag:s16] =	ssyncadd.s32 $0xFFFFF800  }
0x7e: {  	[spmem:s2] =	stream.indirect.scatter.add.f32 [tilespmem:s17], [sflag:$0x9], $0x10, s9, s20, $0xb8;
	[tilespmem:$0xEB00] =	vst v63  }
0x7f: {  	_ =	swait.ge [sflag:s15], $0x800  }
0x80: {  	[sflag:s15] =	ssyncset.done $0x0  }
0x81: {  	s5 =	simm.s32 $0x1000;
	s8 =	simm.s32 $0x780;
	[sflag:s15] =	ssyncadd.s32 $0xFFFFF800  }
.LBB2_2:
0x82: {  	[tilespmem:s17], [sflag:$0x8] =	stream.indirect.gather [hbm4b:s4+s20], $0x10, s8, s20, $0xb8;
	[tilespmem:$0xEB00] =	vst v63  }
0x83: {  	s8 =	smov.u32 s5  }
0x84: {  	p0 =	sne.s32 s5, $0xA000;
	s5 =	sadd.s32 $0x1000, s5;
	_ =	swait.ge [sflag:s18], $0x800  }
0x85: {  	s8 =	sshra.s32 s8, $0x2;
	[sflag:s18] =	ssyncset.done $0x0  }
0x86: {  	s9 =	sadd.s32 $0x3000, s8;
	[sflag:s18] =	ssyncadd.s32 $0xFFFFF800  }
0x87: {  	[spmem:s2] =	stream.indirect.scatter.add.f32 [tilespmem:s21], [sflag:$0x9], $0x10, s9, s20, $0xb8;
	[tilespmem:$0xEB00] =	vst v63  }
0x88: {  	_ =	swait.ge [sflag:s15], $0x800  }
0x89: {  	[sflag:s15] =	ssyncset.done $0x0  }
0x8a: {  	s9 =	sadd.s32 $0x400, s8;
	[sflag:s15] =	ssyncadd.s32 $0xFFFFF800  }
0x8b: {  	[tilespmem:s21], [sflag:$0x1] =	stream.indirect.gather [hbm4b:s4+s20], $0x10, s9, s20, $0xb8;
	[tilespmem:$0xEB00] =	vst v63  }
0x8c: {  	_ =	swait.ge [sflag:s19], $0x800  }
0x8d: {  	[sflag:s19] =	ssyncset.done $0x0  }
0x8e: {  	s9 =	sadd.s32 $0x3080, s8;
	[sflag:s19] =	ssyncadd.s32 $0xFFFFF800  }
0x8f: {  	[spmem:s2] =	stream.indirect.scatter.add.f32 [tilespmem:s22], [sflag:$0x9], $0x10, s9, s20, $0xb8;
	[tilespmem:$0xEB00] =	vst v63  }
0x90: {  	_ =	swait.ge [sflag:s15], $0x800  }
0x91: {  	[sflag:s15] =	ssyncset.done $0x0  }
0x92: {  	s9 =	sadd.s32 $0x480, s8;
	[sflag:s15] =	ssyncadd.s32 $0xFFFFF800  }
0x93: {  	[tilespmem:s22], [sflag:$0x2] =	stream.indirect.gather [hbm4b:s4+s20], $0x10, s9, s20, $0xb8;
	[tilespmem:$0xEB00] =	vst v63  }
0x94: {  	_ =	swait.ge [sflag:s23], $0x800  }
0x95: {  	[sflag:s23] =	ssyncset.done $0x0  }
0x96: {  	s9 =	sadd.s32 $0x3100, s8;
	[sflag:s23] =	ssyncadd.s32 $0xFFFFF800  }
0x97: {  	[spmem:s2] =	stream.indirect.scatter.add.f32 [tilespmem:s24], [sflag:$0x9], $0x10, s9, s20, $0xb8;
	[tilespmem:$0xEB00] =	vst v63  }
0x98: {  	_ =	swait.ge [sflag:s15], $0x800  }
0x99: {  	[sflag:s15] =	ssyncset.done $0x0  }
0x9a: {  	s9 =	sadd.s32 $0x500, s8;
	[sflag:s15] =	ssyncadd.s32 $0xFFFFF800  }
0x9b: {  	[tilespmem:s24], [sflag:$0x3] =	stream.indirect.gather [hbm4b:s4+s20], $0x10, s9, s20, $0xb8;
	[tilespmem:$0xEB00] =	vst v63  }
0x9c: {  	_ =	swait.ge [sflag:s25], $0x800  }
0x9d: {  	[sflag:s25] =	ssyncset.done $0x0  }
0x9e: {  	s9 =	sadd.s32 $0x3180, s8;
	[sflag:s25] =	ssyncadd.s32 $0xFFFFF800  }
0x9f: {  	[spmem:s2] =	stream.indirect.scatter.add.f32 [tilespmem:s26], [sflag:$0x9], $0x10, s9, s20, $0xb8;
	[tilespmem:$0xEB00] =	vst v63  }
0xa0: {  	_ =	swait.ge [sflag:s15], $0x800  }
0xa1: {  	[sflag:s15] =	ssyncset.done $0x0  }
0xa2: {  	s9 =	sadd.s32 $0x580, s8;
	[sflag:s15] =	ssyncadd.s32 $0xFFFFF800  }
0xa3: {  	[tilespmem:s26], [sflag:$0x4] =	stream.indirect.gather [hbm4b:s4+s20], $0x10, s9, s20, $0xb8;
	[tilespmem:$0xEB00] =	vst v63  }
0xa4: {  	_ =	swait.ge [sflag:s28], $0x800  }
0xa5: {  	[sflag:s28] =	ssyncset.done $0x0  }
0xa6: {  	s9 =	sadd.s32 $0x3200, s8;
	[sflag:s28] =	ssyncadd.s32 $0xFFFFF800  }
0xa7: {  	[spmem:s2] =	stream.indirect.scatter.add.f32 [tilespmem:s29], [sflag:$0x9], $0x10, s9, s20, $0xb8;
	[tilespmem:$0xEB00] =	vst v63  }
0xa8: {  	_ =	swait.ge [sflag:s15], $0x800  }
0xa9: {  	[sflag:s15] =	ssyncset.done $0x0  }
0xaa: {  	s9 =	sadd.s32 $0x600, s8;
	[sflag:s15] =	ssyncadd.s32 $0xFFFFF800  }
0xab: {  	[tilespmem:s29], [sflag:$0x5] =	stream.indirect.gather [hbm4b:s4+s20], $0x10, s9, s20, $0xb8;
	[tilespmem:$0xEB00] =	vst v63  }
0xac: {  	_ =	swait.ge [sflag:s30], $0x800  }
0xad: {  	[sflag:s30] =	ssyncset.done $0x0  }
0xae: {  	s9 =	sadd.s32 $0x3280, s8;
	[sflag:s30] =	ssyncadd.s32 $0xFFFFF800  }
0xaf: {  	[spmem:s2] =	stream.indirect.scatter.add.f32 [tilespmem:s31], [sflag:$0x9], $0x10, s9, s20, $0xb8;
	[tilespmem:$0xEB00] =	vst v63  }
0xb0: {  	_ =	swait.ge [sflag:s15], $0x800  }
0xb1: {  	[sflag:s15] =	ssyncset.done $0x0  }
0xb2: {  	s9 =	sadd.s32 $0x680, s8;
	[sflag:s15] =	ssyncadd.s32 $0xFFFFF800  }
0xb3: {  	[tilespmem:s31], [sflag:$0x6] =	stream.indirect.gather [hbm4b:s4+s20], $0x10, s9, s20, $0xb8;
	[tilespmem:$0xEB00] =	vst v63  }
0xb4: {  	_ =	swait.ge [sflag:s1], $0x800  }
0xb5: {  	[sflag:s1] =	ssyncset.done $0x0  }
0xb6: {  	s9 =	sadd.s32 $0x3300, s8;
	[sflag:s1] =	ssyncadd.s32 $0xFFFFF800  }
0xb7: {  	[spmem:s2] =	stream.indirect.scatter.add.f32 [tilespmem:s0], [sflag:$0x9], $0x10, s9, s20, $0xb8;
	[tilespmem:$0xEB00] =	vst v63  }
0xb8: {  	_ =	swait.ge [sflag:s15], $0x800  }
0xb9: {  	[sflag:s15] =	ssyncset.done $0x0  }
0xba: {  	s9 =	sadd.s32 $0x700, s8;
	[sflag:s15] =	ssyncadd.s32 $0xFFFFF800  }
0xbb: {  	[tilespmem:s0], [sflag:$0x7] =	stream.indirect.gather [hbm4b:s4+s20], $0x10, s9, s20, $0xb8;
	[tilespmem:$0xEB00] =	vst v63  }
0xbc: {  	_ =	swait.ge [sflag:s16], $0x800  }
0xbd: {  	[sflag:s16] =	ssyncset.done $0x0  }
.Ltmp0:
0xbe: {  	s9 =	sadd.s32 $0x3380, s8;
	[sflag:s16] =	ssyncadd.s32 $0xFFFFF800;
	(pc) =	sbr.rel @p0 .LBB2_2-.Ltmp0, $4  }
0xbf: {  	[spmem:s2] =	stream.indirect.scatter.add.f32 [tilespmem:s17], [sflag:$0x9], $0x10, s9, s20, $0xb8;
	[tilespmem:$0xEB00] =	vst v63  }
0xc0: {  	_ =	swait.ge [sflag:s15], $0x800  }
0xc1: {  	[sflag:s15] =	ssyncset.done $0x0  }
0xc2: {  	s8 =	sadd.s32 $0x780, s8;
	[sflag:s15] =	ssyncadd.s32 $0xFFFFF800  }
0xc3: {  	[tilespmem:s17], [sflag:$0x8] =	stream.indirect.gather [hbm4b:s4+s20], $0x10, s8, s20, $0xb8;
	[tilespmem:$0xEB00] =	vst v63  }
0xc4: {  	_ =	swait.ge [sflag:s18], $0x800  }
0xc5: {  	[sflag:s18] =	ssyncset.done $0x0  }
0xc6: {  	[sflag:s18] =	ssyncadd.s32 $0xFFFFF800  }
0xc7: {  	_ =	swait.ge [sflag:s19], $0x800  }
0xc8: {  	[sflag:s19] =	ssyncset.done $0x0  }
0xc9: {  	[sflag:s19] =	ssyncadd.s32 $0xFFFFF800  }
0xca: {  	_ =	swait.ge [sflag:s23], $0x800  }
0xcb: {  	[sflag:s23] =	ssyncset.done $0x0  }
0xcc: {  	[sflag:s23] =	ssyncadd.s32 $0xFFFFF800  }
0xcd: {  	_ =	swait.ge [sflag:s25], $0x800  }
0xce: {  	[sflag:s25] =	ssyncset.done $0x0  }
0xcf: {  	[sflag:s25] =	ssyncadd.s32 $0xFFFFF800  }
0xd0: {  	_ =	swait.ge [sflag:s28], $0x800  }
0xd1: {  	[sflag:s28] =	ssyncset.done $0x0  }
0xd2: {  	[sflag:s28] =	ssyncadd.s32 $0xFFFFF800  }
0xd3: {  	_ =	swait.ge [sflag:s30], $0x800  }
0xd4: {  	[sflag:s30] =	ssyncset.done $0x0  }
0xd5: {  	[sflag:s30] =	ssyncadd.s32 $0xFFFFF800  }
0xd6: {  	_ =	swait.ge [sflag:s1], $0x800  }
0xd7: {  	[sflag:s1] =	ssyncset.done $0x0  }
0xd8: {  	[sflag:s1] =	ssyncadd.s32 $0xFFFFF800  }
0xd9: {  	_ =	swait.ge [sflag:s16], $0x800  }
0xda: {  	[sflag:s16] =	ssyncset.done $0x0  }
0xdb: {  	[sflag:s16] =	ssyncadd.s32 $0xFFFFF800  }
0xdc: {  	[bflag:$0x0] =	sbarrier.arrive $0xFFFF  }
0xdd: {  	[tilespmem:s14], [sflag:$0x9] =	stream.linear.gather [spmem:s7], $0x2780, $0x38;
	[tilespmem:$0xEB00] =	vst v63  }
0xde: {  	s6 =	sadd.s32 $0x1, s6;
	_ =	swait.ge [sflag:s15], $0x2780  }
0xdf: {  	p0 =	sne.s32 s6, s13;
	[sflag:s15] =	ssyncset.done $0x0  }
.Ltmp1:
0xe0: {  	[sflag:s15] =	ssyncadd.s32 $0xFFFFD880;
	(pc) =	sbr.rel @p0 .LBB2_1-.Ltmp1, $4  }
0xe1: {  	[hbm4b:s12+s3] =	stream.linear.scatter [tilespmem:s14], [sflag:$0x9], $0x2780, $0x38;
	[tilespmem:$0xEB00] =	vst v63  }
0xe2: {  	_ =	swait.ge [sflag:s15], $0x2780  }
0xe3: {  	[sflag:s15] =	ssyncset.done $0x0  }
0xe4: {  	[sflag:s15] =	ssyncadd.s32 $0xFFFFD880  }
0xe5: {  	_ =	sfence.sel $0x180000  }
0xe6: {  	[bflag:$0x0] =	sbarrier.arrive $0xFFFF  }
0xe7: {  	_ =	strace $0x9000004A  }
0xe8: {  	s0 =	stileid.u32;
	[bflag:$0x2] =	sbarrier.arrive $0xFFFF  }
0xe9: {  	p0 =	sne.s32 s0, $0x0;
	s0 =	rddreg [dreg:$0x3]  }
0xea: {  	s0 =	sadd.s32 @!p0 $0x100000, s0  }
0xeb: {  	[sflag:s0] =	ssyncadd.tile.s32 @!p0 $0x1;
	_ =	shalt  }
.Lfunc_end2:
_tile_overlayer_lowered:
.L_overlay_start_2:
0xec: {  	(tag) =	ssettag $0x2  }
0xed: {  	s0 =	rddreg [dreg:$0x0];
	s2 =	stileid.u32  }
0xee: {  	s1 =	rddreg [dreg:$0x1];
	p0 =	sne.s32 s2, $0x0  }
0xef: {  	s3 =	rddreg [dreg:$0x2];
	[bflag:$0x3] =	sbarrier.arrive $0xFFFF;
	s2 =	simm.s32 @!p0 $0x1C09  }
0xf0: {  	[timem:s3], [sflag:s2] =	dma.local @!p0 [hbm:s0], s1  }
0xf1: {  	s0 =	simm.s32 @!p0 $0x9  }
0xf2: {  	_ =	swait.ge @!p0 [sflag:s0], s1  }
0xf3: {  	s1 =	ssub.s32 @!p0 $0x0, s1;
	[sflag:s0] =	ssyncset.done @!p0 $0x0  }
0xf4: {  	[sflag:s0] =	ssyncadd.s32 @!p0 s1  }
0xf5: {  	[bflag:$0x3] =	sbarrier.arrive $0xFFFF  }
0xf6: {  	_ =	shalt  }

// kernel: kernel.14.cloned.1.call-start
scs
__scs_entry_jumppad:
0x0: {  	(pc) =	sbr.rel $0x88, $3  }
0x1: {  	(tag) =	ssettag $0x0;
	lr =	simm.s32 $0x1  }
0x2: {  	[smem:$0x3F9B] =	sst lr;
	_ =	strace $0xD0000000  }
0x3: {  	_ = 	snop  }
0x4: {  	_ = 	snop  }
0x5: {  	_ = 	snop  }
0x6: {  	_ = 	snop  }
0x7: {  	_ = 	snop  }
__scs_overlays_trampoline_lowered:
0x8: {  	[smem:$0x3FAA] =	sst s0  }
0x9: {  	[smem:$0x3FAB] =	sst s1  }
0xa: {  	[smem:$0x3FAC] =	sst s2  }
0xb: {  	[smem:$0x3FAD] =	sst s3  }
0xc: {  	[smem:$0x3FAE] =	sst s4  }
0xd: {  	[smem:$0x3FAF] =	sst s5  }
0xe: {  	[smem:$0x3FB0] =	sst s6  }
0xf: {  	[smem:$0x3FB1] =	sst s7  }
0x10: {  	[smem:$0x3FB2] =	sst s8  }
0x11: {  	[smem:$0x3FB3] =	sst s9;
	s0 =	simm.s32 @!p0 $0x0  }
0x12: {  	s1 =	sld [smem:$0x3F99];
	s0 =	simm.s32 @p0 $0x1  }
0x13: {  	[smem:$0x3FB4] =	sst s0;
	s0 =	simm.s32 @!p1 $0x0  }
0x14: {  	s2 =	sld [smem:$0x3F98];
	s0 =	simm.s32 @p1 $0x1  }
0x15: {  	[smem:$0x3FB5] =	sst s0;
	s0 =	simm.s32 @!p2 $0x0  }
0x16: {  	s3 =	sld [smem:$0x3FDB];
	s0 =	simm.s32 @p2 $0x1  }
0x17: {  	s4 =	simm.s32 $0x1BF5;
	[smem:$0x3FB7] =	sst s0  }
0x18: {  	s0 =	sld [smem:$0x3F9A];
	_ =	swait.ge [sflag:s4], $0x0  }
0x19: {  	s7 =	sld [smem:$0x3F9B]  }
0x1a: {  	s8 =	sadd.s32 $0xFFFFE003, lr  }
0x1b: {  	s9 =	sadd.s32 $0xFFFFFEF7, lr;
	s5 =	simm.s32 $0xFFFFFFFF;
	p2 =	slt.u32 s8, $0xFFFFF086  }
0x1c: {  	p1 =	slt.u32 s9, $0xF7A;
	s5 =	simm.s32 @!p2 $0x0  }
0x1d: {  	s5 =	simm.s32 @p1 $0x1;
	p0 =	seq.s32 s7, s2  }
0x1e: {  	s7 =	smul.u32 @!p0 $0xF7A, s2;
	p2 =	seq.s32 @!p0 s5, $0x0  }
0x1f: {  	s9 =	smul.u32 $0xF7A, s1;
	s8 =	simm.s32 @!p0 $0x1BF5;
	p2 =	por !p2, p0  }
0x20: {  	[sflag:s8] =	ssyncset.s32 @!p0 $0xFFFFF086;
	s6 =	sadd.s32 @!p0 s3, s7;
	s7 =	simm.s32 @!p0 $0x108  }
0x21: {  	s3 =	sadd.s32 s3, s9;
	s6 =	sadd.s32 @!p0 $0x88, s6;
	s7 =	simm.s32 @p2 $0x1082  }
0x22: {  	[simem:s7], [sflag:s8] =	dma.local @!p0 [hbm:s6], $0xF7A  }
0x23: {  	s9 =	sor.u32 $0xD0000000, s2;
	s6 =	simm.s32 $0x108;
	_ =	swait.ge @!p0 [sflag:s8], $0x0  }
0x24: {  	s3 =	sadd.s32 $0x88, s3;
	s6 =	simm.s32 @!p1 $0x1082;
	[sflag:s4] =	ssyncset.s32 $0xFFFFF086  }
0x25: {  	[simem:s6], [sflag:s4] =	dma.local [hbm:s3], $0xF7A  }
0x26: {  	[smem:$0x3F9B] =	sst s1;
	(tag) =	ssettag s2;
	_ =	strace s9  }
0x27: {  	s1 =	sld [smem:$0x3FAB]  }
0x28: {  	s2 =	sld [smem:$0x3FAC]  }
0x29: {  	s4 =	sld [smem:$0x3FAE]  }
0x2a: {  	p0 =	seq.s32 s5, $0x0;
	s5 =	sld [smem:$0x3FAF]  }
0x2b: {  	s6 =	sld [smem:$0x3FB0]  }
0x2c: {  	s7 =	sld [smem:$0x3FB1]  }
0x2d: {  	s3 =	simm.s32 $0x108;
	s8 =	sld [smem:$0x3FB2]  }
0x2e: {  	s3 =	simm.s32 @!p0 $0x1082;
	s9 =	sld [smem:$0x3FB3]  }
0x2f: {  	lr =	sadd.s32 s0, s3;
	s0 =	sld [smem:$0x3FAA]  }
0x30: {  	s3 =	sld [smem:$0x3FAD]  }
0x31: {  	[smem:$0x3FB6] =	sst s10  }
0x32: {  	s10 =	sld [smem:$0x3FB4];
	_ =	sdelay $0x3  }
0x33: {  	p0 =	seq.s32 s10, $0x1;
	s10 =	sld [smem:$0x3FB6];
	_ =	sdelay $0x3  }
0x34: {  	[smem:$0x3FB6] =	sst s10  }
0x35: {  	s10 =	sld [smem:$0x3FB5];
	_ =	sdelay $0x3  }
0x36: {  	p1 =	seq.s32 s10, $0x1;
	s10 =	sld [smem:$0x3FB6];
	_ =	sdelay $0x3  }
0x37: {  	[smem:$0x3FB6] =	sst s10  }
0x38: {  	s10 =	sld [smem:$0x3FB7]  }
0x39: {  	_ = 	snop;
	(pc) =	sbr.ind lr, $3  }
0x3a: {  	_ = 	snop  }
0x3b: {  	_ = 	snop  }
0x3c: {  	p2 =	seq.s32 s10, $0x1;
	s10 =	sld [smem:$0x3FB6]  }
0x3d: {  	_ =	shalt  }
0x3e: {  	_ =	shalt  }
0x3f: {  	_ =	shalt  }
0x40: {  	_ =	shalt  }
0x41: {  	_ =	shalt  }
0x42: {  	_ =	shalt  }
0x43: {  	_ =	shalt  }
0x44: {  	_ =	shalt  }
0x45: {  	_ =	shalt  }
0x46: {  	_ =	shalt  }
0x47: {  	_ =	shalt  }
0x48: {  	_ =	shalt  }
0x49: {  	_ =	shalt  }
0x4a: {  	_ =	shalt  }
0x4b: {  	_ =	shalt  }
0x4c: {  	_ =	shalt  }
0x4d: {  	_ =	shalt  }
0x4e: {  	_ =	shalt  }
0x4f: {  	_ =	shalt  }
0x50: {  	_ =	shalt  }
0x51: {  	_ =	shalt  }
0x52: {  	_ =	shalt  }
0x53: {  	_ =	shalt  }
0x54: {  	_ =	shalt  }
0x55: {  	_ =	shalt  }
0x56: {  	_ =	shalt  }
0x57: {  	_ =	shalt  }
0x58: {  	_ =	shalt  }
0x59: {  	_ =	shalt  }
0x5a: {  	_ =	shalt  }
0x5b: {  	_ =	shalt  }
0x5c: {  	_ =	shalt  }
0x5d: {  	_ =	shalt  }
0x5e: {  	_ =	shalt  }
0x5f: {  	_ =	shalt  }
0x60: {  	_ =	shalt  }
0x61: {  	_ =	shalt  }
0x62: {  	_ =	shalt  }
0x63: {  	_ =	shalt  }
0x64: {  	_ =	shalt  }
0x65: {  	_ =	shalt  }
0x66: {  	_ =	shalt  }
0x67: {  	_ =	shalt  }
0x68: {  	_ =	shalt  }
0x69: {  	_ =	shalt  }
0x6a: {  	_ =	shalt  }
0x6b: {  	_ =	shalt  }
0x6c: {  	_ =	shalt  }
0x6d: {  	_ =	shalt  }
0x6e: {  	_ =	shalt  }
0x6f: {  	_ =	shalt  }
0x70: {  	_ =	shalt  }
0x71: {  	_ =	shalt  }
0x72: {  	_ =	shalt  }
0x73: {  	_ =	shalt  }
0x74: {  	_ =	shalt  }
0x75: {  	_ =	shalt  }
0x76: {  	_ =	shalt  }
0x77: {  	_ =	shalt  }
0x78: {  	_ =	shalt  }
0x79: {  	_ =	shalt  }
0x7a: {  	_ =	shalt  }
0x7b: {  	_ =	shalt  }
0x7c: {  	_ =	shalt  }
0x7d: {  	_ =	shalt  }
0x7e: {  	_ =	shalt  }
0x7f: {  	_ =	shalt  }
0x80: {  	_ =	shalt  }
0x81: {  	_ =	shalt  }
0x82: {  	_ =	shalt  }
0x83: {  	_ =	shalt  }
0x84: {  	_ =	shalt  }
0x85: {  	_ =	shalt  }
0x86: {  	_ =	shalt  }
0x87: {  	_ =	shalt  }
.Lfunc_end0:
.L_simem_size_0:
called_computation.2_lowered:
.L_overlay_start_0:
0x88: {  	s2 =	sld [smem:$0x3FD9]  }
0x89: {  	s3 =	sld [smem:$0x3FFE];
	_ =	sdelay $0x1  }
0x8a: {  	s1 =	srdreg.scid  }
0x8b: {  	s0 =	sand.u32 $0x1, s1  }
0x8c: {  	s17 =	sshll.u32 s0, $0xA;
	s2 =	sadd.s32 s3, s2  }
0x8d: {  	s2 =	sadd.s32 s2, s17  }
0x8e: {  	[smem:$0x3FC2] =	sst s2  }
0x8f: {  	_ = 	snop  }
0x90: {  	s2 =	sld [smem:$0x3FD0];
	(tm) =	ssettm $0x1  }
0x91: {  	s18 =	sld [smem:$0x3FFB];
	_ =	sdelay $0x3  }
0x92: {  	_ =	strace s18  }
0x93: {  	s3 =	sld [smem:$0x3FFC];
	_ =	sdelay $0x3  }
0x94: {  	_ =	strace s3  }
0x95: {  	s3 =	sld [smem:$0x3FFD];
	_ =	sdelay $0x3  }
0x96: {  	_ =	strace s3  }
0x97: {  	_ =	strace $0x8FFFFFFF  }
0x98: {  	s19 =	sld [smem:$0x3FDB];
	_ =	sdelay $0x1  }
0x99: {  	s4 =	simm.s32 $_scs_section_size  }
0x9a: {  	s5 =	simm.s32 $_size__tile_overlayer_lowered;
	s6 =	simm.s32 $_tile_overlayer_lowered  }
0x9b: {  	s22 =	simm.s32 $0x1BFF;
	s21 =	sshll.u32 s6, $0x1;
	s3 =	sadd.s32 s4, s19  }
0x9c: {  	s7 =	simm.s32 $0x0;
	s20 =	sshll.u32 s5, $0x1;
	s5 =	sadd.s32 s21, s3  }
0x9d: {  	[timem:s7], [sflag:s22] =	dma.local [hbm:s5], s20  }
0x9e: {  	_ =	swait.ge [sflag:s22], s20  }
0x9f: {  	s4 =	ssub.s32 $0x0, s20;
	[sflag:s22] =	ssyncset.done $0x0  }
0xa0: {  	[sflag:s22] =	ssyncadd.s32 s4;
	_ =	sdelay $0x1  }
0xa1: {  	s23 =	simm.s32 $0x1B8B  }
0xa2: {  	_ =	swait.ge [sflag:s23], $0x1  }
0xa3: {  	[sflag:s23] =	ssyncset.done $0x0  }
0xa4: {  	s25 =	simm.s32 $0x1B8E;
	s24 =	sld [smem:$0x3FFE];
	[sflag:s23] =	ssyncadd.s32 $0xFFFFFFFF  }
0xa5: {  	s26 =	simm.s32 $execute0_lowered;
	[smem:$0x3FD2] =	sst s25  }
0xa6: {  	s5 =	sshll.u32 s26, $0x1;
	_ =	strace $0x8000004C;
	[dreg:$0x1] =	wrdreg $0xFFFFFFFF  }
0xa7: {  	s28 =	simm.s32 $_size_execute0_lowered;
	s3 =	sadd.s32 s3, s5;
	[dreg:$0x0] =	wrdreg $0x0  }
0xa8: {  	s5 =	sshll.u32 s28, $0x1;
	[dreg:$0x2] =	wrdreg s3  }
0xa9: {  	[dreg:$0x3] =	wrdreg s5  }
0xaa: {  	[dreg:$0x4] =	wrdreg $0xC0  }
0xab: {  	_ =	task [dreg:s7], $0x5FFFF  }
0xac: {  	[dreg:$0x1] =	wrdreg $0xFFFFFFFF  }
0xad: {  	[dreg:$0x0] =	wrdreg $0x60  }
0xae: {  	[dreg:$0x2] =	wrdreg s2  }
0xaf: {  	[dreg:$0x3] =	wrdreg s24  }
0xb0: {  	[dreg:$0x4] =	wrdreg $0x15EC00  }
0xb1: {  	[dreg:$0x5] =	wrdreg $0x9  }
0xb2: {  	_ =	task.clear_ibuf [dreg:s7], $0x6FFFF;
	_ =	strace $0x9000004C  }
0xb3: {  	s29 =	simm.s32 $0x9;
	_ =	strace $0x8000004E  }
0xb4: {  	_ =	swait.ge [sflag:s29], $0x1  }
0xb5: {  	[sflag:s29] =	ssyncadd.s32 $0xFFFFFFFF  }
0xb6: {  	_ =	strace $0x9000004E  }
0xb7: {  	_ =	sfence  }
0xb8: {  	s30 =	sld [smem:$0x0];
	_ =	sdelay $0x2  }
0xb9: {  	s31 =	sshll.u32 s1, $0xD;
	s1 =	sshrl.u32 s1, $0x2  }
0xba: {  	s3 =	sand.u32 $0x4000, s31;
	s1 =	sadd.s32 s1, s30  }
0xbb: {  	s0 =	sor.u32 s3, s0;
	s1 =	sshll.u32 s1, $0x11  }
0xbc: {  	s0 =	sor.u32 s1, s0  }
0xbd: {  	s0 =	sadd.s32 $0x8F2B, s0  }
0xbe: {  	[sflag:s0] =	ssyncadd.remote.s32 $0x1  }
0xbf: {  	_ =	sfence.sel $0xFFFF  }
0xc0: {  	[dreg:$0x0] =	wrdreg $0xFFFFFFFF;
	(pc) =	sbr.abs _section_cstart, $3  }
0xc1: {  	[dreg:$0x1] =	wrdreg $0xFFFFFFFF  }
0xc2: {  	_ =	task.clear_ibuf [dreg:s7], $0x2FFFF;
	_ =	strace $0x9FFFFFFF  }
0xc3: {  	(tm) =	ssettm $0x7FFFFFFF  }
tec
execute0_lowered:
.L_overlay_start_1:
0x0: {  	(tag) =	ssettag $0x1  }
0x1: {  	s2 =	rddreg [dreg:$0x0]  }
0x2: {  	s0 =	srdreg.scid;
	s5 =	rddreg [dreg:$0x1]  }
0x3: {  	s7 =	stileid.u32;
	s3 =	rddreg [dreg:$0x2]  }
0x4: {  	s4 =	simm.s32 $0x0;
	s14 =	simm.s32 $0xFC00;
	s15 =	simm.s32 $0x9  }
0x5: {  	s20 =	simm.s32 $0x80;
	s21 =	simm.s32 $0x5C00;
	s22 =	simm.s32 $0x7000  }
0x6: {  	s29 =	simm.s32 $0xAC00;
	s31 =	simm.s32 $0xC000;
	s17 =	simm.s32 $0xE800  }
0x7: {  	s18 =	simm.s32 $0x1;
	s19 =	simm.s32 $0x2;
	s28 =	simm.s32 $0x5  }
0x8: {  	s30 =	simm.s32 $0x6;
	s16 =	simm.s32 $0x8;
	s0 =	sand.u32 $0x1, s0  }
0x9: {  	s1 =	sshll.u32 s7, $0x1;
	s7 =	smul.u32 $0x62C0, s7;
	[smem:$0x7FF] =	sst s4  }
0xa: {  	s12 =	sadd.s32 $0x17800, s5;
	s1 =	sor.u32 s0, s1;
	s8 =	smul.u32 $0x62C00, s0  }
0xb: {  	_ =	strace $0x8000004D;
	s0 =	ssub.s32 $0x2, s0;
	s6 =	smul.u32 $0x4E0, s1  }
0xc: {  	s10 =	smov.u32 s12;
	s1 =	smul.u32 $0xA0, s1;
	s9 =	sshrl.u32 s7, $0x3  }
0xd: {  	s23 =	sshrl.u32 s0, $0x1;
	s8 =	sadd.s32 s7, s8;
	s9 =	sadd.s32 s9, s5  }
0xe: {  	s0 =	ssub.s32 s0, s23;
	s7 =	sadd.s32 s7, s3;
	s23 =	simm.s32 $0x3  }
0xf: {  	s6 =	sadd.s32 s6, s5;
	s11 =	sadd.s32 s1, s5;
	s8 =	sshrl.u32 s8, $0x3  }
0x10: {  	s24 =	sadd.s32 $0x18C00, s9;
	s1 =	sadd.s32 s12, s1;
	s13 =	smax.u32 s0, $0x1  }
0x11: {  	s0 =	simm.s32 $0xD400;
	s5 =	sadd.s32 s8, s5;
	[dreg:$0x4] =	wrdreg s24  }
0x12: {  	s25 =	sadd.s32 $0xC800, s6;
	[dreg:$0x6] =	wrdreg s1;
	s26 =	sadd.s32 $0x2C00, s6  }
0x13: {  	s11 =	sadd.s32 $0x16400, s11;
	s24 =	simm.s32 $0x8400;
	[dreg:$0x5] =	wrdreg s25  }
0x14: {  	s1 =	simm.s32 $0x7;
	s6 =	simm.s32 $0x0;
	[dreg:$0x7] =	wrdreg s26  }
0x15: {  	s12 =	sadd.s32 $0x25200, s5;
	s26 =	simm.s32 $0x9800;
	s25 =	simm.s32 $0x4  }
.LBB2_1:
0x16: {  	s5 =	rddreg [dreg:$0x4]  }
0x17: {  	[tilespmem:s14], [sflag:$0x9] =	stream.linear.gather [hbm4b:s5+s4], $0x62C0, $0x38;
	[tilespmem:$0x1C180] =	vst v63  }
0x18: {  	_ =	swait.ge [sflag:s15], $0x62C0  }
0x19: {  	[sflag:s15] =	ssyncset.done $0x0  }
0x1a: {  	[sflag:s15] =	ssyncadd.s32 $0xFFFF9D40  }
0x1b: {  	[spmem:s7] =	stream.linear.scatter [tilespmem:s14], [sflag:$0x9], $0x62C0, $0x38;
	[tilespmem:$0x1C180] =	vst v63  }
0x1c: {  	_ =	swait.ge [sflag:s15], $0x62C0  }
0x1d: {  	[sflag:s15] =	ssyncset.done $0x0  }
0x1e: {  	s8 =	rddreg [dreg:$0x5];
	[sflag:s15] =	ssyncadd.s32 $0xFFFF9D40  }
0x1f: {  	[tilespmem:s4], [sflag:$0x9] =	stream.linear.gather [hbm4b:s8+s4], $0x2700, $0x38;
	[tilespmem:$0x1C180] =	vst v63  }
0x20: {  	_ =	swait.ge [sflag:s15], $0x2700  }
0x21: {  	[sflag:s15] =	ssyncset.done $0x0  }
0x22: {  	s8 =	simm.s32 $0x2700;
	s9 =	rddreg [dreg:$0x6];
	[sflag:s15] =	ssyncadd.s32 $0xFFFFD900  }
0x23: {  	[tilespmem:s8], [sflag:$0x9] =	stream.linear.gather [hbm4b:s9+s4], $0x500, $0x38;
	[tilespmem:$0x1C180] =	vst v63  }
0x24: {  	_ =	swait.ge [sflag:s15], $0x500  }
0x25: {  	[sflag:s15] =	ssyncset.done $0x0  }
0x26: {  	s9 =	simm.s32 $0x2C00;
	[sflag:s15] =	ssyncadd.s32 $0xFFFFFB00  }
0x27: {  	[tilespmem:s9], [sflag:$0x9] =	stream.linear.gather [hbm4b:s10+s4], $0x400, $0x38;
	[tilespmem:$0x1C180] =	vst v63  }
0x28: {  	_ =	swait.ge [sflag:s15], $0x400  }
0x29: {  	[sflag:s15] =	ssyncset.done $0x0  }
0x2a: {  	s9 =	simm.s32 $0x3000;
	s8 =	rddreg [dreg:$0x7];
	[sflag:s15] =	ssyncadd.s32 $0xFFFFFC00  }
0x2b: {  	[tilespmem:s9], [sflag:$0x9] =	stream.linear.gather [hbm4b:s8+s4], $0x2700, $0x38;
	[tilespmem:$0x1C180] =	vst v63  }
0x2c: {  	_ =	swait.ge [sflag:s15], $0x2700  }
0x2d: {  	[sflag:s15] =	ssyncset.done $0x0  }
0x2e: {  	s8 =	simm.s32 $0x5700;
	[sflag:s15] =	ssyncadd.s32 $0xFFFFD900  }
0x2f: {  	[tilespmem:s8], [sflag:$0x9] =	stream.linear.gather [hbm4b:s11+s4], $0x500, $0x38;
	[tilespmem:$0x1C180] =	vst v63  }
0x30: {  	_ =	swait.ge [sflag:s15], $0x500  }
0x31: {  	[sflag:s15] =	ssyncset.done $0x0  }
0x32: {  	[sflag:s15] =	ssyncadd.s32 $0xFFFFFB00  }
0x33: {  	[bflag:$0x0] =	sbarrier.arrive $0xFFFF  }
0x34: {  	[tilespmem:s21], [sflag:$0x1] =	stream.indirect.gather [hbm4b:s2+s20], $0x28, s4, s20, $0xb8;
	[tilespmem:$0x1C180] =	vst v63  }
0x35: {  	_ = 	snop  }
0x36: {  	[tilespmem:s22], [sflag:$0x2] =	stream.indirect.gather [hbm4b:s2+s20], $0x28, s20, s20, $0xb8;
	[tilespmem:$0x1C180] =	vst v63  }
0x37: {  	s9 =	simm.s32 $0x100  }
0x38: {  	[tilespmem:s24], [sflag:$0x3] =	stream.indirect.gather [hbm4b:s2+s20], $0x28, s9, s20, $0xb8;
	[tilespmem:$0x1C180] =	vst v63  }
0x39: {  	s8 =	simm.s32 $0x180  }
0x3a: {  	[tilespmem:s26], [sflag:$0x4] =	stream.indirect.gather [hbm4b:s2+s20], $0x28, s8, s20, $0xb8;
	[tilespmem:$0x1C180] =	vst v63  }
0x3b: {  	s9 =	simm.s32 $0x200  }
0x3c: {  	[tilespmem:s29], [sflag:$0x5] =	stream.indirect.gather [hbm4b:s2+s20], $0x28, s9, s20, $0xb8;
	[tilespmem:$0x1C180] =	vst v63  }
0x3d: {  	s8 =	simm.s32 $0x280  }
0x3e: {  	[tilespmem:s31], [sflag:$0x6] =	stream.indirect.gather [hbm4b:s2+s20], $0x28, s8, s20, $0xb8;
	[tilespmem:$0x1C180] =	vst v63  }
0x3f: {  	s9 =	simm.s32 $0x300  }
0x40: {  	[tilespmem:s0], [sflag:$0x7] =	stream.indirect.gather [hbm4b:s2+s20], $0x28, s9, s20, $0xb8;
	[tilespmem:$0x1C180] =	vst v63  }
0x41: {  	s8 =	simm.s32 $0x380  }
0x42: {  	[tilespmem:s17], [sflag:$0x8] =	stream.indirect.gather [hbm4b:s2+s20], $0x28, s8, s20, $0xb8;
	[tilespmem:$0x1C180] =	vst v63  }
0x43: {  	_ =	swait.ge [sflag:s18], $0x1400  }
0x44: {  	[sflag:s18] =	ssyncset.done $0x0  }
0x45: {  	s9 =	simm.s32 $0x3000;
	[sflag:s18] =	ssyncadd.s32 $0xFFFFEC00  }
0x46: {  	[spmem:s3] =	stream.indirect.scatter.add.f32 [tilespmem:s21], [sflag:$0x9], $0x28, s9, s20, $0xb8;
	[tilespmem:$0x1C180] =	vst v63  }
0x47: {  	_ =	swait.ge [sflag:s15], $0x1400  }
0x48: {  	[sflag:s15] =	ssyncset.done $0x0  }
0x49: {  	s8 =	simm.s32 $0x400;
	[sflag:s15] =	ssyncadd.s32 $0xFFFFEC00  }
0x4a: {  	[tilespmem:s21], [sflag:$0x1] =	stream.indirect.gather [hbm4b:s2+s20], $0x28, s8, s20, $0xb8;
	[tilespmem:$0x1C180] =	vst v63  }
0x4b: {  	_ =	swait.ge [sflag:s19], $0x1400  }
0x4c: {  	[sflag:s19] =	ssyncset.done $0x0  }
0x4d: {  	s9 =	simm.s32 $0x3080;
	[sflag:s19] =	ssyncadd.s32 $0xFFFFEC00  }
0x4e: {  	[spmem:s3] =	stream.indirect.scatter.add.f32 [tilespmem:s22], [sflag:$0x9], $0x28, s9, s20, $0xb8;
	[tilespmem:$0x1C180] =	vst v63  }
0x4f: {  	_ =	swait.ge [sflag:s15], $0x1400  }
0x50: {  	[sflag:s15] =	ssyncset.done $0x0  }
0x51: {  	s8 =	simm.s32 $0x480;
	[sflag:s15] =	ssyncadd.s32 $0xFFFFEC00  }
0x52: {  	[tilespmem:s22], [sflag:$0x2] =	stream.indirect.gather [hbm4b:s2+s20], $0x28, s8, s20, $0xb8;
	[tilespmem:$0x1C180] =	vst v63  }
0x53: {  	_ =	swait.ge [sflag:s23], $0x1400  }
0x54: {  	[sflag:s23] =	ssyncset.done $0x0  }
0x55: {  	s9 =	simm.s32 $0x3100;
	[sflag:s23] =	ssyncadd.s32 $0xFFFFEC00  }
0x56: {  	[spmem:s3] =	stream.indirect.scatter.add.f32 [tilespmem:s24], [sflag:$0x9], $0x28, s9, s20, $0xb8;
	[tilespmem:$0x1C180] =	vst v63  }
0x57: {  	_ =	swait.ge [sflag:s15], $0x1400  }
0x58: {  	[sflag:s15] =	ssyncset.done $0x0  }
0x59: {  	s8 =	simm.s32 $0x500;
	[sflag:s15] =	ssyncadd.s32 $0xFFFFEC00  }
0x5a: {  	[tilespmem:s24], [sflag:$0x3] =	stream.indirect.gather [hbm4b:s2+s20], $0x28, s8, s20, $0xb8;
	[tilespmem:$0x1C180] =	vst v63  }
0x5b: {  	_ =	swait.ge [sflag:s25], $0x1400  }
0x5c: {  	[sflag:s25] =	ssyncset.done $0x0  }
0x5d: {  	s9 =	simm.s32 $0x3180;
	[sflag:s25] =	ssyncadd.s32 $0xFFFFEC00  }
0x5e: {  	[spmem:s3] =	stream.indirect.scatter.add.f32 [tilespmem:s26], [sflag:$0x9], $0x28, s9, s20, $0xb8;
	[tilespmem:$0x1C180] =	vst v63  }
0x5f: {  	_ =	swait.ge [sflag:s15], $0x1400  }
0x60: {  	[sflag:s15] =	ssyncset.done $0x0  }
0x61: {  	s8 =	simm.s32 $0x580;
	[sflag:s15] =	ssyncadd.s32 $0xFFFFEC00  }
0x62: {  	[tilespmem:s26], [sflag:$0x4] =	stream.indirect.gather [hbm4b:s2+s20], $0x28, s8, s20, $0xb8;
	[tilespmem:$0x1C180] =	vst v63  }
0x63: {  	_ =	swait.ge [sflag:s28], $0x1400  }
0x64: {  	[sflag:s28] =	ssyncset.done $0x0  }
0x65: {  	s9 =	simm.s32 $0x3200;
	[sflag:s28] =	ssyncadd.s32 $0xFFFFEC00  }
0x66: {  	[spmem:s3] =	stream.indirect.scatter.add.f32 [tilespmem:s29], [sflag:$0x9], $0x28, s9, s20, $0xb8;
	[tilespmem:$0x1C180] =	vst v63  }
0x67: {  	_ =	swait.ge [sflag:s15], $0x1400  }
0x68: {  	[sflag:s15] =	ssyncset.done $0x0  }
0x69: {  	s8 =	simm.s32 $0x600;
	[sflag:s15] =	ssyncadd.s32 $0xFFFFEC00  }
0x6a: {  	[tilespmem:s29], [sflag:$0x5] =	stream.indirect.gather [hbm4b:s2+s20], $0x28, s8, s20, $0xb8;
	[tilespmem:$0x1C180] =	vst v63  }
0x6b: {  	_ =	swait.ge [sflag:s30], $0x1400  }
0x6c: {  	[sflag:s30] =	ssyncset.done $0x0  }
0x6d: {  	s9 =	simm.s32 $0x3280;
	[sflag:s30] =	ssyncadd.s32 $0xFFFFEC00  }
0x6e: {  	[spmem:s3] =	stream.indirect.scatter.add.f32 [tilespmem:s31], [sflag:$0x9], $0x28, s9, s20, $0xb8;
	[tilespmem:$0x1C180] =	vst v63  }
0x6f: {  	_ =	swait.ge [sflag:s15], $0x1400  }
0x70: {  	[sflag:s15] =	ssyncset.done $0x0  }
0x71: {  	s8 =	simm.s32 $0x680;
	[sflag:s15] =	ssyncadd.s32 $0xFFFFEC00  }
0x72: {  	[tilespmem:s31], [sflag:$0x6] =	stream.indirect.gather [hbm4b:s2+s20], $0x28, s8, s20, $0xb8;
	[tilespmem:$0x1C180] =	vst v63  }
0x73: {  	_ =	swait.ge [sflag:s1], $0x1400  }
0x74: {  	[sflag:s1] =	ssyncset.done $0x0  }
0x75: {  	s9 =	simm.s32 $0x3300;
	[sflag:s1] =	ssyncadd.s32 $0xFFFFEC00  }
0x76: {  	[spmem:s3] =	stream.indirect.scatter.add.f32 [tilespmem:s0], [sflag:$0x9], $0x28, s9, s20, $0xb8;
	[tilespmem:$0x1C180] =	vst v63  }
0x77: {  	_ =	swait.ge [sflag:s15], $0x1400  }
0x78: {  	[sflag:s15] =	ssyncset.done $0x0  }
0x79: {  	s8 =	simm.s32 $0x700;
	[sflag:s15] =	ssyncadd.s32 $0xFFFFEC00  }
0x7a: {  	[tilespmem:s0], [sflag:$0x7] =	stream.indirect.gather [hbm4b:s2+s20], $0x28, s8, s20, $0xb8;
	[tilespmem:$0x1C180] =	vst v63  }
0x7b: {  	_ =	swait.ge [sflag:s16], $0x1400  }
0x7c: {  	[sflag:s16] =	ssyncset.done $0x0  }
0x7d: {  	s9 =	simm.s32 $0x3380;
	[sflag:s16] =	ssyncadd.s32 $0xFFFFEC00  }
0x7e: {  	[spmem:s3] =	stream.indirect.scatter.add.f32 [tilespmem:s17], [sflag:$0x9], $0x28, s9, s20, $0xb8;
	[tilespmem:$0x1C180] =	vst v63  }
0x7f: {  	_ =	swait.ge [sflag:s15], $0x1400  }
0x80: {  	[sflag:s15] =	ssyncset.done $0x0  }
0x81: {  	s5 =	simm.s32 $0x1000;
	s8 =	simm.s32 $0x780;
	[sflag:s15] =	ssyncadd.s32 $0xFFFFEC00  }
.LBB2_2:
0x82: {  	[tilespmem:s17], [sflag:$0x8] =	stream.indirect.gather [hbm4b:s2+s20], $0x28, s8, s20, $0xb8;
	[tilespmem:$0x1C180] =	vst v63  }
0x83: {  	s8 =	smov.u32 s5  }
0x84: {  	p0 =	sne.s32 s5, $0xA000;
	s5 =	sadd.s32 $0x1000, s5;
	_ =	swait.ge [sflag:s18], $0x1400  }
0x85: {  	s8 =	sshra.s32 s8, $0x2;
	[sflag:s18] =	ssyncset.done $0x0  }
0x86: {  	s9 =	sadd.s32 $0x3000, s8;
	[sflag:s18] =	ssyncadd.s32 $0xFFFFEC00  }
0x87: {  	[spmem:s3] =	stream.indirect.scatter.add.f32 [tilespmem:s21], [sflag:$0x9], $0x28, s9, s20, $0xb8;
	[tilespmem:$0x1C180] =	vst v63  }
0x88: {  	_ =	swait.ge [sflag:s15], $0x1400  }
0x89: {  	[sflag:s15] =	ssyncset.done $0x0  }
0x8a: {  	s9 =	sadd.s32 $0x400, s8;
	[sflag:s15] =	ssyncadd.s32 $0xFFFFEC00  }
0x8b: {  	[tilespmem:s21], [sflag:$0x1] =	stream.indirect.gather [hbm4b:s2+s20], $0x28, s9, s20, $0xb8;
	[tilespmem:$0x1C180] =	vst v63  }
0x8c: {  	_ =	swait.ge [sflag:s19], $0x1400  }
0x8d: {  	[sflag:s19] =	ssyncset.done $0x0  }
0x8e: {  	s9 =	sadd.s32 $0x3080, s8;
	[sflag:s19] =	ssyncadd.s32 $0xFFFFEC00  }
0x8f: {  	[spmem:s3] =	stream.indirect.scatter.add.f32 [tilespmem:s22], [sflag:$0x9], $0x28, s9, s20, $0xb8;
	[tilespmem:$0x1C180] =	vst v63  }
0x90: {  	_ =	swait.ge [sflag:s15], $0x1400  }
0x91: {  	[sflag:s15] =	ssyncset.done $0x0  }
0x92: {  	s9 =	sadd.s32 $0x480, s8;
	[sflag:s15] =	ssyncadd.s32 $0xFFFFEC00  }
0x93: {  	[tilespmem:s22], [sflag:$0x2] =	stream.indirect.gather [hbm4b:s2+s20], $0x28, s9, s20, $0xb8;
	[tilespmem:$0x1C180] =	vst v63  }
0x94: {  	_ =	swait.ge [sflag:s23], $0x1400  }
0x95: {  	[sflag:s23] =	ssyncset.done $0x0  }
0x96: {  	s9 =	sadd.s32 $0x3100, s8;
	[sflag:s23] =	ssyncadd.s32 $0xFFFFEC00  }
0x97: {  	[spmem:s3] =	stream.indirect.scatter.add.f32 [tilespmem:s24], [sflag:$0x9], $0x28, s9, s20, $0xb8;
	[tilespmem:$0x1C180] =	vst v63  }
0x98: {  	_ =	swait.ge [sflag:s15], $0x1400  }
0x99: {  	[sflag:s15] =	ssyncset.done $0x0  }
0x9a: {  	s9 =	sadd.s32 $0x500, s8;
	[sflag:s15] =	ssyncadd.s32 $0xFFFFEC00  }
0x9b: {  	[tilespmem:s24], [sflag:$0x3] =	stream.indirect.gather [hbm4b:s2+s20], $0x28, s9, s20, $0xb8;
	[tilespmem:$0x1C180] =	vst v63  }
0x9c: {  	_ =	swait.ge [sflag:s25], $0x1400  }
0x9d: {  	[sflag:s25] =	ssyncset.done $0x0  }
0x9e: {  	s9 =	sadd.s32 $0x3180, s8;
	[sflag:s25] =	ssyncadd.s32 $0xFFFFEC00  }
0x9f: {  	[spmem:s3] =	stream.indirect.scatter.add.f32 [tilespmem:s26], [sflag:$0x9], $0x28, s9, s20, $0xb8;
	[tilespmem:$0x1C180] =	vst v63  }
0xa0: {  	_ =	swait.ge [sflag:s15], $0x1400  }
0xa1: {  	[sflag:s15] =	ssyncset.done $0x0  }
0xa2: {  	s9 =	sadd.s32 $0x580, s8;
	[sflag:s15] =	ssyncadd.s32 $0xFFFFEC00  }
0xa3: {  	[tilespmem:s26], [sflag:$0x4] =	stream.indirect.gather [hbm4b:s2+s20], $0x28, s9, s20, $0xb8;
	[tilespmem:$0x1C180] =	vst v63  }
0xa4: {  	_ =	swait.ge [sflag:s28], $0x1400  }
0xa5: {  	[sflag:s28] =	ssyncset.done $0x0  }
0xa6: {  	s9 =	sadd.s32 $0x3200, s8;
	[sflag:s28] =	ssyncadd.s32 $0xFFFFEC00  }
0xa7: {  	[spmem:s3] =	stream.indirect.scatter.add.f32 [tilespmem:s29], [sflag:$0x9], $0x28, s9, s20, $0xb8;
	[tilespmem:$0x1C180] =	vst v63  }
0xa8: {  	_ =	swait.ge [sflag:s15], $0x1400  }
0xa9: {  	[sflag:s15] =	ssyncset.done $0x0  }
0xaa: {  	s9 =	sadd.s32 $0x600, s8;
	[sflag:s15] =	ssyncadd.s32 $0xFFFFEC00  }
0xab: {  	[tilespmem:s29], [sflag:$0x5] =	stream.indirect.gather [hbm4b:s2+s20], $0x28, s9, s20, $0xb8;
	[tilespmem:$0x1C180] =	vst v63  }
0xac: {  	_ =	swait.ge [sflag:s30], $0x1400  }
0xad: {  	[sflag:s30] =	ssyncset.done $0x0  }
0xae: {  	s9 =	sadd.s32 $0x3280, s8;
	[sflag:s30] =	ssyncadd.s32 $0xFFFFEC00  }
0xaf: {  	[spmem:s3] =	stream.indirect.scatter.add.f32 [tilespmem:s31], [sflag:$0x9], $0x28, s9, s20, $0xb8;
	[tilespmem:$0x1C180] =	vst v63  }
0xb0: {  	_ =	swait.ge [sflag:s15], $0x1400  }
0xb1: {  	[sflag:s15] =	ssyncset.done $0x0  }
0xb2: {  	s9 =	sadd.s32 $0x680, s8;
	[sflag:s15] =	ssyncadd.s32 $0xFFFFEC00  }
0xb3: {  	[tilespmem:s31], [sflag:$0x6] =	stream.indirect.gather [hbm4b:s2+s20], $0x28, s9, s20, $0xb8;
	[tilespmem:$0x1C180] =	vst v63  }
0xb4: {  	_ =	swait.ge [sflag:s1], $0x1400  }
0xb5: {  	[sflag:s1] =	ssyncset.done $0x0  }
0xb6: {  	s9 =	sadd.s32 $0x3300, s8;
	[sflag:s1] =	ssyncadd.s32 $0xFFFFEC00  }
0xb7: {  	[spmem:s3] =	stream.indirect.scatter.add.f32 [tilespmem:s0], [sflag:$0x9], $0x28, s9, s20, $0xb8;
	[tilespmem:$0x1C180] =	vst v63  }
0xb8: {  	_ =	swait.ge [sflag:s15], $0x1400  }
0xb9: {  	[sflag:s15] =	ssyncset.done $0x0  }
0xba: {  	s9 =	sadd.s32 $0x700, s8;
	[sflag:s15] =	ssyncadd.s32 $0xFFFFEC00  }
0xbb: {  	[tilespmem:s0], [sflag:$0x7] =	stream.indirect.gather [hbm4b:s2+s20], $0x28, s9, s20, $0xb8;
	[tilespmem:$0x1C180] =	vst v63  }
0xbc: {  	_ =	swait.ge [sflag:s16], $0x1400  }
0xbd: {  	[sflag:s16] =	ssyncset.done $0x0  }
.Ltmp0:
0xbe: {  	s9 =	sadd.s32 $0x3380, s8;
	[sflag:s16] =	ssyncadd.s32 $0xFFFFEC00;
	(pc) =	sbr.rel @p0 .LBB2_2-.Ltmp0, $4  }
0xbf: {  	[spmem:s3] =	stream.indirect.scatter.add.f32 [tilespmem:s17], [sflag:$0x9], $0x28, s9, s20, $0xb8;
	[tilespmem:$0x1C180] =	vst v63  }
0xc0: {  	_ =	swait.ge [sflag:s15], $0x1400  }
0xc1: {  	[sflag:s15] =	ssyncset.done $0x0  }
0xc2: {  	s8 =	sadd.s32 $0x780, s8;
	[sflag:s15] =	ssyncadd.s32 $0xFFFFEC00  }
0xc3: {  	[tilespmem:s17], [sflag:$0x8] =	stream.indirect.gather [hbm4b:s2+s20], $0x28, s8, s20, $0xb8;
	[tilespmem:$0x1C180] =	vst v63  }
0xc4: {  	_ =	swait.ge [sflag:s18], $0x1400  }
0xc5: {  	[sflag:s18] =	ssyncset.done $0x0  }
0xc6: {  	[sflag:s18] =	ssyncadd.s32 $0xFFFFEC00  }
0xc7: {  	_ =	swait.ge [sflag:s19], $0x1400  }
0xc8: {  	[sflag:s19] =	ssyncset.done $0x0  }
0xc9: {  	[sflag:s19] =	ssyncadd.s32 $0xFFFFEC00  }
0xca: {  	_ =	swait.ge [sflag:s23], $0x1400  }
0xcb: {  	[sflag:s23] =	ssyncset.done $0x0  }
0xcc: {  	[sflag:s23] =	ssyncadd.s32 $0xFFFFEC00  }
0xcd: {  	_ =	swait.ge [sflag:s25], $0x1400  }
0xce: {  	[sflag:s25] =	ssyncset.done $0x0  }
0xcf: {  	[sflag:s25] =	ssyncadd.s32 $0xFFFFEC00  }
0xd0: {  	_ =	swait.ge [sflag:s28], $0x1400  }
0xd1: {  	[sflag:s28] =	ssyncset.done $0x0  }
0xd2: {  	[sflag:s28] =	ssyncadd.s32 $0xFFFFEC00  }
0xd3: {  	_ =	swait.ge [sflag:s30], $0x1400  }
0xd4: {  	[sflag:s30] =	ssyncset.done $0x0  }
0xd5: {  	[sflag:s30] =	ssyncadd.s32 $0xFFFFEC00  }
0xd6: {  	_ =	swait.ge [sflag:s1], $0x1400  }
0xd7: {  	[sflag:s1] =	ssyncset.done $0x0  }
0xd8: {  	[sflag:s1] =	ssyncadd.s32 $0xFFFFEC00  }
0xd9: {  	_ =	swait.ge [sflag:s16], $0x1400  }
0xda: {  	[sflag:s16] =	ssyncset.done $0x0  }
0xdb: {  	[sflag:s16] =	ssyncadd.s32 $0xFFFFEC00  }
0xdc: {  	[bflag:$0x0] =	sbarrier.arrive $0xFFFF  }
0xdd: {  	[tilespmem:s14], [sflag:$0x9] =	stream.linear.gather [spmem:s7], $0x62C0, $0x38;
	[tilespmem:$0x1C180] =	vst v63  }
0xde: {  	s6 =	sadd.s32 $0x1, s6;
	_ =	swait.ge [sflag:s15], $0x62C0  }
0xdf: {  	p0 =	sne.s32 s6, s13;
	[sflag:s15] =	ssyncset.done $0x0  }
.Ltmp1:
0xe0: {  	[sflag:s15] =	ssyncadd.s32 $0xFFFF9D40;
	(pc) =	sbr.rel @p0 .LBB2_1-.Ltmp1, $4  }
0xe1: {  	[hbm4b:s12+s4] =	stream.linear.scatter [tilespmem:s14], [sflag:$0x9], $0x62C0, $0x38;
	[tilespmem:$0x1C180] =	vst v63  }
0xe2: {  	_ =	swait.ge [sflag:s15], $0x62C0  }
0xe3: {  	[sflag:s15] =	ssyncset.done $0x0  }
0xe4: {  	[sflag:s15] =	ssyncadd.s32 $0xFFFF9D40  }
0xe5: {  	_ =	sfence.sel $0x180000  }
0xe6: {  	[bflag:$0x0] =	sbarrier.arrive $0xFFFF  }
0xe7: {  	_ =	strace $0x9000004D  }
0xe8: {  	s0 =	stileid.u32;
	[bflag:$0x2] =	sbarrier.arrive $0xFFFF  }
0xe9: {  	p0 =	sne.s32 s0, $0x0;
	s0 =	rddreg [dreg:$0x3]  }
0xea: {  	s0 =	sadd.s32 @!p0 $0x100000, s0  }
0xeb: {  	[sflag:s0] =	ssyncadd.tile.s32 @!p0 $0x1;
	_ =	shalt  }
.Lfunc_end2:
_tile_overlayer_lowered:
.L_overlay_start_2:
0xec: {  	(tag) =	ssettag $0x2  }
0xed: {  	s0 =	rddreg [dreg:$0x0];
	s2 =	stileid.u32  }
0xee: {  	s1 =	rddreg [dreg:$0x1];
	p0 =	sne.s32 s2, $0x0  }
0xef: {  	s3 =	rddreg [dreg:$0x2];
	[bflag:$0x3] =	sbarrier.arrive $0xFFFF;
	s2 =	simm.s32 @!p0 $0x1C09  }
0xf0: {  	[timem:s3], [sflag:s2] =	dma.local @!p0 [hbm:s0], s1  }
0xf1: {  	s0 =	simm.s32 @!p0 $0x9  }
0xf2: {  	_ =	swait.ge @!p0 [sflag:s0], s1  }
0xf3: {  	s1 =	ssub.s32 @!p0 $0x0, s1;
	[sflag:s0] =	ssyncset.done @!p0 $0x0  }
0xf4: {  	[sflag:s0] =	ssyncadd.s32 @!p0 s1  }
0xf5: {  	[bflag:$0x3] =	sbarrier.arrive $0xFFFF  }
0xf6: {  	_ =	shalt  }

// kernel: kernel.8.cloned.1.call-start
scs
__scs_entry_jumppad:
0x0: {  	(pc) =	sbr.rel $0x88, $3  }
0x1: {  	(tag) =	ssettag $0x0;
	lr =	simm.s32 $0x1  }
0x2: {  	[smem:$0x3F9B] =	sst lr;
	_ =	strace $0xD0000000  }
0x3: {  	_ = 	snop  }
0x4: {  	_ = 	snop  }
0x5: {  	_ = 	snop  }
0x6: {  	_ = 	snop  }
0x7: {  	_ = 	snop  }
__scs_overlays_trampoline_lowered:
0x8: {  	[smem:$0x3FAA] =	sst s0  }
0x9: {  	[smem:$0x3FAB] =	sst s1  }
0xa: {  	[smem:$0x3FAC] =	sst s2  }
0xb: {  	[smem:$0x3FAD] =	sst s3  }
0xc: {  	[smem:$0x3FAE] =	sst s4  }
0xd: {  	[smem:$0x3FAF] =	sst s5  }
0xe: {  	[smem:$0x3FB0] =	sst s6  }
0xf: {  	[smem:$0x3FB1] =	sst s7  }
0x10: {  	[smem:$0x3FB2] =	sst s8  }
0x11: {  	[smem:$0x3FB3] =	sst s9;
	s0 =	simm.s32 @!p0 $0x0  }
0x12: {  	s1 =	sld [smem:$0x3F99];
	s0 =	simm.s32 @p0 $0x1  }
0x13: {  	[smem:$0x3FB4] =	sst s0;
	s0 =	simm.s32 @!p1 $0x0  }
0x14: {  	s2 =	sld [smem:$0x3F98];
	s0 =	simm.s32 @p1 $0x1  }
0x15: {  	[smem:$0x3FB5] =	sst s0;
	s0 =	simm.s32 @!p2 $0x0  }
0x16: {  	s3 =	sld [smem:$0x3FDB];
	s0 =	simm.s32 @p2 $0x1  }
0x17: {  	s4 =	simm.s32 $0x1BF5;
	[smem:$0x3FB7] =	sst s0  }
0x18: {  	s0 =	sld [smem:$0x3F9A];
	_ =	swait.ge [sflag:s4], $0x0  }
0x19: {  	s7 =	sld [smem:$0x3F9B]  }
0x1a: {  	s8 =	sadd.s32 $0xFFFFE003, lr  }
0x1b: {  	s9 =	sadd.s32 $0xFFFFFEF7, lr;
	s5 =	simm.s32 $0xFFFFFFFF;
	p2 =	slt.u32 s8, $0xFFFFF086  }
0x1c: {  	p1 =	slt.u32 s9, $0xF7A;
	s5 =	simm.s32 @!p2 $0x0  }
0x1d: {  	s5 =	simm.s32 @p1 $0x1;
	p0 =	seq.s32 s7, s2  }
0x1e: {  	s7 =	smul.u32 @!p0 $0xF7A, s2;
	p2 =	seq.s32 @!p0 s5, $0x0  }
0x1f: {  	s9 =	smul.u32 $0xF7A, s1;
	s8 =	simm.s32 @!p0 $0x1BF5;
	p2 =	por !p2, p0  }
0x20: {  	[sflag:s8] =	ssyncset.s32 @!p0 $0xFFFFF086;
	s6 =	sadd.s32 @!p0 s3, s7;
	s7 =	simm.s32 @!p0 $0x108  }
0x21: {  	s3 =	sadd.s32 s3, s9;
	s6 =	sadd.s32 @!p0 $0x88, s6;
	s7 =	simm.s32 @p2 $0x1082  }
0x22: {  	[simem:s7], [sflag:s8] =	dma.local @!p0 [hbm:s6], $0xF7A  }
0x23: {  	s9 =	sor.u32 $0xD0000000, s2;
	s6 =	simm.s32 $0x108;
	_ =	swait.ge @!p0 [sflag:s8], $0x0  }
0x24: {  	s3 =	sadd.s32 $0x88, s3;
	s6 =	simm.s32 @!p1 $0x1082;
	[sflag:s4] =	ssyncset.s32 $0xFFFFF086  }
0x25: {  	[simem:s6], [sflag:s4] =	dma.local [hbm:s3], $0xF7A  }
0x26: {  	[smem:$0x3F9B] =	sst s1;
	(tag) =	ssettag s2;
	_ =	strace s9  }
0x27: {  	s1 =	sld [smem:$0x3FAB]  }
0x28: {  	s2 =	sld [smem:$0x3FAC]  }
0x29: {  	s4 =	sld [smem:$0x3FAE]  }
0x2a: {  	p0 =	seq.s32 s5, $0x0;
	s5 =	sld [smem:$0x3FAF]  }
0x2b: {  	s6 =	sld [smem:$0x3FB0]  }
0x2c: {  	s7 =	sld [smem:$0x3FB1]  }
0x2d: {  	s3 =	simm.s32 $0x108;
	s8 =	sld [smem:$0x3FB2]  }
0x2e: {  	s3 =	simm.s32 @!p0 $0x1082;
	s9 =	sld [smem:$0x3FB3]  }
0x2f: {  	lr =	sadd.s32 s0, s3;
	s0 =	sld [smem:$0x3FAA]  }
0x30: {  	s3 =	sld [smem:$0x3FAD]  }
0x31: {  	[smem:$0x3FB6] =	sst s10  }
0x32: {  	s10 =	sld [smem:$0x3FB4];
	_ =	sdelay $0x3  }
0x33: {  	p0 =	seq.s32 s10, $0x1;
	s10 =	sld [smem:$0x3FB6];
	_ =	sdelay $0x3  }
0x34: {  	[smem:$0x3FB6] =	sst s10  }
0x35: {  	s10 =	sld [smem:$0x3FB5];
	_ =	sdelay $0x3  }
0x36: {  	p1 =	seq.s32 s10, $0x1;
	s10 =	sld [smem:$0x3FB6];
	_ =	sdelay $0x3  }
0x37: {  	[smem:$0x3FB6] =	sst s10  }
0x38: {  	s10 =	sld [smem:$0x3FB7]  }
0x39: {  	_ = 	snop;
	(pc) =	sbr.ind lr, $3  }
0x3a: {  	_ = 	snop  }
0x3b: {  	_ = 	snop  }
0x3c: {  	p2 =	seq.s32 s10, $0x1;
	s10 =	sld [smem:$0x3FB6]  }
0x3d: {  	_ =	shalt  }
0x3e: {  	_ =	shalt  }
0x3f: {  	_ =	shalt  }
0x40: {  	_ =	shalt  }
0x41: {  	_ =	shalt  }
0x42: {  	_ =	shalt  }
0x43: {  	_ =	shalt  }
0x44: {  	_ =	shalt  }
0x45: {  	_ =	shalt  }
0x46: {  	_ =	shalt  }
0x47: {  	_ =	shalt  }
0x48: {  	_ =	shalt  }
0x49: {  	_ =	shalt  }
0x4a: {  	_ =	shalt  }
0x4b: {  	_ =	shalt  }
0x4c: {  	_ =	shalt  }
0x4d: {  	_ =	shalt  }
0x4e: {  	_ =	shalt  }
0x4f: {  	_ =	shalt  }
0x50: {  	_ =	shalt  }
0x51: {  	_ =	shalt  }
0x52: {  	_ =	shalt  }
0x53: {  	_ =	shalt  }
0x54: {  	_ =	shalt  }
0x55: {  	_ =	shalt  }
0x56: {  	_ =	shalt  }
0x57: {  	_ =	shalt  }
0x58: {  	_ =	shalt  }
0x59: {  	_ =	shalt  }
0x5a: {  	_ =	shalt  }
0x5b: {  	_ =	shalt  }
0x5c: {  	_ =	shalt  }
0x5d: {  	_ =	shalt  }
0x5e: {  	_ =	shalt  }
0x5f: {  	_ =	shalt  }
0x60: {  	_ =	shalt  }
0x61: {  	_ =	shalt  }
0x62: {  	_ =	shalt  }
0x63: {  	_ =	shalt  }
0x64: {  	_ =	shalt  }
0x65: {  	_ =	shalt  }
0x66: {  	_ =	shalt  }
0x67: {  	_ =	shalt  }
0x68: {  	_ =	shalt  }
0x69: {  	_ =	shalt  }
0x6a: {  	_ =	shalt  }
0x6b: {  	_ =	shalt  }
0x6c: {  	_ =	shalt  }
0x6d: {  	_ =	shalt  }
0x6e: {  	_ =	shalt  }
0x6f: {  	_ =	shalt  }
0x70: {  	_ =	shalt  }
0x71: {  	_ =	shalt  }
0x72: {  	_ =	shalt  }
0x73: {  	_ =	shalt  }
0x74: {  	_ =	shalt  }
0x75: {  	_ =	shalt  }
0x76: {  	_ =	shalt  }
0x77: {  	_ =	shalt  }
0x78: {  	_ =	shalt  }
0x79: {  	_ =	shalt  }
0x7a: {  	_ =	shalt  }
0x7b: {  	_ =	shalt  }
0x7c: {  	_ =	shalt  }
0x7d: {  	_ =	shalt  }
0x7e: {  	_ =	shalt  }
0x7f: {  	_ =	shalt  }
0x80: {  	_ =	shalt  }
0x81: {  	_ =	shalt  }
0x82: {  	_ =	shalt  }
0x83: {  	_ =	shalt  }
0x84: {  	_ =	shalt  }
0x85: {  	_ =	shalt  }
0x86: {  	_ =	shalt  }
0x87: {  	_ =	shalt  }
.Lfunc_end0:
.L_simem_size_0:
called_computation_lowered:
.L_overlay_start_0:
0x88: {  	s2 =	sld [smem:$0x3FD9]  }
0x89: {  	s3 =	sld [smem:$0x3FFE];
	_ =	sdelay $0x1  }
0x8a: {  	s1 =	srdreg.scid  }
0x8b: {  	s0 =	sand.u32 $0x1, s1  }
0x8c: {  	s17 =	sshll.u32 s0, $0xA;
	s2 =	sadd.s32 s3, s2  }
0x8d: {  	s2 =	sadd.s32 s2, s17  }
0x8e: {  	[smem:$0x3FC2] =	sst s2  }
0x8f: {  	_ = 	snop  }
0x90: {  	s2 =	sld [smem:$0x3FD0];
	(tm) =	ssettm $0x1  }
0x91: {  	s18 =	sld [smem:$0x3FFB];
	_ =	sdelay $0x3  }
0x92: {  	_ =	strace s18  }
0x93: {  	s3 =	sld [smem:$0x3FFC];
	_ =	sdelay $0x3  }
0x94: {  	_ =	strace s3  }
0x95: {  	s3 =	sld [smem:$0x3FFD];
	_ =	sdelay $0x3  }
0x96: {  	_ =	strace s3  }
0x97: {  	_ =	strace $0x8FFFFFFF  }
0x98: {  	s19 =	sld [smem:$0x3FDB];
	_ =	sdelay $0x1  }
0x99: {  	s4 =	simm.s32 $_scs_section_size  }
0x9a: {  	s5 =	simm.s32 $_size__tile_overlayer_lowered;
	s6 =	simm.s32 $_tile_overlayer_lowered  }
0x9b: {  	s22 =	simm.s32 $0x1BFF;
	s21 =	sshll.u32 s6, $0x1;
	s3 =	sadd.s32 s4, s19  }
0x9c: {  	s7 =	simm.s32 $0x0;
	s20 =	sshll.u32 s5, $0x1;
	s5 =	sadd.s32 s21, s3  }
0x9d: {  	[timem:s7], [sflag:s22] =	dma.local [hbm:s5], s20  }
0x9e: {  	_ =	swait.ge [sflag:s22], s20  }
0x9f: {  	s4 =	ssub.s32 $0x0, s20;
	[sflag:s22] =	ssyncset.done $0x0  }
0xa0: {  	[sflag:s22] =	ssyncadd.s32 s4;
	_ =	sdelay $0x1  }
0xa1: {  	s23 =	simm.s32 $0x1B8B  }
0xa2: {  	_ =	swait.ge [sflag:s23], $0x1  }
0xa3: {  	[sflag:s23] =	ssyncset.done $0x0  }
0xa4: {  	s25 =	simm.s32 $0x1B8E;
	s24 =	sld [smem:$0x3FFE];
	[sflag:s23] =	ssyncadd.s32 $0xFFFFFFFF  }
0xa5: {  	s26 =	simm.s32 $execute0_lowered;
	[smem:$0x3FD2] =	sst s25  }
0xa6: {  	s5 =	sshll.u32 s26, $0x1;
	_ =	strace $0x80000046;
	[dreg:$0x1] =	wrdreg $0xFFFFFFFF  }
0xa7: {  	s28 =	simm.s32 $_size_execute0_lowered;
	s3 =	sadd.s32 s3, s5;
	[dreg:$0x0] =	wrdreg $0x0  }
0xa8: {  	s5 =	sshll.u32 s28, $0x1;
	[dreg:$0x2] =	wrdreg s3  }
0xa9: {  	[dreg:$0x3] =	wrdreg s5  }
0xaa: {  	[dreg:$0x4] =	wrdreg $0xC0  }
0xab: {  	_ =	task [dreg:s7], $0x5FFFF  }
0xac: {  	[dreg:$0x1] =	wrdreg $0xFFFFFFFF  }
0xad: {  	[dreg:$0x0] =	wrdreg $0x60  }
0xae: {  	[dreg:$0x2] =	wrdreg s24  }
0xaf: {  	[dreg:$0x3] =	wrdreg s2  }
0xb0: {  	[dreg:$0x4] =	wrdreg $0x2EF80  }
0xb1: {  	[dreg:$0x5] =	wrdreg $0x9  }
0xb2: {  	_ =	task.clear_ibuf [dreg:s7], $0x6FFFF;
	_ =	strace $0x90000046  }
0xb3: {  	s29 =	simm.s32 $0x9;
	_ =	strace $0x80000048  }
0xb4: {  	_ =	swait.ge [sflag:s29], $0x1  }
0xb5: {  	[sflag:s29] =	ssyncadd.s32 $0xFFFFFFFF  }
0xb6: {  	_ =	strace $0x90000048  }
0xb7: {  	_ =	sfence  }
0xb8: {  	s30 =	sld [smem:$0x0];
	_ =	sdelay $0x2  }
0xb9: {  	s31 =	sshll.u32 s1, $0xD;
	s1 =	sshrl.u32 s1, $0x2  }
0xba: {  	s3 =	sand.u32 $0x4000, s31;
	s1 =	sadd.s32 s1, s30  }
0xbb: {  	s0 =	sor.u32 s3, s0;
	s1 =	sshll.u32 s1, $0x11  }
0xbc: {  	s0 =	sor.u32 s1, s0  }
0xbd: {  	s0 =	sadd.s32 $0x8F2B, s0  }
0xbe: {  	[sflag:s0] =	ssyncadd.remote.s32 $0x1  }
0xbf: {  	_ =	sfence.sel $0xFFFF  }
0xc0: {  	[dreg:$0x0] =	wrdreg $0xFFFFFFFF;
	(pc) =	sbr.abs _section_cstart, $3  }
0xc1: {  	[dreg:$0x1] =	wrdreg $0xFFFFFFFF  }
0xc2: {  	_ =	task.clear_ibuf [dreg:s7], $0x2FFFF;
	_ =	strace $0x9FFFFFFF  }
0xc3: {  	(tm) =	ssettm $0x7FFFFFFF  }
tec
execute0_lowered:
.L_overlay_start_1:
0x0: {  	(tag) =	ssettag $0x1  }
0x1: {  	s5 =	rddreg [dreg:$0x0]  }
0x2: {  	s1 =	srdreg.scid;
	s9 =	rddreg [dreg:$0x1]  }
0x3: {  	s0 =	stileid.u32;
	s2 =	rddreg [dreg:$0x2]  }
0x4: {  	s3 =	simm.s32 $0x0;
	s13 =	simm.s32 $0x2C00;
	s14 =	simm.s32 $0x2700  }
0x5: {  	s15 =	simm.s32 $0x80;
	s16 =	simm.s32 $0x0;
	s4 =	sand.u32 $0x1, s1  }
0x6: {  	s29 =	sshll.u32 s0, $0x1;
	s1 =	rddreg [dreg:$0x3];
	s8 =	smul.u32 $0x278, s0  }
0x7: {  	[smem:$0x7FF] =	sst s3;
	s6 =	sor.u32 s4, s29;
	s12 =	smul.u32 $0x2780, s4  }
0x8: {  	_ =	strace $0x80000047;
	s11 =	ssub.s32 $0x2, s4;
	s7 =	smul.u32 $0x4E0, s6  }
0x9: {  	s4 =	sadd.s32 $0x19200, s5;
	s6 =	smul.u32 $0xA0, s6;
	s31 =	sshrl.u32 s11, $0x1  }
0xa: {  	s30 =	sshrl.u32 s8, $0x3;
	s11 =	ssub.s32 s11, s31;
	s12 =	sadd.s32 s8, s12  }
0xb: {  	s7 =	sadd.s32 s7, s5;
	s10 =	sadd.s32 s6, s5;
	s5 =	sadd.s32 s30, s5  }
0xc: {  	s6 =	sadd.s32 s8, s2;
	s12 =	sshrl.u32 s12, $0x3;
	s5 =	sadd.s32 $0x18C00, s5  }
0xd: {  	s7 =	sadd.s32 $0xC800, s7;
	s8 =	sadd.s32 $0x17800, s10;
	s9 =	sadd.s32 s9, s12  }
0xe: {  	s10 =	smax.u32 s11, $0x1;
	s11 =	simm.s32 $0x2C80;
	s12 =	simm.s32 $0x1  }
.LBB2_1:
0xf: {  	[tilespmem:s11], [sflag:$0x1] =	stream.linear.gather [hbm4b:s5+s3], $0x278, $0x38;
	[tilespmem:$0x3170] =	vst v63  }
0x10: {  	_ =	swait.ge [sflag:s12], $0x278  }
0x11: {  	[sflag:s12] =	ssyncset.done $0x0  }
0x12: {  	[sflag:s12] =	ssyncadd.s32 $0xFFFFFD88  }
0x13: {  	[spmem:s6] =	stream.linear.scatter [tilespmem:s11], [sflag:$0x1], $0x278, $0x38;
	[tilespmem:$0x3170] =	vst v63  }
0x14: {  	_ =	swait.ge [sflag:s12], $0x278  }
0x15: {  	[sflag:s12] =	ssyncset.done $0x0  }
0x16: {  	[sflag:s12] =	ssyncadd.s32 $0xFFFFFD88  }
0x17: {  	[tilespmem:s13], [sflag:$0x1] =	stream.linear.gather [hbm4b:s4+s3], $0x80, $0x38;
	[tilespmem:$0x3170] =	vst v63  }
0x18: {  	_ =	swait.ge [sflag:s12], $0x80  }
0x19: {  	[sflag:s12] =	ssyncset.done $0x0  }
0x1a: {  	[sflag:s12] =	ssyncadd.s32 $0xFFFFFF80  }
0x1b: {  	[tilespmem:s3], [sflag:$0x1] =	stream.linear.gather [hbm4b:s7+s3], $0x2700, $0x38;
	[tilespmem:$0x3170] =	vst v63  }
0x1c: {  	_ =	swait.ge [sflag:s12], $0x2700  }
0x1d: {  	[sflag:s12] =	ssyncset.done $0x0  }
0x1e: {  	[sflag:s12] =	ssyncadd.s32 $0xFFFFD900  }
0x1f: {  	[tilespmem:s14], [sflag:$0x1] =	stream.linear.gather [hbm4b:s8+s3], $0x500, $0x38;
	[tilespmem:$0x3170] =	vst v63  }
0x20: {  	_ =	swait.ge [sflag:s12], $0x500  }
0x21: {  	[sflag:s12] =	ssyncset.done $0x0  }
0x22: {  	[sflag:s12] =	ssyncadd.s32 $0xFFFFFB00  }
0x23: {  	s17 =	simm.s32 $0x0;
	[bflag:$0x0] =	sbarrier.arrive $0xFFFF  }
0x24: {  	[spmem:s2] =	stream.indirect.scatter.add.f32 [tilespmem:s13], [sflag:$0x1], $0x1, s17, s15, $0xb8;
	[tilespmem:$0x3170] =	vst v63  }
0x25: {  	_ =	swait.ge [sflag:s12], $0x80  }
0x26: {  	s17 =	simm.s32 $0x200;
	[sflag:s12] =	ssyncset.done $0x0  }
.LBB2_2:
0x27: {  	s18 =	sshra.s32 s17, $0x2;
	[sflag:s12] =	ssyncadd.s32 $0xFFFFFF80;
	p0 =	sne.s32 s17, $0xAE00  }
0x28: {  	[spmem:s2] =	stream.indirect.scatter.add.f32 [tilespmem:s13], [sflag:$0x1], $0x1, s18, s15, $0xb8;
	[tilespmem:$0x3170] =	vst v63  }
.Ltmp0:
0x29: {  	_ = 	snop;
	(pc) =	sbr.rel @p0 .LBB2_2-.Ltmp0, $4  }
0x2a: {  	_ = 	snop  }
0x2b: {  	s17 =	sadd.s32 $0x200, s17  }
0x2c: {  	_ =	swait.ge [sflag:s12], $0x80  }
0x2d: {  	[sflag:s12] =	ssyncset.done $0x0  }
0x2e: {  	[sflag:s12] =	ssyncadd.s32 $0xFFFFFF80  }
0x2f: {  	[bflag:$0x0] =	sbarrier.arrive $0xFFFF  }
0x30: {  	[tilespmem:s11], [sflag:$0x1] =	stream.linear.gather [spmem:s6], $0x278, $0x38;
	[tilespmem:$0x3170] =	vst v63  }
0x31: {  	s16 =	sadd.s32 $0x1, s16;
	_ =	swait.ge [sflag:s12], $0x278  }
0x32: {  	p0 =	sne.s32 s16, s10;
	[sflag:s12] =	ssyncset.done $0x0  }
.Ltmp1:
0x33: {  	[sflag:s12] =	ssyncadd.s32 $0xFFFFFD88;
	(pc) =	sbr.rel @p0 .LBB2_1-.Ltmp1, $4  }
0x34: {  	[hbm4b:s9+s3] =	stream.linear.scatter [tilespmem:s11], [sflag:$0x1], $0x278, $0x38;
	[tilespmem:$0x3170] =	vst v63  }
0x35: {  	_ =	swait.ge [sflag:s12], $0x278  }
0x36: {  	[sflag:s12] =	ssyncset.done $0x0  }
0x37: {  	[sflag:s12] =	ssyncadd.s32 $0xFFFFFD88  }
0x38: {  	_ =	sfence.sel $0x180000  }
0x39: {  	[bflag:$0x0] =	sbarrier.arrive $0xFFFF  }
0x3a: {  	p0 =	sne.s32 s0, $0x0;
	_ =	strace $0x90000047  }
0x3b: {  	s0 =	sadd.s32 @!p0 $0x100000, s1;
	[bflag:$0x2] =	sbarrier.arrive $0xFFFF  }
0x3c: {  	[sflag:s0] =	ssyncadd.tile.s32 @!p0 $0x1;
	_ =	shalt  }
.Lfunc_end2:
_tile_overlayer_lowered:
.L_overlay_start_2:
0x3d: {  	(tag) =	ssettag $0x2  }
0x3e: {  	s0 =	rddreg [dreg:$0x0];
	s2 =	stileid.u32  }
0x3f: {  	s1 =	rddreg [dreg:$0x1];
	p0 =	sne.s32 s2, $0x0  }
0x40: {  	s3 =	rddreg [dreg:$0x2];
	[bflag:$0x3] =	sbarrier.arrive $0xFFFF;
	s2 =	simm.s32 @!p0 $0x1C01  }
0x41: {  	[timem:s3], [sflag:s2] =	dma.local @!p0 [hbm:s0], s1  }
0x42: {  	s0 =	simm.s32 @!p0 $0x1  }
0x43: {  	_ =	swait.ge @!p0 [sflag:s0], s1  }
0x44: {  	s1 =	ssub.s32 @!p0 $0x0, s1;
	[sflag:s0] =	ssyncset.done @!p0 $0x0  }
0x45: {  	[sflag:s0] =	ssyncadd.s32 @!p0 s1  }
0x46: {  	[bflag:$0x3] =	sbarrier.arrive $0xFFFF  }
0x47: {  	_ =	shalt  }

</sc_bundles>
